<compile_context>
chip_gen: v7x
topology: tpu7x:2x2x1
jax: 0.10.2.dev20260603
libtpu: 0.0.44.dev20260713+nightly
codegen_flags: <defaults>
</compile_context>

<pallas_src>
import functools

import jax
import jax.numpy as jnp
from jax import lax
from jax.experimental import pallas as pl
from jax.experimental.pallas import tpu as pltpu
from jax.experimental.pallas import tpu_sc as plsc

_V = 1000000
_D = 32
_B = 16384
_K = 16
_R = 24


def _gather_call(NC, NS):
    NW = NC * NS
    b_per_w = _B // NW
    n_chunks = b_per_w // _K
    mesh = plsc.VectorSubcoreMesh(core_axis_name="c", subcore_axis_name="s")

    @functools.partial(
        pl.kernel,
        mesh=mesh,
        compiler_params=pltpu.CompilerParams(
            use_tc_tiling_on_sc=True, needs_layout_passes=False
        ),
        out_type=jax.ShapeDtypeStruct((_D, _B), jnp.float32),
        scratch_types=[
            pltpu.VMEM((b_per_w + 2 * _K,), jnp.int32),
            pltpu.VMEM((_R, _D, 128), jnp.float32),
            pltpu.VMEM((_D, b_per_w), jnp.float32),
            pltpu.SemaphoreType.DMA((_R,)),
        ],
    )
    def gather_kernel(ids_hbm, tableT_hbm, outT_hbm,
                      idx_v, ring, dst_v, sems):
        wid = lax.axis_index("s") * NC + lax.axis_index("c")
        base = wid * b_per_w

        pltpu.sync_copy(ids_hbm.at[pl.ds(base, b_per_w)],
                        idx_v.at[pl.ds(0, b_per_w)])

        def fetch(i, slot):
            c128 = pl.multiple_of((i >> 7) * 128, 128)
            pltpu.make_async_copy(
                tableT_hbm.at[:, pl.ds(c128, 128)],
                ring.at[slot],
                sems.at[slot],
            ).start()

        first0 = idx_v[pl.ds(0, _K)]
        first1 = idx_v[pl.ds(_K, _K)]
        for b in range(_R - 1):
            fetch(first0[b] if b < _K else first1[b - _K], b)

        d0 = lax.iota(jnp.int32, 16)
        d1 = d0 + 16

        def step(ch, carry):
            cur = idx_v[pl.ds(ch * _K, _K)]
            nxt1 = idx_v[pl.ds((ch + 1) * _K, _K)]
            nxt2 = idx_v[pl.ds((ch + 2) * _K, _K)]
            jbase = ch * _K
            for lane in range(_K):
                j = jbase + lane
                slot = lax.rem(j, _R)
                nid = (nxt1[lane + 7] if lane <= 8 else nxt2[lane - 9])

                @pl.when(j + _R - 1 < b_per_w)
                def _():
                    fetch(nid, lax.rem(j + _R - 1, _R))

                pltpu.make_async_copy(
                    tableT_hbm.at[:, pl.ds(0, 128)],
                    ring.at[slot],
                    sems.at[slot],
                ).wait()
                c = jnp.broadcast_to(cur[lane] & 127, (16,))
                jv = jnp.broadcast_to(j, (16,))
                v0 = plsc.load_gather(ring.at[slot], [d0, c])
                v1 = plsc.load_gather(ring.at[slot], [d1, c])
                plsc.store_scatter(dst_v, [d0, jv], v0)
                plsc.store_scatter(dst_v, [d1, jv], v1)

            return carry

        lax.fori_loop(0, n_chunks, step, 0)
        pltpu.sync_copy(dst_v, outT_hbm.at[:, pl.ds(base, b_per_w)])

    return gather_kernel


def kernel(ids, table):
    assert table.shape == (_V, _D) and ids.shape == (_B,)
    info = plsc.get_sparse_core_info()
    outT = _gather_call(info.num_cores, info.num_subcores)(ids, table.T)
    return outT.T

# --- scband reference (transcript-rebuilt; emitter-appended) ---
"""Pipeline reference for scband-hash-table-78683800863401 (READ-ONLY COPY).

The authoritative reference and input builder live on the scoring server;
editing this copy changes nothing except your own understanding.
"""

import jax, jax.numpy as jnp
import numpy as np

VOCAB = 1000000
EMB_DIM = 32
BATCH = 16384

def setup_inputs(seed: int = 0) -> dict:
    key = jax.random.key(seed)
    k_ids, k_tab = jax.random.split(key)
    ids = jax.random.randint(k_ids, (BATCH,), 0, VOCAB, dtype=jnp.int64 if jax.config.jax_enable_x64 else jnp.int32)
    ids = ids.astype(jnp.int32)
    table = jax.random.normal(k_tab, (VOCAB, EMB_DIM), dtype=jnp.float32) * 0.01
    return {"ids": ids, "table": table}

def reference(ids, table):
    # Faithful to HashTable.embedding_lookup + gather:
    # 1) deduplicate incoming feature ids (hashtable stores one row per unique id)
    # 2) lookup embeddings for unique ids (the hashtable's dense storage blocks)
    # 3) gather back to per-example order via the reverse index
    n = ids.shape[0]
    uniq, inv = jnp.unique(ids, return_inverse=True, size=n, fill_value=0)
    inv = inv.reshape((-1,))
    emb_unique = jnp.take(table, uniq, axis=0)          # hashtable.embedding_lookup
    out = jnp.take(emb_unique, inv, axis=0)             # torch.ops.recis.gather(index, embedding)
    return out

if __name__ == "__main__":
    import jax
    _d = setup_inputs()
    print(jax.jit(kernel)(*tuple(_d.values())))

</pallas_src>

<mosaic_0001>
#map = affine_map<(d0, d1) -> (0)>
#map1 = affine_map<(d0, d1) -> (0, 0)>
module attributes {stable_mosaic.version = 14 : i64} {
  func.func @gather_kernel(%arg0: i32, %arg1: i32, %arg2: memref<16384xi32, #tpu.memory_space<hbm>>, %arg3: memref<32x1000000xf32, #tpu.memory_space<hbm>>, %arg4: memref<32x16384xf32, #tpu.memory_space<hbm>>, %arg5: memref<544xi32, #tpu.memory_space<vmem>>, %arg6: memref<24x32x128xf32, #tpu.memory_space<vmem>>, %arg7: memref<32x512xf32, #tpu.memory_space<vmem>>, %arg8: memref<24x!tpu.dma_semaphore, #tpu.memory_space<semaphore_mem>>) attributes {dimension_semantics = [#tpu.dimension_semantics<core_parallel>, #tpu.dimension_semantics<subcore_parallel>], iteration_bounds = array<i64: 2, 16>, scalar_prefetch = 0 : i64, scratch_operands = 4 : i64, tpu.core_type = #tpu.core_type<sc_vector_subcore>, window_params = [{transform_indices = #map}, {transform_indices = #map1}, {transform_indices = #map1}]} {
    %mul3A = arith.constant 2 : i32
    %mul3A_0 = arith.muli %arg1, %mul3A : i32
    %add3A = arith.addi %mul3A_0, %arg0 : i32
    %mul3A_1 = arith.constant 512 : i32
    %mul3A_2 = arith.muli %add3A, %mul3A_1 : i32
    "tpu.region"() ({
      %run_scoped3A = tpu.sem_alloc : memref<!tpu.dma_semaphore, #tpu.memory_space<semaphore_mem>>
      %dma_start3A_538 = arith.constant 0 : i32
      %dma_start3A_539 = tpu.memref_slice %arg5[%dma_start3A_538] : memref<544xi32, #tpu.memory_space<vmem>> -> memref<512xi32, #tpu.memory_space<vmem>>
      %dma_start3A_540 = tpu.memref_slice %arg2[%mul3A_2] : memref<16384xi32, #tpu.memory_space<hbm>> -> memref<512xi32, #tpu.memory_space<hbm>>
      %dma_start3A_541 = arith.constant 0 : i32
      %dma_start3A_542 = tpu.memref_slice %arg5[%dma_start3A_541] : memref<544xi32, #tpu.memory_space<vmem>> -> memref<512xi32, #tpu.memory_space<vmem>>
      %dma_start3A_543 = tpu.memref_slice %arg2[%mul3A_2] : memref<16384xi32, #tpu.memory_space<hbm>> -> memref<512xi32, #tpu.memory_space<hbm>>
      tpu.enqueue_dma source(%dma_start3A_543 : memref<512xi32, #tpu.memory_space<hbm>>) target(%dma_start3A_542 : memref<512xi32, #tpu.memory_space<vmem>>) target_semaphore(%run_scoped3A : memref<!tpu.dma_semaphore, #tpu.memory_space<semaphore_mem>>)
      %dma_wait3A = arith.constant 0 : i32
      %dma_wait3A_544 = tpu.memref_slice %arg5[%dma_wait3A] : memref<544xi32, #tpu.memory_space<vmem>> -> memref<512xi32, #tpu.memory_space<vmem>>
      %dma_wait3A_545 = tpu.memref_slice %arg2[%mul3A_2] : memref<16384xi32, #tpu.memory_space<hbm>> -> memref<512xi32, #tpu.memory_space<hbm>>
      %dma_wait3A_546 = arith.constant 0 : i32
      %dma_wait3A_547 = tpu.memref_slice %arg5[%dma_wait3A_546] : memref<544xi32, #tpu.memory_space<vmem>> -> memref<512xi32, #tpu.memory_space<vmem>>
      %dma_wait3A_548 = tpu.memref_slice %arg2[%mul3A_2] : memref<16384xi32, #tpu.memory_space<hbm>> -> memref<512xi32, #tpu.memory_space<hbm>>
      tpu.wait_dma2 semaphore(%run_scoped3A : memref<!tpu.dma_semaphore, #tpu.memory_space<semaphore_mem>>) src(%dma_wait3A_548 : memref<512xi32, #tpu.memory_space<hbm>>) dst(%dma_wait3A_547 : memref<512xi32, #tpu.memory_space<vmem>>)
      tpu.yield
    }) : () -> ()
    %get3A = arith.constant 0 : index
    %get3A_3 = tpu.vector_load %arg5[%get3A] {strides = array<i32>} : memref<544xi32, #tpu.memory_space<vmem>>, vector<16xi32>,
    %get3A_4 = arith.constant 16 : index
    %get3A_5 = tpu.vector_load %arg5[%get3A_4] {strides = array<i32>} : memref<544xi32, #tpu.memory_space<vmem>>, vector<16xi32>,
    %slice3A = vector.extract_strided_slice %get3A_3 {offsets = [0], sizes = [1], strides = [1]} : vector<16xi32> to vector<1xi32>
    %squeeze3A = vector.extract %slice3A[0] : i32 from vector<1xi32>
    %shift_right_arithmetic3A = arith.constant 7 : i32
    %shift_right_arithmetic3A_6 = arith.shrsi %squeeze3A, %shift_right_arithmetic3A : i32
    %mul3A_7 = arith.constant 128 : i32
    %mul3A_8 = arith.muli %shift_right_arithmetic3A_6, %mul3A_7 : i32
    %multiple_of3A = tpu.assume_multiple %mul3A_8, 128 : i32
    %dma_start3A = arith.constant 0 : i32
    %dma_start3A_9 = arith.constant 0 : i32
    %dma_start3A_10 = arith.constant 0 : i32
    %dma_start3A_11 = arith.constant 0 : i32
    %dma_start3A_12 = tpu.memref_slice %arg6[%dma_start3A, %dma_start3A_10, %dma_start3A_11] : memref<24x32x128xf32, #tpu.memory_space<vmem>> -> memref<1x32x128xf32, #tpu.memory_space<vmem>>
    %dma_start3A_13 = tpu.memref_squeeze %dma_start3A_12 : memref<1x32x128xf32, #tpu.memory_space<vmem>> -> memref<32x128xf32, #tpu.memory_space<vmem>>
    %dma_start3A_14 = arith.constant 0 : i32
    %dma_start3A_15 = tpu.memref_slice %arg3[%dma_start3A_14, %multiple_of3A] : memref<32x1000000xf32, #tpu.memory_space<hbm>> -> memref<32x128xf32, #tpu.memory_space<hbm>>
    %dma_start3A_16 = tpu.memref_slice %arg8[%dma_start3A_9] : memref<24x!tpu.dma_semaphore, #tpu.memory_space<semaphore_mem>> -> memref<1x!tpu.dma_semaphore, #tpu.memory_space<semaphore_mem>>
    %dma_start3A_17 = tpu.memref_squeeze %dma_start3A_16 : memref<1x!tpu.dma_semaphore, #tpu.memory_space<semaphore_mem>> -> memref<!tpu.dma_semaphore, #tpu.memory_space<semaphore_mem>>
    %dma_start3A_18 = arith.constant 0 : i32
    %dma_start3A_19 = arith.constant 0 : i32
    %dma_start3A_20 = tpu.memref_slice %arg6[%dma_start3A, %dma_start3A_18, %dma_start3A_19] : memref<24x32x128xf32, #tpu.memory_space<vmem>> -> memref<1x32x128xf32, #tpu.memory_space<vmem>>
    %dma_start3A_21 = tpu.memref_squeeze %dma_start3A_20 : memref<1x32x128xf32, #tpu.memory_space<vmem>> -> memref<32x128xf32, #tpu.memory_space<vmem>>
    %dma_start3A_22 = arith.constant 0 : i32
    %dma_start3A_23 = tpu.memref_slice %arg3[%dma_start3A_22, %multiple_of3A] : memref<32x1000000xf32, #tpu.memory_space<hbm>> -> memref<32x128xf32, #tpu.memory_space<hbm>>
    tpu.enqueue_dma source(%dma_start3A_23 : memref<32x128xf32, #tpu.memory_space<hbm>>) target(%dma_start3A_21 : memref<32x128xf32, #tpu.memory_space<vmem>>) target_semaphore(%dma_start3A_17 : memref<!tpu.dma_semaphore, #tpu.memory_space<semaphore_mem>>)
    %slice3A_24 = vector.extract_strided_slice %get3A_3 {offsets = [1], sizes = [1], strides = [1]} : vector<16xi32> to vector<1xi32>
    %squeeze3A_25 = vector.extract %slice3A_24[0] : i32 from vector<1xi32>
    %shift_right_arithmetic3A_26 = arith.constant 7 : i32
    %shift_right_arithmetic3A_27 = arith.shrsi %squeeze3A_25, %shift_right_arithmetic3A_26 : i32
    %mul3A_28 = arith.constant 128 : i32
    %mul3A_29 = arith.muli %shift_right_arithmetic3A_27, %mul3A_28 : i32
    %multiple_of3A_30 = tpu.assume_multiple %mul3A_29, 128 : i32
    %dma_start3A_31 = arith.constant 1 : i32
    %dma_start3A_32 = arith.constant 1 : i32
    %dma_start3A_33 = arith.constant 0 : i32
    %dma_start3A_34 = arith.constant 0 : i32
    %dma_start3A_35 = tpu.memref_slice %arg6[%dma_start3A_31, %dma_start3A_33, %dma_start3A_34] : memref<24x32x128xf32, #tpu.memory_space<vmem>> -> memref<1x32x128xf32, #tpu.memory_space<vmem>>
    %dma_start3A_36 = tpu.memref_squeeze %dma_start3A_35 : memref<1x32x128xf32, #tpu.memory_space<vmem>> -> memref<32x128xf32, #tpu.memory_space<vmem>>
    %dma_start3A_37 = arith.constant 0 : i32
    %dma_start3A_38 = tpu.memref_slice %arg3[%dma_start3A_37, %multiple_of3A_30] : memref<32x1000000xf32, #tpu.memory_space<hbm>> -> memref<32x128xf32, #tpu.memory_space<hbm>>
    %dma_start3A_39 = tpu.memref_slice %arg8[%dma_start3A_32] : memref<24x!tpu.dma_semaphore, #tpu.memory_space<semaphore_mem>> -> memref<1x!tpu.dma_semaphore, #tpu.memory_space<semaphore_mem>>
    %dma_start3A_40 = tpu.memref_squeeze %dma_start3A_39 : memref<1x!tpu.dma_semaphore, #tpu.memory_space<semaphore_mem>> -> memref<!tpu.dma_semaphore, #tpu.memory_space<semaphore_mem>>
    %dma_start3A_41 = arith.constant 0 : i32
    %dma_start3A_42 = arith.constant 0 : i32
    %dma_start3A_43 = tpu.memref_slice %arg6[%dma_start3A_31, %dma_start3A_41, %dma_start3A_42] : memref<24x32x128xf32, #tpu.memory_space<vmem>> -> memref<1x32x128xf32, #tpu.memory_space<vmem>>
    %dma_start3A_44 = tpu.memref_squeeze %dma_start3A_43 : memref<1x32x128xf32, #tpu.memory_space<vmem>> -> memref<32x128xf32, #tpu.memory_space<vmem>>
    %dma_start3A_45 = arith.constant 0 : i32
    %dma_start3A_46 = tpu.memref_slice %arg3[%dma_start3A_45, %multiple_of3A_30] : memref<32x1000000xf32, #tpu.memory_space<hbm>> -> memref<32x128xf32, #tpu.memory_space<hbm>>
    tpu.enqueue_dma source(%dma_start3A_46 : memref<32x128xf32, #tpu.memory_space<hbm>>) target(%dma_start3A_44 : memref<32x128xf32, #tpu.memory_space<vmem>>) target_semaphore(%dma_start3A_40 : memref<!tpu.dma_semaphore, #tpu.memory_space<semaphore_mem>>)
    %slice3A_47 = vector.extract_strided_slice %get3A_3 {offsets = [2], sizes = [1], strides = [1]} : vector<16xi32> to vector<1xi32>
    %squeeze3A_48 = vector.extract %slice3A_47[0] : i32 from vector<1xi32>
    %shift_right_arithmetic3A_49 = arith.constant 7 : i32
    %shift_right_arithmetic3A_50 = arith.shrsi %squeeze3A_48, %shift_right_arithmetic3A_49 : i32
    %mul3A_51 = arith.constant 128 : i32
    %mul3A_52 = arith.muli %shift_right_arithmetic3A_50, %mul3A_51 : i32
    %multiple_of3A_53 = tpu.assume_multiple %mul3A_52, 128 : i32
    %dma_start3A_54 = arith.constant 2 : i32
    %dma_start3A_55 = arith.constant 2 : i32
    %dma_start3A_56 = arith.constant 0 : i32
    %dma_start3A_57 = arith.constant 0 : i32
    %dma_start3A_58 = tpu.memref_slice %arg6[%dma_start3A_54, %dma_start3A_56, %dma_start3A_57] : memref<24x32x128xf32, #tpu.memory_space<vmem>> -> memref<1x32x128xf32, #tpu.memory_space<vmem>>
    %dma_start3A_59 = tpu.memref_squeeze %dma_start3A_58 : memref<1x32x128xf32, #tpu.memory_space<vmem>> -> memref<32x128xf32, #tpu.memory_space<vmem>>
    %dma_start3A_60 = arith.constant 0 : i32
    %dma_start3A_61 = tpu.memref_slice %arg3[%dma_start3A_60, %multiple_of3A_53] : memref<32x1000000xf32, #tpu.memory_space<hbm>> -> memref<32x128xf32, #tpu.memory_space<hbm>>
    %dma_start3A_62 = tpu.memref_slice %arg8[%dma_start3A_55] : memref<24x!tpu.dma_semaphore, #tpu.memory_space<semaphore_mem>> -> memref<1x!tpu.dma_semaphore, #tpu.memory_space<semaphore_mem>>
    %dma_start3A_63 = tpu.memref_squeeze %dma_start3A_62 : memref<1x!tpu.dma_semaphore, #tpu.memory_space<semaphore_mem>> -> memref<!tpu.dma_semaphore, #tpu.memory_space<semaphore_mem>>
    %dma_start3A_64 = arith.constant 0 : i32
    %dma_start3A_65 = arith.constant 0 : i32
    %dma_start3A_66 = tpu.memref_slice %arg6[%dma_start3A_54, %dma_start3A_64, %dma_start3A_65] : memref<24x32x128xf32, #tpu.memory_space<vmem>> -> memref<1x32x128xf32, #tpu.memory_space<vmem>>
    %dma_start3A_67 = tpu.memref_squeeze %dma_start3A_66 : memref<1x32x128xf32, #tpu.memory_space<vmem>> -> memref<32x128xf32, #tpu.memory_space<vmem>>
    %dma_start3A_68 = arith.constant 0 : i32
    %dma_start3A_69 = tpu.memref_slice %arg3[%dma_start3A_68, %multiple_of3A_53] : memref<32x1000000xf32, #tpu.memory_space<hbm>> -> memref<32x128xf32, #tpu.memory_space<hbm>>
    tpu.enqueue_dma source(%dma_start3A_69 : memref<32x128xf32, #tpu.memory_space<hbm>>) target(%dma_start3A_67 : memref<32x128xf32, #tpu.memory_space<vmem>>) target_semaphore(%dma_start3A_63 : memref<!tpu.dma_semaphore, #tpu.memory_space<semaphore_mem>>)
    %slice3A_70 = vector.extract_strided_slice %get3A_3 {offsets = [3], sizes = [1], strides = [1]} : vector<16xi32> to vector<1xi32>
    %squeeze3A_71 = vector.extract %slice3A_70[0] : i32 from vector<1xi32>
    %shift_right_arithmetic3A_72 = arith.constant 7 : i32
    %shift_right_arithmetic3A_73 = arith.shrsi %squeeze3A_71, %shift_right_arithmetic3A_72 : i32
    %mul3A_74 = arith.constant 128 : i32
    %mul3A_75 = arith.muli %shift_right_arithmetic3A_73, %mul3A_74 : i32
    %multiple_of3A_76 = tpu.assume_multiple %mul3A_75, 128 : i32
    %dma_start3A_77 = arith.constant 3 : i32
    %dma_start3A_78 = arith.constant 3 : i32
    %dma_start3A_79 = arith.constant 0 : i32
    %dma_start3A_80 = arith.constant 0 : i32
    %dma_start3A_81 = tpu.memref_slice %arg6[%dma_start3A_77, %dma_start3A_79, %dma_start3A_80] : memref<24x32x128xf32, #tpu.memory_space<vmem>> -> memref<1x32x128xf32, #tpu.memory_space<vmem>>
    %dma_start3A_82 = tpu.memref_squeeze %dma_start3A_81 : memref<1x32x128xf32, #tpu.memory_space<vmem>> -> memref<32x128xf32, #tpu.memory_space<vmem>>
    %dma_start3A_83 = arith.constant 0 : i32
    %dma_start3A_84 = tpu.memref_slice %arg3[%dma_start3A_83, %multiple_of3A_76] : memref<32x1000000xf32, #tpu.memory_space<hbm>> -> memref<32x128xf32, #tpu.memory_space<hbm>>
    %dma_start3A_85 = tpu.memref_slice %arg8[%dma_start3A_78] : memref<24x!tpu.dma_semaphore, #tpu.memory_space<semaphore_mem>> -> memref<1x!tpu.dma_semaphore, #tpu.memory_space<semaphore_mem>>
    %dma_start3A_86 = tpu.memref_squeeze %dma_start3A_85 : memref<1x!tpu.dma_semaphore, #tpu.memory_space<semaphore_mem>> -> memref<!tpu.dma_semaphore, #tpu.memory_space<semaphore_mem>>
    %dma_start3A_87 = arith.constant 0 : i32
    %dma_start3A_88 = arith.constant 0 : i32
    %dma_start3A_89 = tpu.memref_slice %arg6[%dma_start3A_77, %dma_start3A_87, %dma_start3A_88] : memref<24x32x128xf32, #tpu.memory_space<vmem>> -> memref<1x32x128xf32, #tpu.memory_space<vmem>>
    %dma_start3A_90 = tpu.memref_squeeze %dma_start3A_89 : memref<1x32x128xf32, #tpu.memory_space<vmem>> -> memref<32x128xf32, #tpu.memory_space<vmem>>
    %dma_start3A_91 = arith.constant 0 : i32
    %dma_start3A_92 = tpu.memref_slice %arg3[%dma_start3A_91, %multiple_of3A_76] : memref<32x1000000xf32, #tpu.memory_space<hbm>> -> memref<32x128xf32, #tpu.memory_space<hbm>>
    tpu.enqueue_dma source(%dma_start3A_92 : memref<32x128xf32, #tpu.memory_space<hbm>>) target(%dma_start3A_90 : memref<32x128xf32, #tpu.memory_space<vmem>>) target_semaphore(%dma_start3A_86 : memref<!tpu.dma_semaphore, #tpu.memory_space<semaphore_mem>>)
    %slice3A_93 = vector.extract_strided_slice %get3A_3 {offsets = [4], sizes = [1], strides = [1]} : vector<16xi32> to vector<1xi32>
    %squeeze3A_94 = vector.extract %slice3A_93[0] : i32 from vector<1xi32>
    %shift_right_arithmetic3A_95 = arith.constant 7 : i32
    %shift_right_arithmetic3A_96 = arith.shrsi %squeeze3A_94, %shift_right_arithmetic3A_95 : i32
    %mul3A_97 = arith.constant 128 : i32
    %mul3A_98 = arith.muli %shift_right_arithmetic3A_96, %mul3A_97 : i32
    %multiple_of3A_99 = tpu.assume_multiple %mul3A_98, 128 : i32
    %dma_start3A_100 = arith.constant 4 : i32
    %dma_start3A_101 = arith.constant 4 : i32
    %dma_start3A_102 = arith.constant 0 : i32
    %dma_start3A_103 = arith.constant 0 : i32
    %dma_start3A_104 = tpu.memref_slice %arg6[%dma_start3A_100, %dma_start3A_102, %dma_start3A_103] : memref<24x32x128xf32, #tpu.memory_space<vmem>> -> memref<1x32x128xf32, #tpu.memory_space<vmem>>
    %dma_start3A_105 = tpu.memref_squeeze %dma_start3A_104 : memref<1x32x128xf32, #tpu.memory_space<vmem>> -> memref<32x128xf32, #tpu.memory_space<vmem>>
    %dma_start3A_106 = arith.constant 0 : i32
    %dma_start3A_107 = tpu.memref_slice %arg3[%dma_start3A_106, %multiple_of3A_99] : memref<32x1000000xf32, #tpu.memory_space<hbm>> -> memref<32x128xf32, #tpu.memory_space<hbm>>
    %dma_start3A_108 = tpu.memref_slice %arg8[%dma_start3A_101] : memref<24x!tpu.dma_semaphore, #tpu.memory_space<semaphore_mem>> -> memref<1x!tpu.dma_semaphore, #tpu.memory_space<semaphore_mem>>
    %dma_start3A_109 = tpu.memref_squeeze %dma_start3A_108 : memref<1x!tpu.dma_semaphore, #tpu.memory_space<semaphore_mem>> -> memref<!tpu.dma_semaphore, #tpu.memory_space<semaphore_mem>>
    %dma_start3A_110 = arith.constant 0 : i32
    %dma_start3A_111 = arith.constant 0 : i32
    %dma_start3A_112 = tpu.memref_slice %arg6[%dma_start3A_100, %dma_start3A_110, %dma_start3A_111] : memref<24x32x128xf32, #tpu.memory_space<vmem>> -> memref<1x32x128xf32, #tpu.memory_space<vmem>>
    %dma_start3A_113 = tpu.memref_squeeze %dma_start3A_112 : memref<1x32x128xf32, #tpu.memory_space<vmem>> -> memref<32x128xf32, #tpu.memory_space<vmem>>
    %dma_start3A_114 = arith.constant 0 : i32
    %dma_start3A_115 = tpu.memref_slice %arg3[%dma_start3A_114, %multiple_of3A_99] : memref<32x1000000xf32, #tpu.memory_space<hbm>> -> memref<32x128xf32, #tpu.memory_space<hbm>>
    tpu.enqueue_dma source(%dma_start3A_115 : memref<32x128xf32, #tpu.memory_space<hbm>>) target(%dma_start3A_113 : memref<32x128xf32, #tpu.memory_space<vmem>>) target_semaphore(%dma_start3A_109 : memref<!tpu.dma_semaphore, #tpu.memory_space<semaphore_mem>>)
    %slice3A_116 = vector.extract_strided_slice %get3A_3 {offsets = [5], sizes = [1], strides = [1]} : vector<16xi32> to vector<1xi32>
    %squeeze3A_117 = vector.extract %slice3A_116[0] : i32 from vector<1xi32>
    %shift_right_arithmetic3A_118 = arith.constant 7 : i32
    %shift_right_arithmetic3A_119 = arith.shrsi %squeeze3A_117, %shift_right_arithmetic3A_118 : i32
    %mul3A_120 = arith.constant 128 : i32
    %mul3A_121 = arith.muli %shift_right_arithmetic3A_119, %mul3A_120 : i32
    %multiple_of3A_122 = tpu.assume_multiple %mul3A_121, 128 : i32
    %dma_start3A_123 = arith.constant 5 : i32
    %dma_start3A_124 = arith.constant 5 : i32
    %dma_start3A_125 = arith.constant 0 : i32
    %dma_start3A_126 = arith.constant 0 : i32
    %dma_start3A_127 = tpu.memref_slice %arg6[%dma_start3A_123, %dma_start3A_125, %dma_start3A_126] : memref<24x32x128xf32, #tpu.memory_space<vmem>> -> memref<1x32x128xf32, #tpu.memory_space<vmem>>
    %dma_start3A_128 = tpu.memref_squeeze %dma_start3A_127 : memref<1x32x128xf32, #tpu.memory_space<vmem>> -> memref<32x128xf32, #tpu.memory_space<vmem>>
    %dma_start3A_129 = arith.constant 0 : i32
    %dma_start3A_130 = tpu.memref_slice %arg3[%dma_start3A_129, %multiple_of3A_122] : memref<32x1000000xf32, #tpu.memory_space<hbm>> -> memref<32x128xf32, #tpu.memory_space<hbm>>
    %dma_start3A_131 = tpu.memref_slice %arg8[%dma_start3A_124] : memref<24x!tpu.dma_semaphore, #tpu.memory_space<semaphore_mem>> -> memref<1x!tpu.dma_semaphore, #tpu.memory_space<semaphore_mem>>
    %dma_start3A_132 = tpu.memref_squeeze %dma_start3A_131 : memref<1x!tpu.dma_semaphore, #tpu.memory_space<semaphore_mem>> -> memref<!tpu.dma_semaphore, #tpu.memory_space<semaphore_mem>>
    %dma_start3A_133 = arith.constant 0 : i32
    %dma_start3A_134 = arith.constant 0 : i32
    %dma_start3A_135 = tpu.memref_slice %arg6[%dma_start3A_123, %dma_start3A_133, %dma_start3A_134] : memref<24x32x128xf32, #tpu.memory_space<vmem>> -> memref<1x32x128xf32, #tpu.memory_space<vmem>>
    %dma_start3A_136 = tpu.memref_squeeze %dma_start3A_135 : memref<1x32x128xf32, #tpu.memory_space<vmem>> -> memref<32x128xf32, #tpu.memory_space<vmem>>
    %dma_start3A_137 = arith.constant 0 : i32
    %dma_start3A_138 = tpu.memref_slice %arg3[%dma_start3A_137, %multiple_of3A_122] : memref<32x1000000xf32, #tpu.memory_space<hbm>> -> memref<32x128xf32, #tpu.memory_space<hbm>>
    tpu.enqueue_dma source(%dma_start3A_138 : memref<32x128xf32, #tpu.memory_space<hbm>>) target(%dma_start3A_136 : memref<32x128xf32, #tpu.memory_space<vmem>>) target_semaphore(%dma_start3A_132 : memref<!tpu.dma_semaphore, #tpu.memory_space<semaphore_mem>>)
    %slice3A_139 = vector.extract_strided_slice %get3A_3 {offsets = [6], sizes = [1], strides = [1]} : vector<16xi32> to vector<1xi32>
    %squeeze3A_140 = vector.extract %slice3A_139[0] : i32 from vector<1xi32>
    %shift_right_arithmetic3A_141 = arith.constant 7 : i32
    %shift_right_arithmetic3A_142 = arith.shrsi %squeeze3A_140, %shift_right_arithmetic3A_141 : i32
    %mul3A_143 = arith.constant 128 : i32
    %mul3A_144 = arith.muli %shift_right_arithmetic3A_142, %mul3A_143 : i32
    %multiple_of3A_145 = tpu.assume_multiple %mul3A_144, 128 : i32
    %dma_start3A_146 = arith.constant 6 : i32
    %dma_start3A_147 = arith.constant 6 : i32
    %dma_start3A_148 = arith.constant 0 : i32
    %dma_start3A_149 = arith.constant 0 : i32
    %dma_start3A_150 = tpu.memref_slice %arg6[%dma_start3A_146, %dma_start3A_148, %dma_start3A_149] : memref<24x32x128xf32, #tpu.memory_space<vmem>> -> memref<1x32x128xf32, #tpu.memory_space<vmem>>
    %dma_start3A_151 = tpu.memref_squeeze %dma_start3A_150 : memref<1x32x128xf32, #tpu.memory_space<vmem>> -> memref<32x128xf32, #tpu.memory_space<vmem>>
    %dma_start3A_152 = arith.constant 0 : i32
    %dma_start3A_153 = tpu.memref_slice %arg3[%dma_start3A_152, %multiple_of3A_145] : memref<32x1000000xf32, #tpu.memory_space<hbm>> -> memref<32x128xf32, #tpu.memory_space<hbm>>
    %dma_start3A_154 = tpu.memref_slice %arg8[%dma_start3A_147] : memref<24x!tpu.dma_semaphore, #tpu.memory_space<semaphore_mem>> -> memref<1x!tpu.dma_semaphore, #tpu.memory_space<semaphore_mem>>
    %dma_start3A_155 = tpu.memref_squeeze %dma_start3A_154 : memref<1x!tpu.dma_semaphore, #tpu.memory_space<semaphore_mem>> -> memref<!tpu.dma_semaphore, #tpu.memory_space<semaphore_mem>>
    %dma_start3A_156 = arith.constant 0 : i32
    %dma_start3A_157 = arith.constant 0 : i32
    %dma_start3A_158 = tpu.memref_slice %arg6[%dma_start3A_146, %dma_start3A_156, %dma_start3A_157] : memref<24x32x128xf32, #tpu.memory_space<vmem>> -> memref<1x32x128xf32, #tpu.memory_space<vmem>>
    %dma_start3A_159 = tpu.memref_squeeze %dma_start3A_158 : memref<1x32x128xf32, #tpu.memory_space<vmem>> -> memref<32x128xf32, #tpu.memory_space<vmem>>
    %dma_start3A_160 = arith.constant 0 : i32
    %dma_start3A_161 = tpu.memref_slice %arg3[%dma_start3A_160, %multiple_of3A_145] : memref<32x1000000xf32, #tpu.memory_space<hbm>> -> memref<32x128xf32, #tpu.memory_space<hbm>>
    tpu.enqueue_dma source(%dma_start3A_161 : memref<32x128xf32, #tpu.memory_space<hbm>>) target(%dma_start3A_159 : memref<32x128xf32, #tpu.memory_space<vmem>>) target_semaphore(%dma_start3A_155 : memref<!tpu.dma_semaphore, #tpu.memory_space<semaphore_mem>>)
    %slice3A_162 = vector.extract_strided_slice %get3A_3 {offsets = [7], sizes = [1], strides = [1]} : vector<16xi32> to vector<1xi32>
    %squeeze3A_163 = vector.extract %slice3A_162[0] : i32 from vector<1xi32>
    %shift_right_arithmetic3A_164 = arith.constant 7 : i32
    %shift_right_arithmetic3A_165 = arith.shrsi %squeeze3A_163, %shift_right_arithmetic3A_164 : i32
    %mul3A_166 = arith.constant 128 : i32
    %mul3A_167 = arith.muli %shift_right_arithmetic3A_165, %mul3A_166 : i32
    %multiple_of3A_168 = tpu.assume_multiple %mul3A_167, 128 : i32
    %dma_start3A_169 = arith.constant 7 : i32
    %dma_start3A_170 = arith.constant 7 : i32
    %dma_start3A_171 = arith.constant 0 : i32
    %dma_start3A_172 = arith.constant 0 : i32
    %dma_start3A_173 = tpu.memref_slice %arg6[%dma_start3A_169, %dma_start3A_171, %dma_start3A_172] : memref<24x32x128xf32, #tpu.memory_space<vmem>> -> memref<1x32x128xf32, #tpu.memory_space<vmem>>
    %dma_start3A_174 = tpu.memref_squeeze %dma_start3A_173 : memref<1x32x128xf32, #tpu.memory_space<vmem>> -> memref<32x128xf32, #tpu.memory_space<vmem>>
    %dma_start3A_175 = arith.constant 0 : i32
    %dma_start3A_176 = tpu.memref_slice %arg3[%dma_start3A_175, %multiple_of3A_168] : memref<32x1000000xf32, #tpu.memory_space<hbm>> -> memref<32x128xf32, #tpu.memory_space<hbm>>
    %dma_start3A_177 = tpu.memref_slice %arg8[%dma_start3A_170] : memref<24x!tpu.dma_semaphore, #tpu.memory_space<semaphore_mem>> -> memref<1x!tpu.dma_semaphore, #tpu.memory_space<semaphore_mem>>
    %dma_start3A_178 = tpu.memref_squeeze %dma_start3A_177 : memref<1x!tpu.dma_semaphore, #tpu.memory_space<semaphore_mem>> -> memref<!tpu.dma_semaphore, #tpu.memory_space<semaphore_mem>>
    %dma_start3A_179 = arith.constant 0 : i32
    %dma_start3A_180 = arith.constant 0 : i32
    %dma_start3A_181 = tpu.memref_slice %arg6[%dma_start3A_169, %dma_start3A_179, %dma_start3A_180] : memref<24x32x128xf32, #tpu.memory_space<vmem>> -> memref<1x32x128xf32, #tpu.memory_space<vmem>>
    %dma_start3A_182 = tpu.memref_squeeze %dma_start3A_181 : memref<1x32x128xf32, #tpu.memory_space<vmem>> -> memref<32x128xf32, #tpu.memory_space<vmem>>
    %dma_start3A_183 = arith.constant 0 : i32
    %dma_start3A_184 = tpu.memref_slice %arg3[%dma_start3A_183, %multiple_of3A_168] : memref<32x1000000xf32, #tpu.memory_space<hbm>> -> memref<32x128xf32, #tpu.memory_space<hbm>>
    tpu.enqueue_dma source(%dma_start3A_184 : memref<32x128xf32, #tpu.memory_space<hbm>>) target(%dma_start3A_182 : memref<32x128xf32, #tpu.memory_space<vmem>>) target_semaphore(%dma_start3A_178 : memref<!tpu.dma_semaphore, #tpu.memory_space<semaphore_mem>>)
    %slice3A_185 = vector.extract_strided_slice %get3A_3 {offsets = [8], sizes = [1], strides = [1]} : vector<16xi32> to vector<1xi32>
    %squeeze3A_186 = vector.extract %slice3A_185[0] : i32 from vector<1xi32>
    %shift_right_arithmetic3A_187 = arith.constant 7 : i32
    %shift_right_arithmetic3A_188 = arith.shrsi %squeeze3A_186, %shift_right_arithmetic3A_187 : i32
    %mul3A_189 = arith.constant 128 : i32
    %mul3A_190 = arith.muli %shift_right_arithmetic3A_188, %mul3A_189 : i32
    %multiple_of3A_191 = tpu.assume_multiple %mul3A_190, 128 : i32
    %dma_start3A_192 = arith.constant 8 : i32
    %dma_start3A_193 = arith.constant 8 : i32
    %dma_start3A_194 = arith.constant 0 : i32
    %dma_start3A_195 = arith.constant 0 : i32
    %dma_start3A_196 = tpu.memref_slice %arg6[%dma_start3A_192, %dma_start3A_194, %dma_start3A_195] : memref<24x32x128xf32, #tpu.memory_space<vmem>> -> memref<1x32x128xf32, #tpu.memory_space<vmem>>
    %dma_start3A_197 = tpu.memref_squeeze %dma_start3A_196 : memref<1x32x128xf32, #tpu.memory_space<vmem>> -> memref<32x128xf32, #tpu.memory_space<vmem>>
    %dma_start3A_198 = arith.constant 0 : i32
    %dma_start3A_199 = tpu.memref_slice %arg3[%dma_start3A_198, %multiple_of3A_191] : memref<32x1000000xf32, #tpu.memory_space<hbm>> -> memref<32x128xf32, #tpu.memory_space<hbm>>
    %dma_start3A_200 = tpu.memref_slice %arg8[%dma_start3A_193] : memref<24x!tpu.dma_semaphore, #tpu.memory_space<semaphore_mem>> -> memref<1x!tpu.dma_semaphore, #tpu.memory_space<semaphore_mem>>
    %dma_start3A_201 = tpu.memref_squeeze %dma_start3A_200 : memref<1x!tpu.dma_semaphore, #tpu.memory_space<semaphore_mem>> -> memref<!tpu.dma_semaphore, #tpu.memory_space<semaphore_mem>>
    %dma_start3A_202 = arith.constant 0 : i32
    %dma_start3A_203 = arith.constant 0 : i32
    %dma_start3A_204 = tpu.memref_slice %arg6[%dma_start3A_192, %dma_start3A_202, %dma_start3A_203] : memref<24x32x128xf32, #tpu.memory_space<vmem>> -> memref<1x32x128xf32, #tpu.memory_space<vmem>>
    %dma_start3A_205 = tpu.memref_squeeze %dma_start3A_204 : memref<1x32x128xf32, #tpu.memory_space<vmem>> -> memref<32x128xf32, #tpu.memory_space<vmem>>
    %dma_start3A_206 = arith.constant 0 : i32
    %dma_start3A_207 = tpu.memref_slice %arg3[%dma_start3A_206, %multiple_of3A_191] : memref<32x1000000xf32, #tpu.memory_space<hbm>> -> memref<32x128xf32, #tpu.memory_space<hbm>>
    tpu.enqueue_dma source(%dma_start3A_207 : memref<32x128xf32, #tpu.memory_space<hbm>>) target(%dma_start3A_205 : memref<32x128xf32, #tpu.memory_space<vmem>>) target_semaphore(%dma_start3A_201 : memref<!tpu.dma_semaphore, #tpu.memory_space<semaphore_mem>>)
    %slice3A_208 = vector.extract_strided_slice %get3A_3 {offsets = [9], sizes = [1], strides = [1]} : vector<16xi32> to vector<1xi32>
    %squeeze3A_209 = vector.extract %slice3A_208[0] : i32 from vector<1xi32>
    %shift_right_arithmetic3A_210 = arith.constant 7 : i32
    %shift_right_arithmetic3A_211 = arith.shrsi %squeeze3A_209, %shift_right_arithmetic3A_210 : i32
    %mul3A_212 = arith.constant 128 : i32
    %mul3A_213 = arith.muli %shift_right_arithmetic3A_211, %mul3A_212 : i32
    %multiple_of3A_214 = tpu.assume_multiple %mul3A_213, 128 : i32
    %dma_start3A_215 = arith.constant 9 : i32
    %dma_start3A_216 = arith.constant 9 : i32
    %dma_start3A_217 = arith.constant 0 : i32
    %dma_start3A_218 = arith.constant 0 : i32
    %dma_start3A_219 = tpu.memref_slice %arg6[%dma_start3A_215, %dma_start3A_217, %dma_start3A_218] : memref<24x32x128xf32, #tpu.memory_space<vmem>> -> memref<1x32x128xf32, #tpu.memory_space<vmem>>
    %dma_start3A_220 = tpu.memref_squeeze %dma_start3A_219 : memref<1x32x128xf32, #tpu.memory_space<vmem>> -> memref<32x128xf32, #tpu.memory_space<vmem>>
    %dma_start3A_221 = arith.constant 0 : i32
    %dma_start3A_222 = tpu.memref_slice %arg3[%dma_start3A_221, %multiple_of3A_214] : memref<32x1000000xf32, #tpu.memory_space<hbm>> -> memref<32x128xf32, #tpu.memory_space<hbm>>
    %dma_start3A_223 = tpu.memref_slice %arg8[%dma_start3A_216] : memref<24x!tpu.dma_semaphore, #tpu.memory_space<semaphore_mem>> -> memref<1x!tpu.dma_semaphore, #tpu.memory_space<semaphore_mem>>
    %dma_start3A_224 = tpu.memref_squeeze %dma_start3A_223 : memref<1x!tpu.dma_semaphore, #tpu.memory_space<semaphore_mem>> -> memref<!tpu.dma_semaphore, #tpu.memory_space<semaphore_mem>>
    %dma_start3A_225 = arith.constant 0 : i32
    %dma_start3A_226 = arith.constant 0 : i32
    %dma_start3A_227 = tpu.memref_slice %arg6[%dma_start3A_215, %dma_start3A_225, %dma_start3A_226] : memref<24x32x128xf32, #tpu.memory_space<vmem>> -> memref<1x32x128xf32, #tpu.memory_space<vmem>>
    %dma_start3A_228 = tpu.memref_squeeze %dma_start3A_227 : memref<1x32x128xf32, #tpu.memory_space<vmem>> -> memref<32x128xf32, #tpu.memory_space<vmem>>
    %dma_start3A_229 = arith.constant 0 : i32
    %dma_start3A_230 = tpu.memref_slice %arg3[%dma_start3A_229, %multiple_of3A_214] : memref<32x1000000xf32, #tpu.memory_space<hbm>> -> memref<32x128xf32, #tpu.memory_space<hbm>>
    tpu.enqueue_dma source(%dma_start3A_230 : memref<32x128xf32, #tpu.memory_space<hbm>>) target(%dma_start3A_228 : memref<32x128xf32, #tpu.memory_space<vmem>>) target_semaphore(%dma_start3A_224 : memref<!tpu.dma_semaphore, #tpu.memory_space<semaphore_mem>>)
    %slice3A_231 = vector.extract_strided_slice %get3A_3 {offsets = [10], sizes = [1], strides = [1]} : vector<16xi32> to vector<1xi32>
    %squeeze3A_232 = vector.extract %slice3A_231[0] : i32 from vector<1xi32>
    %shift_right_arithmetic3A_233 = arith.constant 7 : i32
    %shift_right_arithmetic3A_234 = arith.shrsi %squeeze3A_232, %shift_right_arithmetic3A_233 : i32
    %mul3A_235 = arith.constant 128 : i32
    %mul3A_236 = arith.muli %shift_right_arithmetic3A_234, %mul3A_235 : i32
    %multiple_of3A_237 = tpu.assume_multiple %mul3A_236, 128 : i32
    %dma_start3A_238 = arith.constant 10 : i32
    %dma_start3A_239 = arith.constant 10 : i32
    %dma_start3A_240 = arith.constant 0 : i32
    %dma_start3A_241 = arith.constant 0 : i32
    %dma_start3A_242 = tpu.memref_slice %arg6[%dma_start3A_238, %dma_start3A_240, %dma_start3A_241] : memref<24x32x128xf32, #tpu.memory_space<vmem>> -> memref<1x32x128xf32, #tpu.memory_space<vmem>>
    %dma_start3A_243 = tpu.memref_squeeze %dma_start3A_242 : memref<1x32x128xf32, #tpu.memory_space<vmem>> -> memref<32x128xf32, #tpu.memory_space<vmem>>
    %dma_start3A_244 = arith.constant 0 : i32
    %dma_start3A_245 = tpu.memref_slice %arg3[%dma_start3A_244, %multiple_of3A_237] : memref<32x1000000xf32, #tpu.memory_space<hbm>> -> memref<32x128xf32, #tpu.memory_space<hbm>>
    %dma_start3A_246 = tpu.memref_slice %arg8[%dma_start3A_239] : memref<24x!tpu.dma_semaphore, #tpu.memory_space<semaphore_mem>> -> memref<1x!tpu.dma_semaphore, #tpu.memory_space<semaphore_mem>>
    %dma_start3A_247 = tpu.memref_squeeze %dma_start3A_246 : memref<1x!tpu.dma_semaphore, #tpu.memory_space<semaphore_mem>> -> memref<!tpu.dma_semaphore, #tpu.memory_space<semaphore_mem>>
    %dma_start3A_248 = arith.constant 0 : i32
    %dma_start3A_249 = arith.constant 0 : i32
    %dma_start3A_250 = tpu.memref_slice %arg6[%dma_start3A_238, %dma_start3A_248, %dma_start3A_249] : memref<24x32x128xf32, #tpu.memory_space<vmem>> -> memref<1x32x128xf32, #tpu.memory_space<vmem>>
    %dma_start3A_251 = tpu.memref_squeeze %dma_start3A_250 : memref<1x32x128xf32, #tpu.memory_space<vmem>> -> memref<32x128xf32, #tpu.memory_space<vmem>>
    %dma_start3A_252 = arith.constant 0 : i32
    %dma_start3A_253 = tpu.memref_slice %arg3[%dma_start3A_252, %multiple_of3A_237] : memref<32x1000000xf32, #tpu.memory_space<hbm>> -> memref<32x128xf32, #tpu.memory_space<hbm>>
    tpu.enqueue_dma source(%dma_start3A_253 : memref<32x128xf32, #tpu.memory_space<hbm>>) target(%dma_start3A_251 : memref<32x128xf32, #tpu.memory_space<vmem>>) target_semaphore(%dma_start3A_247 : memref<!tpu.dma_semaphore, #tpu.memory_space<semaphore_mem>>)
    %slice3A_254 = vector.extract_strided_slice %get3A_3 {offsets = [11], sizes = [1], strides = [1]} : vector<16xi32> to vector<1xi32>
    %squeeze3A_255 = vector.extract %slice3A_254[0] : i32 from vector<1xi32>
    %shift_right_arithmetic3A_256 = arith.constant 7 : i32
    %shift_right_arithmetic3A_257 = arith.shrsi %squeeze3A_255, %shift_right_arithmetic3A_256 : i32
    %mul3A_258 = arith.constant 128 : i32
    %mul3A_259 = arith.muli %shift_right_arithmetic3A_257, %mul3A_258 : i32
    %multiple_of3A_260 = tpu.assume_multiple %mul3A_259, 128 : i32
    %dma_start3A_261 = arith.constant 11 : i32
    %dma_start3A_262 = arith.constant 11 : i32
    %dma_start3A_263 = arith.constant 0 : i32
    %dma_start3A_264 = arith.constant 0 : i32
    %dma_start3A_265 = tpu.memref_slice %arg6[%dma_start3A_261, %dma_start3A_263, %dma_start3A_264] : memref<24x32x128xf32, #tpu.memory_space<vmem>> -> memref<1x32x128xf32, #tpu.memory_space<vmem>>
    %dma_start3A_266 = tpu.memref_squeeze %dma_start3A_265 : memref<1x32x128xf32, #tpu.memory_space<vmem>> -> memref<32x128xf32, #tpu.memory_space<vmem>>
    %dma_start3A_267 = arith.constant 0 : i32
    %dma_start3A_268 = tpu.memref_slice %arg3[%dma_start3A_267, %multiple_of3A_260] : memref<32x1000000xf32, #tpu.memory_space<hbm>> -> memref<32x128xf32, #tpu.memory_space<hbm>>
    %dma_start3A_269 = tpu.memref_slice %arg8[%dma_start3A_262] : memref<24x!tpu.dma_semaphore, #tpu.memory_space<semaphore_mem>> -> memref<1x!tpu.dma_semaphore, #tpu.memory_space<semaphore_mem>>
    %dma_start3A_270 = tpu.memref_squeeze %dma_start3A_269 : memref<1x!tpu.dma_semaphore, #tpu.memory_space<semaphore_mem>> -> memref<!tpu.dma_semaphore, #tpu.memory_space<semaphore_mem>>
    %dma_start3A_271 = arith.constant 0 : i32
    %dma_start3A_272 = arith.constant 0 : i32
    %dma_start3A_273 = tpu.memref_slice %arg6[%dma_start3A_261, %dma_start3A_271, %dma_start3A_272] : memref<24x32x128xf32, #tpu.memory_space<vmem>> -> memref<1x32x128xf32, #tpu.memory_space<vmem>>
    %dma_start3A_274 = tpu.memref_squeeze %dma_start3A_273 : memref<1x32x128xf32, #tpu.memory_space<vmem>> -> memref<32x128xf32, #tpu.memory_space<vmem>>
    %dma_start3A_275 = arith.constant 0 : i32
    %dma_start3A_276 = tpu.memref_slice %arg3[%dma_start3A_275, %multiple_of3A_260] : memref<32x1000000xf32, #tpu.memory_space<hbm>> -> memref<32x128xf32, #tpu.memory_space<hbm>>
    tpu.enqueue_dma source(%dma_start3A_276 : memref<32x128xf32, #tpu.memory_space<hbm>>) target(%dma_start3A_274 : memref<32x128xf32, #tpu.memory_space<vmem>>) target_semaphore(%dma_start3A_270 : memref<!tpu.dma_semaphore, #tpu.memory_space<semaphore_mem>>)
    %slice3A_277 = vector.extract_strided_slice %get3A_3 {offsets = [12], sizes = [1], strides = [1]} : vector<16xi32> to vector<1xi32>
    %squeeze3A_278 = vector.extract %slice3A_277[0] : i32 from vector<1xi32>
    %shift_right_arithmetic3A_279 = arith.constant 7 : i32
    %shift_right_arithmetic3A_280 = arith.shrsi %squeeze3A_278, %shift_right_arithmetic3A_279 : i32
    %mul3A_281 = arith.constant 128 : i32
    %mul3A_282 = arith.muli %shift_right_arithmetic3A_280, %mul3A_281 : i32
    %multiple_of3A_283 = tpu.assume_multiple %mul3A_282, 128 : i32
    %dma_start3A_284 = arith.constant 12 : i32
    %dma_start3A_285 = arith.constant 12 : i32
    %dma_start3A_286 = arith.constant 0 : i32
    %dma_start3A_287 = arith.constant 0 : i32
    %dma_start3A_288 = tpu.memref_slice %arg6[%dma_start3A_284, %dma_start3A_286, %dma_start3A_287] : memref<24x32x128xf32, #tpu.memory_space<vmem>> -> memref<1x32x128xf32, #tpu.memory_space<vmem>>
    %dma_start3A_289 = tpu.memref_squeeze %dma_start3A_288 : memref<1x32x128xf32, #tpu.memory_space<vmem>> -> memref<32x128xf32, #tpu.memory_space<vmem>>
    %dma_start3A_290 = arith.constant 0 : i32
    %dma_start3A_291 = tpu.memref_slice %arg3[%dma_start3A_290, %multiple_of3A_283] : memref<32x1000000xf32, #tpu.memory_space<hbm>> -> memref<32x128xf32, #tpu.memory_space<hbm>>
    %dma_start3A_292 = tpu.memref_slice %arg8[%dma_start3A_285] : memref<24x!tpu.dma_semaphore, #tpu.memory_space<semaphore_mem>> -> memref<1x!tpu.dma_semaphore, #tpu.memory_space<semaphore_mem>>
    %dma_start3A_293 = tpu.memref_squeeze %dma_start3A_292 : memref<1x!tpu.dma_semaphore, #tpu.memory_space<semaphore_mem>> -> memref<!tpu.dma_semaphore, #tpu.memory_space<semaphore_mem>>
    %dma_start3A_294 = arith.constant 0 : i32
    %dma_start3A_295 = arith.constant 0 : i32
    %dma_start3A_296 = tpu.memref_slice %arg6[%dma_start3A_284, %dma_start3A_294, %dma_start3A_295] : memref<24x32x128xf32, #tpu.memory_space<vmem>> -> memref<1x32x128xf32, #tpu.memory_space<vmem>>
    %dma_start3A_297 = tpu.memref_squeeze %dma_start3A_296 : memref<1x32x128xf32, #tpu.memory_space<vmem>> -> memref<32x128xf32, #tpu.memory_space<vmem>>
    %dma_start3A_298 = arith.constant 0 : i32
    %dma_start3A_299 = tpu.memref_slice %arg3[%dma_start3A_298, %multiple_of3A_283] : memref<32x1000000xf32, #tpu.memory_space<hbm>> -> memref<32x128xf32, #tpu.memory_space<hbm>>
    tpu.enqueue_dma source(%dma_start3A_299 : memref<32x128xf32, #tpu.memory_space<hbm>>) target(%dma_start3A_297 : memref<32x128xf32, #tpu.memory_space<vmem>>) target_semaphore(%dma_start3A_293 : memref<!tpu.dma_semaphore, #tpu.memory_space<semaphore_mem>>)
    %slice3A_300 = vector.extract_strided_slice %get3A_3 {offsets = [13], sizes = [1], strides = [1]} : vector<16xi32> to vector<1xi32>
    %squeeze3A_301 = vector.extract %slice3A_300[0] : i32 from vector<1xi32>
    %shift_right_arithmetic3A_302 = arith.constant 7 : i32
    %shift_right_arithmetic3A_303 = arith.shrsi %squeeze3A_301, %shift_right_arithmetic3A_302 : i32
    %mul3A_304 = arith.constant 128 : i32
    %mul3A_305 = arith.muli %shift_right_arithmetic3A_303, %mul3A_304 : i32
    %multiple_of3A_306 = tpu.assume_multiple %mul3A_305, 128 : i32
    %dma_start3A_307 = arith.constant 13 : i32
    %dma_start3A_308 = arith.constant 13 : i32
    %dma_start3A_309 = arith.constant 0 : i32
    %dma_start3A_310 = arith.constant 0 : i32
    %dma_start3A_311 = tpu.memref_slice %arg6[%dma_start3A_307, %dma_start3A_309, %dma_start3A_310] : memref<24x32x128xf32, #tpu.memory_space<vmem>> -> memref<1x32x128xf32, #tpu.memory_space<vmem>>
    %dma_start3A_312 = tpu.memref_squeeze %dma_start3A_311 : memref<1x32x128xf32, #tpu.memory_space<vmem>> -> memref<32x128xf32, #tpu.memory_space<vmem>>
    %dma_start3A_313 = arith.constant 0 : i32
    %dma_start3A_314 = tpu.memref_slice %arg3[%dma_start3A_313, %multiple_of3A_306] : memref<32x1000000xf32, #tpu.memory_space<hbm>> -> memref<32x128xf32, #tpu.memory_space<hbm>>
    %dma_start3A_315 = tpu.memref_slice %arg8[%dma_start3A_308] : memref<24x!tpu.dma_semaphore, #tpu.memory_space<semaphore_mem>> -> memref<1x!tpu.dma_semaphore, #tpu.memory_space<semaphore_mem>>
    %dma_start3A_316 = tpu.memref_squeeze %dma_start3A_315 : memref<1x!tpu.dma_semaphore, #tpu.memory_space<semaphore_mem>> -> memref<!tpu.dma_semaphore, #tpu.memory_space<semaphore_mem>>
    %dma_start3A_317 = arith.constant 0 : i32
    %dma_start3A_318 = arith.constant 0 : i32
    %dma_start3A_319 = tpu.memref_slice %arg6[%dma_start3A_307, %dma_start3A_317, %dma_start3A_318] : memref<24x32x128xf32, #tpu.memory_space<vmem>> -> memref<1x32x128xf32, #tpu.memory_space<vmem>>
    %dma_start3A_320 = tpu.memref_squeeze %dma_start3A_319 : memref<1x32x128xf32, #tpu.memory_space<vmem>> -> memref<32x128xf32, #tpu.memory_space<vmem>>
    %dma_start3A_321 = arith.constant 0 : i32
    %dma_start3A_322 = tpu.memref_slice %arg3[%dma_start3A_321, %multiple_of3A_306] : memref<32x1000000xf32, #tpu.memory_space<hbm>> -> memref<32x128xf32, #tpu.memory_space<hbm>>
    tpu.enqueue_dma source(%dma_start3A_322 : memref<32x128xf32, #tpu.memory_space<hbm>>) target(%dma_start3A_320 : memref<32x128xf32, #tpu.memory_space<vmem>>) target_semaphore(%dma_start3A_316 : memref<!tpu.dma_semaphore, #tpu.memory_space<semaphore_mem>>)
    %slice3A_323 = vector.extract_strided_slice %get3A_3 {offsets = [14], sizes = [1], strides = [1]} : vector<16xi32> to vector<1xi32>
    %squeeze3A_324 = vector.extract %slice3A_323[0] : i32 from vector<1xi32>
    %shift_right_arithmetic3A_325 = arith.constant 7 : i32
    %shift_right_arithmetic3A_326 = arith.shrsi %squeeze3A_324, %shift_right_arithmetic3A_325 : i32
    %mul3A_327 = arith.constant 128 : i32
    %mul3A_328 = arith.muli %shift_right_arithmetic3A_326, %mul3A_327 : i32
    %multiple_of3A_329 = tpu.assume_multiple %mul3A_328, 128 : i32
    %dma_start3A_330 = arith.constant 14 : i32
    %dma_start3A_331 = arith.constant 14 : i32
    %dma_start3A_332 = arith.constant 0 : i32
    %dma_start3A_333 = arith.constant 0 : i32
    %dma_start3A_334 = tpu.memref_slice %arg6[%dma_start3A_330, %dma_start3A_332, %dma_start3A_333] : memref<24x32x128xf32, #tpu.memory_space<vmem>> -> memref<1x32x128xf32, #tpu.memory_space<vmem>>
    %dma_start3A_335 = tpu.memref_squeeze %dma_start3A_334 : memref<1x32x128xf32, #tpu.memory_space<vmem>> -> memref<32x128xf32, #tpu.memory_space<vmem>>
    %dma_start3A_336 = arith.constant 0 : i32
    %dma_start3A_337 = tpu.memref_slice %arg3[%dma_start3A_336, %multiple_of3A_329] : memref<32x1000000xf32, #tpu.memory_space<hbm>> -> memref<32x128xf32, #tpu.memory_space<hbm>>
    %dma_start3A_338 = tpu.memref_slice %arg8[%dma_start3A_331] : memref<24x!tpu.dma_semaphore, #tpu.memory_space<semaphore_mem>> -> memref<1x!tpu.dma_semaphore, #tpu.memory_space<semaphore_mem>>
    %dma_start3A_339 = tpu.memref_squeeze %dma_start3A_338 : memref<1x!tpu.dma_semaphore, #tpu.memory_space<semaphore_mem>> -> memref<!tpu.dma_semaphore, #tpu.memory_space<semaphore_mem>>
    %dma_start3A_340 = arith.constant 0 : i32
    %dma_start3A_341 = arith.constant 0 : i32
    %dma_start3A_342 = tpu.memref_slice %arg6[%dma_start3A_330, %dma_start3A_340, %dma_start3A_341] : memref<24x32x128xf32, #tpu.memory_space<vmem>> -> memref<1x32x128xf32, #tpu.memory_space<vmem>>
    %dma_start3A_343 = tpu.memref_squeeze %dma_start3A_342 : memref<1x32x128xf32, #tpu.memory_space<vmem>> -> memref<32x128xf32, #tpu.memory_space<vmem>>
    %dma_start3A_344 = arith.constant 0 : i32
    %dma_start3A_345 = tpu.memref_slice %arg3[%dma_start3A_344, %multiple_of3A_329] : memref<32x1000000xf32, #tpu.memory_space<hbm>> -> memref<32x128xf32, #tpu.memory_space<hbm>>
    tpu.enqueue_dma source(%dma_start3A_345 : memref<32x128xf32, #tpu.memory_space<hbm>>) target(%dma_start3A_343 : memref<32x128xf32, #tpu.memory_space<vmem>>) target_semaphore(%dma_start3A_339 : memref<!tpu.dma_semaphore, #tpu.memory_space<semaphore_mem>>)
    %slice3A_346 = vector.extract_strided_slice %get3A_3 {offsets = [15], sizes = [1], strides = [1]} : vector<16xi32> to vector<1xi32>
    %squeeze3A_347 = vector.extract %slice3A_346[0] : i32 from vector<1xi32>
    %shift_right_arithmetic3A_348 = arith.constant 7 : i32
    %shift_right_arithmetic3A_349 = arith.shrsi %squeeze3A_347, %shift_right_arithmetic3A_348 : i32
    %mul3A_350 = arith.constant 128 : i32
    %mul3A_351 = arith.muli %shift_right_arithmetic3A_349, %mul3A_350 : i32
    %multiple_of3A_352 = tpu.assume_multiple %mul3A_351, 128 : i32
    %dma_start3A_353 = arith.constant 15 : i32
    %dma_start3A_354 = arith.constant 15 : i32
    %dma_start3A_355 = arith.constant 0 : i32
    %dma_start3A_356 = arith.constant 0 : i32
    %dma_start3A_357 = tpu.memref_slice %arg6[%dma_start3A_353, %dma_start3A_355, %dma_start3A_356] : memref<24x32x128xf32, #tpu.memory_space<vmem>> -> memref<1x32x128xf32, #tpu.memory_space<vmem>>
    %dma_start3A_358 = tpu.memref_squeeze %dma_start3A_357 : memref<1x32x128xf32, #tpu.memory_space<vmem>> -> memref<32x128xf32, #tpu.memory_space<vmem>>
    %dma_start3A_359 = arith.constant 0 : i32
    %dma_start3A_360 = tpu.memref_slice %arg3[%dma_start3A_359, %multiple_of3A_352] : memref<32x1000000xf32, #tpu.memory_space<hbm>> -> memref<32x128xf32, #tpu.memory_space<hbm>>
    %dma_start3A_361 = tpu.memref_slice %arg8[%dma_start3A_354] : memref<24x!tpu.dma_semaphore, #tpu.memory_space<semaphore_mem>> -> memref<1x!tpu.dma_semaphore, #tpu.memory_space<semaphore_mem>>
    %dma_start3A_362 = tpu.memref_squeeze %dma_start3A_361 : memref<1x!tpu.dma_semaphore, #tpu.memory_space<semaphore_mem>> -> memref<!tpu.dma_semaphore, #tpu.memory_space<semaphore_mem>>
    %dma_start3A_363 = arith.constant 0 : i32
    %dma_start3A_364 = arith.constant 0 : i32
    %dma_start3A_365 = tpu.memref_slice %arg6[%dma_start3A_353, %dma_start3A_363, %dma_start3A_364] : memref<24x32x128xf32, #tpu.memory_space<vmem>> -> memref<1x32x128xf32, #tpu.memory_space<vmem>>
    %dma_start3A_366 = tpu.memref_squeeze %dma_start3A_365 : memref<1x32x128xf32, #tpu.memory_space<vmem>> -> memref<32x128xf32, #tpu.memory_space<vmem>>
    %dma_start3A_367 = arith.constant 0 : i32
    %dma_start3A_368 = tpu.memref_slice %arg3[%dma_start3A_367, %multiple_of3A_352] : memref<32x1000000xf32, #tpu.memory_space<hbm>> -> memref<32x128xf32, #tpu.memory_space<hbm>>
    tpu.enqueue_dma source(%dma_start3A_368 : memref<32x128xf32, #tpu.memory_space<hbm>>) target(%dma_start3A_366 : memref<32x128xf32, #tpu.memory_space<vmem>>) target_semaphore(%dma_start3A_362 : memref<!tpu.dma_semaphore, #tpu.memory_space<semaphore_mem>>)
    %slice3A_369 = vector.extract_strided_slice %get3A_5 {offsets = [0], sizes = [1], strides = [1]} : vector<16xi32> to vector<1xi32>
    %squeeze3A_370 = vector.extract %slice3A_369[0] : i32 from vector<1xi32>
    %shift_right_arithmetic3A_371 = arith.constant 7 : i32
    %shift_right_arithmetic3A_372 = arith.shrsi %squeeze3A_370, %shift_right_arithmetic3A_371 : i32
    %mul3A_373 = arith.constant 128 : i32
    %mul3A_374 = arith.muli %shift_right_arithmetic3A_372, %mul3A_373 : i32
    %multiple_of3A_375 = tpu.assume_multiple %mul3A_374, 128 : i32
    %dma_start3A_376 = arith.constant 16 : i32
    %dma_start3A_377 = arith.constant 16 : i32
    %dma_start3A_378 = arith.constant 0 : i32
    %dma_start3A_379 = arith.constant 0 : i32
    %dma_start3A_380 = tpu.memref_slice %arg6[%dma_start3A_376, %dma_start3A_378, %dma_start3A_379] : memref<24x32x128xf32, #tpu.memory_space<vmem>> -> memref<1x32x128xf32, #tpu.memory_space<vmem>>
    %dma_start3A_381 = tpu.memref_squeeze %dma_start3A_380 : memref<1x32x128xf32, #tpu.memory_space<vmem>> -> memref<32x128xf32, #tpu.memory_space<vmem>>
    %dma_start3A_382 = arith.constant 0 : i32
    %dma_start3A_383 = tpu.memref_slice %arg3[%dma_start3A_382, %multiple_of3A_375] : memref<32x1000000xf32, #tpu.memory_space<hbm>> -> memref<32x128xf32, #tpu.memory_space<hbm>>
    %dma_start3A_384 = tpu.memref_slice %arg8[%dma_start3A_377] : memref<24x!tpu.dma_semaphore, #tpu.memory_space<semaphore_mem>> -> memref<1x!tpu.dma_semaphore, #tpu.memory_space<semaphore_mem>>
    %dma_start3A_385 = tpu.memref_squeeze %dma_start3A_384 : memref<1x!tpu.dma_semaphore, #tpu.memory_space<semaphore_mem>> -> memref<!tpu.dma_semaphore, #tpu.memory_space<semaphore_mem>>
    %dma_start3A_386 = arith.constant 0 : i32
    %dma_start3A_387 = arith.constant 0 : i32
    %dma_start3A_388 = tpu.memref_slice %arg6[%dma_start3A_376, %dma_start3A_386, %dma_start3A_387] : memref<24x32x128xf32, #tpu.memory_space<vmem>> -> memref<1x32x128xf32, #tpu.memory_space<vmem>>
    %dma_start3A_389 = tpu.memref_squeeze %dma_start3A_388 : memref<1x32x128xf32, #tpu.memory_space<vmem>> -> memref<32x128xf32, #tpu.memory_space<vmem>>
    %dma_start3A_390 = arith.constant 0 : i32
    %dma_start3A_391 = tpu.memref_slice %arg3[%dma_start3A_390, %multiple_of3A_375] : memref<32x1000000xf32, #tpu.memory_space<hbm>> -> memref<32x128xf32, #tpu.memory_space<hbm>>
    tpu.enqueue_dma source(%dma_start3A_391 : memref<32x128xf32, #tpu.memory_space<hbm>>) target(%dma_start3A_389 : memref<32x128xf32, #tpu.memory_space<vmem>>) target_semaphore(%dma_start3A_385 : memref<!tpu.dma_semaphore, #tpu.memory_space<semaphore_mem>>)
    %slice3A_392 = vector.extract_strided_slice %get3A_5 {offsets = [1], sizes = [1], strides = [1]} : vector<16xi32> to vector<1xi32>
    %squeeze3A_393 = vector.extract %slice3A_392[0] : i32 from vector<1xi32>
    %shift_right_arithmetic3A_394 = arith.constant 7 : i32
    %shift_right_arithmetic3A_395 = arith.shrsi %squeeze3A_393, %shift_right_arithmetic3A_394 : i32
    %mul3A_396 = arith.constant 128 : i32
    %mul3A_397 = arith.muli %shift_right_arithmetic3A_395, %mul3A_396 : i32
    %multiple_of3A_398 = tpu.assume_multiple %mul3A_397, 128 : i32
    %dma_start3A_399 = arith.constant 17 : i32
    %dma_start3A_400 = arith.constant 17 : i32
    %dma_start3A_401 = arith.constant 0 : i32
    %dma_start3A_402 = arith.constant 0 : i32
    %dma_start3A_403 = tpu.memref_slice %arg6[%dma_start3A_399, %dma_start3A_401, %dma_start3A_402] : memref<24x32x128xf32, #tpu.memory_space<vmem>> -> memref<1x32x128xf32, #tpu.memory_space<vmem>>
    %dma_start3A_404 = tpu.memref_squeeze %dma_start3A_403 : memref<1x32x128xf32, #tpu.memory_space<vmem>> -> memref<32x128xf32, #tpu.memory_space<vmem>>
    %dma_start3A_405 = arith.constant 0 : i32
    %dma_start3A_406 = tpu.memref_slice %arg3[%dma_start3A_405, %multiple_of3A_398] : memref<32x1000000xf32, #tpu.memory_space<hbm>> -> memref<32x128xf32, #tpu.memory_space<hbm>>
    %dma_start3A_407 = tpu.memref_slice %arg8[%dma_start3A_400] : memref<24x!tpu.dma_semaphore, #tpu.memory_space<semaphore_mem>> -> memref<1x!tpu.dma_semaphore, #tpu.memory_space<semaphore_mem>>
    %dma_start3A_408 = tpu.memref_squeeze %dma_start3A_407 : memref<1x!tpu.dma_semaphore, #tpu.memory_space<semaphore_mem>> -> memref<!tpu.dma_semaphore, #tpu.memory_space<semaphore_mem>>
    %dma_start3A_409 = arith.constant 0 : i32
    %dma_start3A_410 = arith.constant 0 : i32
    %dma_start3A_411 = tpu.memref_slice %arg6[%dma_start3A_399, %dma_start3A_409, %dma_start3A_410] : memref<24x32x128xf32, #tpu.memory_space<vmem>> -> memref<1x32x128xf32, #tpu.memory_space<vmem>>
    %dma_start3A_412 = tpu.memref_squeeze %dma_start3A_411 : memref<1x32x128xf32, #tpu.memory_space<vmem>> -> memref<32x128xf32, #tpu.memory_space<vmem>>
    %dma_start3A_413 = arith.constant 0 : i32
    %dma_start3A_414 = tpu.memref_slice %arg3[%dma_start3A_413, %multiple_of3A_398] : memref<32x1000000xf32, #tpu.memory_space<hbm>> -> memref<32x128xf32, #tpu.memory_space<hbm>>
    tpu.enqueue_dma source(%dma_start3A_414 : memref<32x128xf32, #tpu.memory_space<hbm>>) target(%dma_start3A_412 : memref<32x128xf32, #tpu.memory_space<vmem>>) target_semaphore(%dma_start3A_408 : memref<!tpu.dma_semaphore, #tpu.memory_space<semaphore_mem>>)
    %slice3A_415 = vector.extract_strided_slice %get3A_5 {offsets = [2], sizes = [1], strides = [1]} : vector<16xi32> to vector<1xi32>
    %squeeze3A_416 = vector.extract %slice3A_415[0] : i32 from vector<1xi32>
    %shift_right_arithmetic3A_417 = arith.constant 7 : i32
    %shift_right_arithmetic3A_418 = arith.shrsi %squeeze3A_416, %shift_right_arithmetic3A_417 : i32
    %mul3A_419 = arith.constant 128 : i32
    %mul3A_420 = arith.muli %shift_right_arithmetic3A_418, %mul3A_419 : i32
    %multiple_of3A_421 = tpu.assume_multiple %mul3A_420, 128 : i32
    %dma_start3A_422 = arith.constant 18 : i32
    %dma_start3A_423 = arith.constant 18 : i32
    %dma_start3A_424 = arith.constant 0 : i32
    %dma_start3A_425 = arith.constant 0 : i32
    %dma_start3A_426 = tpu.memref_slice %arg6[%dma_start3A_422, %dma_start3A_424, %dma_start3A_425] : memref<24x32x128xf32, #tpu.memory_space<vmem>> -> memref<1x32x128xf32, #tpu.memory_space<vmem>>
    %dma_start3A_427 = tpu.memref_squeeze %dma_start3A_426 : memref<1x32x128xf32, #tpu.memory_space<vmem>> -> memref<32x128xf32, #tpu.memory_space<vmem>>
    %dma_start3A_428 = arith.constant 0 : i32
    %dma_start3A_429 = tpu.memref_slice %arg3[%dma_start3A_428, %multiple_of3A_421] : memref<32x1000000xf32, #tpu.memory_space<hbm>> -> memref<32x128xf32, #tpu.memory_space<hbm>>
    %dma_start3A_430 = tpu.memref_slice %arg8[%dma_start3A_423] : memref<24x!tpu.dma_semaphore, #tpu.memory_space<semaphore_mem>> -> memref<1x!tpu.dma_semaphore, #tpu.memory_space<semaphore_mem>>
    %dma_start3A_431 = tpu.memref_squeeze %dma_start3A_430 : memref<1x!tpu.dma_semaphore, #tpu.memory_space<semaphore_mem>> -> memref<!tpu.dma_semaphore, #tpu.memory_space<semaphore_mem>>
    %dma_start3A_432 = arith.constant 0 : i32
    %dma_start3A_433 = arith.constant 0 : i32
    %dma_start3A_434 = tpu.memref_slice %arg6[%dma_start3A_422, %dma_start3A_432, %dma_start3A_433] : memref<24x32x128xf32, #tpu.memory_space<vmem>> -> memref<1x32x128xf32, #tpu.memory_space<vmem>>
    %dma_start3A_435 = tpu.memref_squeeze %dma_start3A_434 : memref<1x32x128xf32, #tpu.memory_space<vmem>> -> memref<32x128xf32, #tpu.memory_space<vmem>>
    %dma_start3A_436 = arith.constant 0 : i32
    %dma_start3A_437 = tpu.memref_slice %arg3[%dma_start3A_436, %multiple_of3A_421] : memref<32x1000000xf32, #tpu.memory_space<hbm>> -> memref<32x128xf32, #tpu.memory_space<hbm>>
    tpu.enqueue_dma source(%dma_start3A_437 : memref<32x128xf32, #tpu.memory_space<hbm>>) target(%dma_start3A_435 : memref<32x128xf32, #tpu.memory_space<vmem>>) target_semaphore(%dma_start3A_431 : memref<!tpu.dma_semaphore, #tpu.memory_space<semaphore_mem>>)
    %slice3A_438 = vector.extract_strided_slice %get3A_5 {offsets = [3], sizes = [1], strides = [1]} : vector<16xi32> to vector<1xi32>
    %squeeze3A_439 = vector.extract %slice3A_438[0] : i32 from vector<1xi32>
    %shift_right_arithmetic3A_440 = arith.constant 7 : i32
    %shift_right_arithmetic3A_441 = arith.shrsi %squeeze3A_439, %shift_right_arithmetic3A_440 : i32
    %mul3A_442 = arith.constant 128 : i32
    %mul3A_443 = arith.muli %shift_right_arithmetic3A_441, %mul3A_442 : i32
    %multiple_of3A_444 = tpu.assume_multiple %mul3A_443, 128 : i32
    %dma_start3A_445 = arith.constant 19 : i32
    %dma_start3A_446 = arith.constant 19 : i32
    %dma_start3A_447 = arith.constant 0 : i32
    %dma_start3A_448 = arith.constant 0 : i32
    %dma_start3A_449 = tpu.memref_slice %arg6[%dma_start3A_445, %dma_start3A_447, %dma_start3A_448] : memref<24x32x128xf32, #tpu.memory_space<vmem>> -> memref<1x32x128xf32, #tpu.memory_space<vmem>>
    %dma_start3A_450 = tpu.memref_squeeze %dma_start3A_449 : memref<1x32x128xf32, #tpu.memory_space<vmem>> -> memref<32x128xf32, #tpu.memory_space<vmem>>
    %dma_start3A_451 = arith.constant 0 : i32
    %dma_start3A_452 = tpu.memref_slice %arg3[%dma_start3A_451, %multiple_of3A_444] : memref<32x1000000xf32, #tpu.memory_space<hbm>> -> memref<32x128xf32, #tpu.memory_space<hbm>>
    %dma_start3A_453 = tpu.memref_slice %arg8[%dma_start3A_446] : memref<24x!tpu.dma_semaphore, #tpu.memory_space<semaphore_mem>> -> memref<1x!tpu.dma_semaphore, #tpu.memory_space<semaphore_mem>>
    %dma_start3A_454 = tpu.memref_squeeze %dma_start3A_453 : memref<1x!tpu.dma_semaphore, #tpu.memory_space<semaphore_mem>> -> memref<!tpu.dma_semaphore, #tpu.memory_space<semaphore_mem>>
    %dma_start3A_455 = arith.constant 0 : i32
    %dma_start3A_456 = arith.constant 0 : i32
    %dma_start3A_457 = tpu.memref_slice %arg6[%dma_start3A_445, %dma_start3A_455, %dma_start3A_456] : memref<24x32x128xf32, #tpu.memory_space<vmem>> -> memref<1x32x128xf32, #tpu.memory_space<vmem>>
    %dma_start3A_458 = tpu.memref_squeeze %dma_start3A_457 : memref<1x32x128xf32, #tpu.memory_space<vmem>> -> memref<32x128xf32, #tpu.memory_space<vmem>>
    %dma_start3A_459 = arith.constant 0 : i32
    %dma_start3A_460 = tpu.memref_slice %arg3[%dma_start3A_459, %multiple_of3A_444] : memref<32x1000000xf32, #tpu.memory_space<hbm>> -> memref<32x128xf32, #tpu.memory_space<hbm>>
    tpu.enqueue_dma source(%dma_start3A_460 : memref<32x128xf32, #tpu.memory_space<hbm>>) target(%dma_start3A_458 : memref<32x128xf32, #tpu.memory_space<vmem>>) target_semaphore(%dma_start3A_454 : memref<!tpu.dma_semaphore, #tpu.memory_space<semaphore_mem>>)
    %slice3A_461 = vector.extract_strided_slice %get3A_5 {offsets = [4], sizes = [1], strides = [1]} : vector<16xi32> to vector<1xi32>
    %squeeze3A_462 = vector.extract %slice3A_461[0] : i32 from vector<1xi32>
    %shift_right_arithmetic3A_463 = arith.constant 7 : i32
    %shift_right_arithmetic3A_464 = arith.shrsi %squeeze3A_462, %shift_right_arithmetic3A_463 : i32
    %mul3A_465 = arith.constant 128 : i32
    %mul3A_466 = arith.muli %shift_right_arithmetic3A_464, %mul3A_465 : i32
    %multiple_of3A_467 = tpu.assume_multiple %mul3A_466, 128 : i32
    %dma_start3A_468 = arith.constant 20 : i32
    %dma_start3A_469 = arith.constant 20 : i32
    %dma_start3A_470 = arith.constant 0 : i32
    %dma_start3A_471 = arith.constant 0 : i32
    %dma_start3A_472 = tpu.memref_slice %arg6[%dma_start3A_468, %dma_start3A_470, %dma_start3A_471] : memref<24x32x128xf32, #tpu.memory_space<vmem>> -> memref<1x32x128xf32, #tpu.memory_space<vmem>>
    %dma_start3A_473 = tpu.memref_squeeze %dma_start3A_472 : memref<1x32x128xf32, #tpu.memory_space<vmem>> -> memref<32x128xf32, #tpu.memory_space<vmem>>
    %dma_start3A_474 = arith.constant 0 : i32
    %dma_start3A_475 = tpu.memref_slice %arg3[%dma_start3A_474, %multiple_of3A_467] : memref<32x1000000xf32, #tpu.memory_space<hbm>> -> memref<32x128xf32, #tpu.memory_space<hbm>>
    %dma_start3A_476 = tpu.memref_slice %arg8[%dma_start3A_469] : memref<24x!tpu.dma_semaphore, #tpu.memory_space<semaphore_mem>> -> memref<1x!tpu.dma_semaphore, #tpu.memory_space<semaphore_mem>>
    %dma_start3A_477 = tpu.memref_squeeze %dma_start3A_476 : memref<1x!tpu.dma_semaphore, #tpu.memory_space<semaphore_mem>> -> memref<!tpu.dma_semaphore, #tpu.memory_space<semaphore_mem>>
    %dma_start3A_478 = arith.constant 0 : i32
    %dma_start3A_479 = arith.constant 0 : i32
    %dma_start3A_480 = tpu.memref_slice %arg6[%dma_start3A_468, %dma_start3A_478, %dma_start3A_479] : memref<24x32x128xf32, #tpu.memory_space<vmem>> -> memref<1x32x128xf32, #tpu.memory_space<vmem>>
    %dma_start3A_481 = tpu.memref_squeeze %dma_start3A_480 : memref<1x32x128xf32, #tpu.memory_space<vmem>> -> memref<32x128xf32, #tpu.memory_space<vmem>>
    %dma_start3A_482 = arith.constant 0 : i32
    %dma_start3A_483 = tpu.memref_slice %arg3[%dma_start3A_482, %multiple_of3A_467] : memref<32x1000000xf32, #tpu.memory_space<hbm>> -> memref<32x128xf32, #tpu.memory_space<hbm>>
    tpu.enqueue_dma source(%dma_start3A_483 : memref<32x128xf32, #tpu.memory_space<hbm>>) target(%dma_start3A_481 : memref<32x128xf32, #tpu.memory_space<vmem>>) target_semaphore(%dma_start3A_477 : memref<!tpu.dma_semaphore, #tpu.memory_space<semaphore_mem>>)
    %slice3A_484 = vector.extract_strided_slice %get3A_5 {offsets = [5], sizes = [1], strides = [1]} : vector<16xi32> to vector<1xi32>
    %squeeze3A_485 = vector.extract %slice3A_484[0] : i32 from vector<1xi32>
    %shift_right_arithmetic3A_486 = arith.constant 7 : i32
    %shift_right_arithmetic3A_487 = arith.shrsi %squeeze3A_485, %shift_right_arithmetic3A_486 : i32
    %mul3A_488 = arith.constant 128 : i32
    %mul3A_489 = arith.muli %shift_right_arithmetic3A_487, %mul3A_488 : i32
    %multiple_of3A_490 = tpu.assume_multiple %mul3A_489, 128 : i32
    %dma_start3A_491 = arith.constant 21 : i32
    %dma_start3A_492 = arith.constant 21 : i32
    %dma_start3A_493 = arith.constant 0 : i32
    %dma_start3A_494 = arith.constant 0 : i32
    %dma_start3A_495 = tpu.memref_slice %arg6[%dma_start3A_491, %dma_start3A_493, %dma_start3A_494] : memref<24x32x128xf32, #tpu.memory_space<vmem>> -> memref<1x32x128xf32, #tpu.memory_space<vmem>>
    %dma_start3A_496 = tpu.memref_squeeze %dma_start3A_495 : memref<1x32x128xf32, #tpu.memory_space<vmem>> -> memref<32x128xf32, #tpu.memory_space<vmem>>
    %dma_start3A_497 = arith.constant 0 : i32
    %dma_start3A_498 = tpu.memref_slice %arg3[%dma_start3A_497, %multiple_of3A_490] : memref<32x1000000xf32, #tpu.memory_space<hbm>> -> memref<32x128xf32, #tpu.memory_space<hbm>>
    %dma_start3A_499 = tpu.memref_slice %arg8[%dma_start3A_492] : memref<24x!tpu.dma_semaphore, #tpu.memory_space<semaphore_mem>> -> memref<1x!tpu.dma_semaphore, #tpu.memory_space<semaphore_mem>>
    %dma_start3A_500 = tpu.memref_squeeze %dma_start3A_499 : memref<1x!tpu.dma_semaphore, #tpu.memory_space<semaphore_mem>> -> memref<!tpu.dma_semaphore, #tpu.memory_space<semaphore_mem>>
    %dma_start3A_501 = arith.constant 0 : i32
    %dma_start3A_502 = arith.constant 0 : i32
    %dma_start3A_503 = tpu.memref_slice %arg6[%dma_start3A_491, %dma_start3A_501, %dma_start3A_502] : memref<24x32x128xf32, #tpu.memory_space<vmem>> -> memref<1x32x128xf32, #tpu.memory_space<vmem>>
    %dma_start3A_504 = tpu.memref_squeeze %dma_start3A_503 : memref<1x32x128xf32, #tpu.memory_space<vmem>> -> memref<32x128xf32, #tpu.memory_space<vmem>>
    %dma_start3A_505 = arith.constant 0 : i32
    %dma_start3A_506 = tpu.memref_slice %arg3[%dma_start3A_505, %multiple_of3A_490] : memref<32x1000000xf32, #tpu.memory_space<hbm>> -> memref<32x128xf32, #tpu.memory_space<hbm>>
    tpu.enqueue_dma source(%dma_start3A_506 : memref<32x128xf32, #tpu.memory_space<hbm>>) target(%dma_start3A_504 : memref<32x128xf32, #tpu.memory_space<vmem>>) target_semaphore(%dma_start3A_500 : memref<!tpu.dma_semaphore, #tpu.memory_space<semaphore_mem>>)
    %slice3A_507 = vector.extract_strided_slice %get3A_5 {offsets = [6], sizes = [1], strides = [1]} : vector<16xi32> to vector<1xi32>
    %squeeze3A_508 = vector.extract %slice3A_507[0] : i32 from vector<1xi32>
    %shift_right_arithmetic3A_509 = arith.constant 7 : i32
    %shift_right_arithmetic3A_510 = arith.shrsi %squeeze3A_508, %shift_right_arithmetic3A_509 : i32
    %mul3A_511 = arith.constant 128 : i32
    %mul3A_512 = arith.muli %shift_right_arithmetic3A_510, %mul3A_511 : i32
    %multiple_of3A_513 = tpu.assume_multiple %mul3A_512, 128 : i32
    %dma_start3A_514 = arith.constant 22 : i32
    %dma_start3A_515 = arith.constant 22 : i32
    %dma_start3A_516 = arith.constant 0 : i32
    %dma_start3A_517 = arith.constant 0 : i32
    %dma_start3A_518 = tpu.memref_slice %arg6[%dma_start3A_514, %dma_start3A_516, %dma_start3A_517] : memref<24x32x128xf32, #tpu.memory_space<vmem>> -> memref<1x32x128xf32, #tpu.memory_space<vmem>>
    %dma_start3A_519 = tpu.memref_squeeze %dma_start3A_518 : memref<1x32x128xf32, #tpu.memory_space<vmem>> -> memref<32x128xf32, #tpu.memory_space<vmem>>
    %dma_start3A_520 = arith.constant 0 : i32
    %dma_start3A_521 = tpu.memref_slice %arg3[%dma_start3A_520, %multiple_of3A_513] : memref<32x1000000xf32, #tpu.memory_space<hbm>> -> memref<32x128xf32, #tpu.memory_space<hbm>>
    %dma_start3A_522 = tpu.memref_slice %arg8[%dma_start3A_515] : memref<24x!tpu.dma_semaphore, #tpu.memory_space<semaphore_mem>> -> memref<1x!tpu.dma_semaphore, #tpu.memory_space<semaphore_mem>>
    %dma_start3A_523 = tpu.memref_squeeze %dma_start3A_522 : memref<1x!tpu.dma_semaphore, #tpu.memory_space<semaphore_mem>> -> memref<!tpu.dma_semaphore, #tpu.memory_space<semaphore_mem>>
    %dma_start3A_524 = arith.constant 0 : i32
    %dma_start3A_525 = arith.constant 0 : i32
    %dma_start3A_526 = tpu.memref_slice %arg6[%dma_start3A_514, %dma_start3A_524, %dma_start3A_525] : memref<24x32x128xf32, #tpu.memory_space<vmem>> -> memref<1x32x128xf32, #tpu.memory_space<vmem>>
    %dma_start3A_527 = tpu.memref_squeeze %dma_start3A_526 : memref<1x32x128xf32, #tpu.memory_space<vmem>> -> memref<32x128xf32, #tpu.memory_space<vmem>>
    %dma_start3A_528 = arith.constant 0 : i32
    %dma_start3A_529 = tpu.memref_slice %arg3[%dma_start3A_528, %multiple_of3A_513] : memref<32x1000000xf32, #tpu.memory_space<hbm>> -> memref<32x128xf32, #tpu.memory_space<hbm>>
    tpu.enqueue_dma source(%dma_start3A_529 : memref<32x128xf32, #tpu.memory_space<hbm>>) target(%dma_start3A_527 : memref<32x128xf32, #tpu.memory_space<vmem>>) target_semaphore(%dma_start3A_523 : memref<!tpu.dma_semaphore, #tpu.memory_space<semaphore_mem>>)
    %iota3A = tpu.iota {dimensions = array<i32: 0>} : vector<16xi32>
    %add3A_530 = arith.constant 16 : i32
    %add3A_531 = vector.broadcast %add3A_530 : i32 to vector<16xi32>
    %add3A_532 = arith.addi %iota3A, %add3A_531 : vector<16xi32>
    %scan3A = arith.constant 0 : i32
    %scan3A_533 = arith.constant 0 : i32
    %scan3A_534 = arith.constant 32 : i32
    %scan3A_535 = arith.addi %scan3A_533, %scan3A_534 : i32
    %scan3A_536 = arith.constant 1 : i32
    scf.for %scan3A_538 = %scan3A_533 to %scan3A_535 step %scan3A_536  : i32 {
      %mul3A_539 = arith.constant 16 : i32
      %mul3A_540 = arith.muli %scan3A_538, %mul3A_539 : i32
      %get3A_541 = arith.index_cast %mul3A_540 : i32 to index
      %get3A_542 = tpu.vector_load %arg5[%get3A_541] {strides = array<i32>} : memref<544xi32, #tpu.memory_space<vmem>>, vector<16xi32>,
      %add3A_543 = arith.constant 1 : i32
      %add3A_544 = arith.addi %scan3A_538, %add3A_543 : i32
      %mul3A_545 = arith.constant 16 : i32
      %mul3A_546 = arith.muli %add3A_544, %mul3A_545 : i32
      %get3A_547 = arith.index_cast %mul3A_546 : i32 to index
      %get3A_548 = tpu.vector_load %arg5[%get3A_547] {strides = array<i32>} : memref<544xi32, #tpu.memory_space<vmem>>, vector<16xi32>,
      %add3A_549 = arith.constant 2 : i32
      %add3A_550 = arith.addi %scan3A_538, %add3A_549 : i32
      %mul3A_551 = arith.constant 16 : i32
      %mul3A_552 = arith.muli %add3A_550, %mul3A_551 : i32
      %get3A_553 = arith.index_cast %mul3A_552 : i32 to index
      %get3A_554 = tpu.vector_load %arg5[%get3A_553] {strides = array<i32>} : memref<544xi32, #tpu.memory_space<vmem>>, vector<16xi32>,
      %mul3A_555 = arith.constant 16 : i32
      %mul3A_556 = arith.muli %scan3A_538, %mul3A_555 : i32
      %add3A_557 = arith.constant 0 : i32
      %add3A_558 = arith.addi %mul3A_556, %add3A_557 : i32
      %rem3A = arith.constant 24 : i32
      %rem3A_559 = arith.remsi %add3A_558, %rem3A : i32
      %slice3A_560 = vector.extract_strided_slice %get3A_548 {offsets = [7], sizes = [1], strides = [1]} : vector<16xi32> to vector<1xi32>
      %squeeze3A_561 = vector.extract %slice3A_560[0] : i32 from vector<1xi32>
      %add3A_562 = arith.constant 24 : i32
      %add3A_563 = arith.addi %add3A_558, %add3A_562 : i32
      %sub3A = arith.constant 1 : i32
      %sub3A_564 = arith.subi %add3A_563, %sub3A : i32
      %lt3A = arith.constant 512 : i32
      %lt3A_565 = arith.cmpi slt, %sub3A_564, %lt3A : i32
      %convert_element_type3A = arith.extui %lt3A_565 : i1 to i32
      %cond3A = arith.constant 0 : i32
      %cond3A_566 = arith.cmpi ne, %convert_element_type3A, %cond3A : i32
      scf.if %cond3A_566 {
        %add3A_1300 = arith.constant 24 : i32
        %add3A_1301 = arith.addi %add3A_558, %add3A_1300 : i32
        %sub3A_1302 = arith.constant 1 : i32
        %sub3A_1303 = arith.subi %add3A_1301, %sub3A_1302 : i32
        %rem3A_1304 = arith.constant 24 : i32
        %rem3A_1305 = arith.remsi %sub3A_1303, %rem3A_1304 : i32
        %shift_right_arithmetic3A_1306 = arith.constant 7 : i32
        %shift_right_arithmetic3A_1307 = arith.shrsi %squeeze3A_561, %shift_right_arithmetic3A_1306 : i32
        %mul3A_1308 = arith.constant 128 : i32
        %mul3A_1309 = arith.muli %shift_right_arithmetic3A_1307, %mul3A_1308 : i32
        %multiple_of3A_1310 = tpu.assume_multiple %mul3A_1309, 128 : i32
        %dma_start3A_1311 = arith.constant 0 : i32
        %dma_start3A_1312 = arith.constant 0 : i32
        %dma_start3A_1313 = tpu.memref_slice %arg6[%rem3A_1305, %dma_start3A_1311, %dma_start3A_1312] : memref<24x32x128xf32, #tpu.memory_space<vmem>> -> memref<1x32x128xf32, #tpu.memory_space<vmem>>
        %dma_start3A_1314 = tpu.memref_squeeze %dma_start3A_1313 : memref<1x32x128xf32, #tpu.memory_space<vmem>> -> memref<32x128xf32, #tpu.memory_space<vmem>>
        %dma_start3A_1315 = arith.constant 0 : i32
        %dma_start3A_1316 = tpu.memref_slice %arg3[%dma_start3A_1315, %multiple_of3A_1310] : memref<32x1000000xf32, #tpu.memory_space<hbm>> -> memref<32x128xf32, #tpu.memory_space<hbm>>
        %dma_start3A_1317 = tpu.memref_slice %arg8[%rem3A_1305] : memref<24x!tpu.dma_semaphore, #tpu.memory_space<semaphore_mem>> -> memref<1x!tpu.dma_semaphore, #tpu.memory_space<semaphore_mem>>
        %dma_start3A_1318 = tpu.memref_squeeze %dma_start3A_1317 : memref<1x!tpu.dma_semaphore, #tpu.memory_space<semaphore_mem>> -> memref<!tpu.dma_semaphore, #tpu.memory_space<semaphore_mem>>
        %dma_start3A_1319 = arith.constant 0 : i32
        %dma_start3A_1320 = arith.constant 0 : i32
        %dma_start3A_1321 = tpu.memref_slice %arg6[%rem3A_1305, %dma_start3A_1319, %dma_start3A_1320] : memref<24x32x128xf32, #tpu.memory_space<vmem>> -> memref<1x32x128xf32, #tpu.memory_space<vmem>>
        %dma_start3A_1322 = tpu.memref_squeeze %dma_start3A_1321 : memref<1x32x128xf32, #tpu.memory_space<vmem>> -> memref<32x128xf32, #tpu.memory_space<vmem>>
        %dma_start3A_1323 = arith.constant 0 : i32
        %dma_start3A_1324 = tpu.memref_slice %arg3[%dma_start3A_1323, %multiple_of3A_1310] : memref<32x1000000xf32, #tpu.memory_space<hbm>> -> memref<32x128xf32, #tpu.memory_space<hbm>>
        tpu.enqueue_dma source(%dma_start3A_1324 : memref<32x128xf32, #tpu.memory_space<hbm>>) target(%dma_start3A_1322 : memref<32x128xf32, #tpu.memory_space<vmem>>) target_semaphore(%dma_start3A_1318 : memref<!tpu.dma_semaphore, #tpu.memory_space<semaphore_mem>>)
      } else {
      }
      %dma_wait3A = arith.constant 0 : i32
      %dma_wait3A_567 = arith.constant 0 : i32
      %dma_wait3A_568 = tpu.memref_slice %arg6[%rem3A_559, %dma_wait3A, %dma_wait3A_567] : memref<24x32x128xf32, #tpu.memory_space<vmem>> -> memref<1x32x128xf32, #tpu.memory_space<vmem>>
      %dma_wait3A_569 = tpu.memref_squeeze %dma_wait3A_568 : memref<1x32x128xf32, #tpu.memory_space<vmem>> -> memref<32x128xf32, #tpu.memory_space<vmem>>
      %dma_wait3A_570 = arith.constant 0 : i32
      %dma_wait3A_571 = arith.constant 0 : i32
      %dma_wait3A_572 = tpu.memref_slice %arg3[%dma_wait3A_570, %dma_wait3A_571] : memref<32x1000000xf32, #tpu.memory_space<hbm>> -> memref<32x128xf32, #tpu.memory_space<hbm>>
      %dma_wait3A_573 = tpu.memref_slice %arg8[%rem3A_559] : memref<24x!tpu.dma_semaphore, #tpu.memory_space<semaphore_mem>> -> memref<1x!tpu.dma_semaphore, #tpu.memory_space<semaphore_mem>>
      %dma_wait3A_574 = tpu.memref_squeeze %dma_wait3A_573 : memref<1x!tpu.dma_semaphore, #tpu.memory_space<semaphore_mem>> -> memref<!tpu.dma_semaphore, #tpu.memory_space<semaphore_mem>>
      %dma_wait3A_575 = arith.constant 0 : i32
      %dma_wait3A_576 = arith.constant 0 : i32
      %dma_wait3A_577 = tpu.memref_slice %arg6[%rem3A_559, %dma_wait3A_575, %dma_wait3A_576] : memref<24x32x128xf32, #tpu.memory_space<vmem>> -> memref<1x32x128xf32, #tpu.memory_space<vmem>>
      %dma_wait3A_578 = tpu.memref_squeeze %dma_wait3A_577 : memref<1x32x128xf32, #tpu.memory_space<vmem>> -> memref<32x128xf32, #tpu.memory_space<vmem>>
      %dma_wait3A_579 = arith.constant 0 : i32
      %dma_wait3A_580 = arith.constant 0 : i32
      %dma_wait3A_581 = tpu.memref_slice %arg3[%dma_wait3A_579, %dma_wait3A_580] : memref<32x1000000xf32, #tpu.memory_space<hbm>> -> memref<32x128xf32, #tpu.memory_space<hbm>>
      tpu.wait_dma2 semaphore(%dma_wait3A_574 : memref<!tpu.dma_semaphore, #tpu.memory_space<semaphore_mem>>) src(%dma_wait3A_581 : memref<32x128xf32, #tpu.memory_space<hbm>>) dst(%dma_wait3A_578 : memref<32x128xf32, #tpu.memory_space<vmem>>)
      %slice3A_582 = vector.extract_strided_slice %get3A_542 {offsets = [0], sizes = [1], strides = [1]} : vector<16xi32> to vector<1xi32>
      %squeeze3A_583 = vector.extract %slice3A_582[0] : i32 from vector<1xi32>
      %and3A = arith.constant 127 : i32
      %and3A_584 = arith.andi %squeeze3A_583, %and3A : i32
      %broadcast_in_dim3A = vector.broadcast %and3A_584 : i32 to vector<16xi32>
      %broadcast_in_dim3A_585 = vector.broadcast %add3A_558 : i32 to vector<16xi32>
      %gather3A = arith.constant 0 : i32
      %gather3A_586 = arith.constant 0 : i32
      %gather3A_587 = tpu.memref_slice %arg6[%rem3A_559, %gather3A, %gather3A_586] : memref<24x32x128xf32, #tpu.memory_space<vmem>> -> memref<1x32x128xf32, #tpu.memory_space<vmem>>
      %gather3A_588 = tpu.memref_squeeze %gather3A_587 : memref<1x32x128xf32, #tpu.memory_space<vmem>> -> memref<32x128xf32, #tpu.memory_space<vmem>>
      %gather3A_589 = tpu.vector_load_idx %gather3A_588[%iota3A, %broadcast_in_dim3A] : memref<32x128xf32, #tpu.memory_space<vmem>>[vector<16xi32>, vector<16xi32>], vector<16xf32>,
      %gather3A_590 = arith.constant 0 : i32
      %gather3A_591 = arith.constant 0 : i32
      %gather3A_592 = tpu.memref_slice %arg6[%rem3A_559, %gather3A_590, %gather3A_591] : memref<24x32x128xf32, #tpu.memory_space<vmem>> -> memref<1x32x128xf32, #tpu.memory_space<vmem>>
      %gather3A_593 = tpu.memref_squeeze %gather3A_592 : memref<1x32x128xf32, #tpu.memory_space<vmem>> -> memref<32x128xf32, #tpu.memory_space<vmem>>
      %gather3A_594 = tpu.vector_load_idx %gather3A_593[%add3A_532, %broadcast_in_dim3A] : memref<32x128xf32, #tpu.memory_space<vmem>>[vector<16xi32>, vector<16xi32>], vector<16xf32>,
      tpu.vector_store_idx %arg7[%iota3A, %broadcast_in_dim3A_585], %gather3A_589 : memref<32x512xf32, #tpu.memory_space<vmem>>[vector<16xi32>, vector<16xi32>], vector<16xf32>,
      tpu.vector_store_idx %arg7[%add3A_532, %broadcast_in_dim3A_585], %gather3A_594 : memref<32x512xf32, #tpu.memory_space<vmem>>[vector<16xi32>, vector<16xi32>], vector<16xf32>,
      %add3A_595 = arith.constant 1 : i32
      %add3A_596 = arith.addi %mul3A_556, %add3A_595 : i32
      %rem3A_597 = arith.constant 24 : i32
      %rem3A_598 = arith.remsi %add3A_596, %rem3A_597 : i32
      %slice3A_599 = vector.extract_strided_slice %get3A_548 {offsets = [8], sizes = [1], strides = [1]} : vector<16xi32> to vector<1xi32>
      %squeeze3A_600 = vector.extract %slice3A_599[0] : i32 from vector<1xi32>
      %add3A_601 = arith.constant 24 : i32
      %add3A_602 = arith.addi %add3A_596, %add3A_601 : i32
      %sub3A_603 = arith.constant 1 : i32
      %sub3A_604 = arith.subi %add3A_602, %sub3A_603 : i32
      %lt3A_605 = arith.constant 512 : i32
      %lt3A_606 = arith.cmpi slt, %sub3A_604, %lt3A_605 : i32
      %convert_element_type3A_607 = arith.extui %lt3A_606 : i1 to i32
      %cond3A_608 = arith.constant 0 : i32
      %cond3A_609 = arith.cmpi ne, %convert_element_type3A_607, %cond3A_608 : i32
      scf.if %cond3A_609 {
        %add3A_1300 = arith.constant 24 : i32
        %add3A_1301 = arith.addi %add3A_596, %add3A_1300 : i32
        %sub3A_1302 = arith.constant 1 : i32
        %sub3A_1303 = arith.subi %add3A_1301, %sub3A_1302 : i32
        %rem3A_1304 = arith.constant 24 : i32
        %rem3A_1305 = arith.remsi %sub3A_1303, %rem3A_1304 : i32
        %shift_right_arithmetic3A_1306 = arith.constant 7 : i32
        %shift_right_arithmetic3A_1307 = arith.shrsi %squeeze3A_600, %shift_right_arithmetic3A_1306 : i32
        %mul3A_1308 = arith.constant 128 : i32
        %mul3A_1309 = arith.muli %shift_right_arithmetic3A_1307, %mul3A_1308 : i32
        %multiple_of3A_1310 = tpu.assume_multiple %mul3A_1309, 128 : i32
        %dma_start3A_1311 = arith.constant 0 : i32
        %dma_start3A_1312 = arith.constant 0 : i32
        %dma_start3A_1313 = tpu.memref_slice %arg6[%rem3A_1305, %dma_start3A_1311, %dma_start3A_1312] : memref<24x32x128xf32, #tpu.memory_space<vmem>> -> memref<1x32x128xf32, #tpu.memory_space<vmem>>
        %dma_start3A_1314 = tpu.memref_squeeze %dma_start3A_1313 : memref<1x32x128xf32, #tpu.memory_space<vmem>> -> memref<32x128xf32, #tpu.memory_space<vmem>>
        %dma_start3A_1315 = arith.constant 0 : i32
        %dma_start3A_1316 = tpu.memref_slice %arg3[%dma_start3A_1315, %multiple_of3A_1310] : memref<32x1000000xf32, #tpu.memory_space<hbm>> -> memref<32x128xf32, #tpu.memory_space<hbm>>
        %dma_start3A_1317 = tpu.memref_slice %arg8[%rem3A_1305] : memref<24x!tpu.dma_semaphore, #tpu.memory_space<semaphore_mem>> -> memref<1x!tpu.dma_semaphore, #tpu.memory_space<semaphore_mem>>
        %dma_start3A_1318 = tpu.memref_squeeze %dma_start3A_1317 : memref<1x!tpu.dma_semaphore, #tpu.memory_space<semaphore_mem>> -> memref<!tpu.dma_semaphore, #tpu.memory_space<semaphore_mem>>
        %dma_start3A_1319 = arith.constant 0 : i32
        %dma_start3A_1320 = arith.constant 0 : i32
        %dma_start3A_1321 = tpu.memref_slice %arg6[%rem3A_1305, %dma_start3A_1319, %dma_start3A_1320] : memref<24x32x128xf32, #tpu.memory_space<vmem>> -> memref<1x32x128xf32, #tpu.memory_space<vmem>>
        %dma_start3A_1322 = tpu.memref_squeeze %dma_start3A_1321 : memref<1x32x128xf32, #tpu.memory_space<vmem>> -> memref<32x128xf32, #tpu.memory_space<vmem>>
        %dma_start3A_1323 = arith.constant 0 : i32
        %dma_start3A_1324 = tpu.memref_slice %arg3[%dma_start3A_1323, %multiple_of3A_1310] : memref<32x1000000xf32, #tpu.memory_space<hbm>> -> memref<32x128xf32, #tpu.memory_space<hbm>>
        tpu.enqueue_dma source(%dma_start3A_1324 : memref<32x128xf32, #tpu.memory_space<hbm>>) target(%dma_start3A_1322 : memref<32x128xf32, #tpu.memory_space<vmem>>) target_semaphore(%dma_start3A_1318 : memref<!tpu.dma_semaphore, #tpu.memory_space<semaphore_mem>>)
      } else {
      }
      %dma_wait3A_610 = arith.constant 0 : i32
      %dma_wait3A_611 = arith.constant 0 : i32
      %dma_wait3A_612 = tpu.memref_slice %arg6[%rem3A_598, %dma_wait3A_610, %dma_wait3A_611] : memref<24x32x128xf32, #tpu.memory_space<vmem>> -> memref<1x32x128xf32, #tpu.memory_space<vmem>>
      %dma_wait3A_613 = tpu.memref_squeeze %dma_wait3A_612 : memref<1x32x128xf32, #tpu.memory_space<vmem>> -> memref<32x128xf32, #tpu.memory_space<vmem>>
      %dma_wait3A_614 = arith.constant 0 : i32
      %dma_wait3A_615 = arith.constant 0 : i32
      %dma_wait3A_616 = tpu.memref_slice %arg3[%dma_wait3A_614, %dma_wait3A_615] : memref<32x1000000xf32, #tpu.memory_space<hbm>> -> memref<32x128xf32, #tpu.memory_space<hbm>>
      %dma_wait3A_617 = tpu.memref_slice %arg8[%rem3A_598] : memref<24x!tpu.dma_semaphore, #tpu.memory_space<semaphore_mem>> -> memref<1x!tpu.dma_semaphore, #tpu.memory_space<semaphore_mem>>
      %dma_wait3A_618 = tpu.memref_squeeze %dma_wait3A_617 : memref<1x!tpu.dma_semaphore, #tpu.memory_space<semaphore_mem>> -> memref<!tpu.dma_semaphore, #tpu.memory_space<semaphore_mem>>
      %dma_wait3A_619 = arith.constant 0 : i32
      %dma_wait3A_620 = arith.constant 0 : i32
      %dma_wait3A_621 = tpu.memref_slice %arg6[%rem3A_598, %dma_wait3A_619, %dma_wait3A_620] : memref<24x32x128xf32, #tpu.memory_space<vmem>> -> memref<1x32x128xf32, #tpu.memory_space<vmem>>
      %dma_wait3A_622 = tpu.memref_squeeze %dma_wait3A_621 : memref<1x32x128xf32, #tpu.memory_space<vmem>> -> memref<32x128xf32, #tpu.memory_space<vmem>>
      %dma_wait3A_623 = arith.constant 0 : i32
      %dma_wait3A_624 = arith.constant 0 : i32
      %dma_wait3A_625 = tpu.memref_slice %arg3[%dma_wait3A_623, %dma_wait3A_624] : memref<32x1000000xf32, #tpu.memory_space<hbm>> -> memref<32x128xf32, #tpu.memory_space<hbm>>
      tpu.wait_dma2 semaphore(%dma_wait3A_618 : memref<!tpu.dma_semaphore, #tpu.memory_space<semaphore_mem>>) src(%dma_wait3A_625 : memref<32x128xf32, #tpu.memory_space<hbm>>) dst(%dma_wait3A_622 : memref<32x128xf32, #tpu.memory_space<vmem>>)
      %slice3A_626 = vector.extract_strided_slice %get3A_542 {offsets = [1], sizes = [1], strides = [1]} : vector<16xi32> to vector<1xi32>
      %squeeze3A_627 = vector.extract %slice3A_626[0] : i32 from vector<1xi32>
      %and3A_628 = arith.constant 127 : i32
      %and3A_629 = arith.andi %squeeze3A_627, %and3A_628 : i32
      %broadcast_in_dim3A_630 = vector.broadcast %and3A_629 : i32 to vector<16xi32>
      %broadcast_in_dim3A_631 = vector.broadcast %add3A_596 : i32 to vector<16xi32>
      %gather3A_632 = arith.constant 0 : i32
      %gather3A_633 = arith.constant 0 : i32
      %gather3A_634 = tpu.memref_slice %arg6[%rem3A_598, %gather3A_632, %gather3A_633] : memref<24x32x128xf32, #tpu.memory_space<vmem>> -> memref<1x32x128xf32, #tpu.memory_space<vmem>>
      %gather3A_635 = tpu.memref_squeeze %gather3A_634 : memref<1x32x128xf32, #tpu.memory_space<vmem>> -> memref<32x128xf32, #tpu.memory_space<vmem>>
      %gather3A_636 = tpu.vector_load_idx %gather3A_635[%iota3A, %broadcast_in_dim3A_630] : memref<32x128xf32, #tpu.memory_space<vmem>>[vector<16xi32>, vector<16xi32>], vector<16xf32>,
      %gather3A_637 = arith.constant 0 : i32
      %gather3A_638 = arith.constant 0 : i32
      %gather3A_639 = tpu.memref_slice %arg6[%rem3A_598, %gather3A_637, %gather3A_638] : memref<24x32x128xf32, #tpu.memory_space<vmem>> -> memref<1x32x128xf32, #tpu.memory_space<vmem>>
      %gather3A_640 = tpu.memref_squeeze %gather3A_639 : memref<1x32x128xf32, #tpu.memory_space<vmem>> -> memref<32x128xf32, #tpu.memory_space<vmem>>
      %gather3A_641 = tpu.vector_load_idx %gather3A_640[%add3A_532, %broadcast_in_dim3A_630] : memref<32x128xf32, #tpu.memory_space<vmem>>[vector<16xi32>, vector<16xi32>], vector<16xf32>,
      tpu.vector_store_idx %arg7[%iota3A, %broadcast_in_dim3A_631], %gather3A_636 : memref<32x512xf32, #tpu.memory_space<vmem>>[vector<16xi32>, vector<16xi32>], vector<16xf32>,
      tpu.vector_store_idx %arg7[%add3A_532, %broadcast_in_dim3A_631], %gather3A_641 : memref<32x512xf32, #tpu.memory_space<vmem>>[vector<16xi32>, vector<16xi32>], vector<16xf32>,
      %add3A_642 = arith.constant 2 : i32
      %add3A_643 = arith.addi %mul3A_556, %add3A_642 : i32
      %rem3A_644 = arith.constant 24 : i32
      %rem3A_645 = arith.remsi %add3A_643, %rem3A_644 : i32
      %slice3A_646 = vector.extract_strided_slice %get3A_548 {offsets = [9], sizes = [1], strides = [1]} : vector<16xi32> to vector<1xi32>
      %squeeze3A_647 = vector.extract %slice3A_646[0] : i32 from vector<1xi32>
      %add3A_648 = arith.constant 24 : i32
      %add3A_649 = arith.addi %add3A_643, %add3A_648 : i32
      %sub3A_650 = arith.constant 1 : i32
      %sub3A_651 = arith.subi %add3A_649, %sub3A_650 : i32
      %lt3A_652 = arith.constant 512 : i32
      %lt3A_653 = arith.cmpi slt, %sub3A_651, %lt3A_652 : i32
      %convert_element_type3A_654 = arith.extui %lt3A_653 : i1 to i32
      %cond3A_655 = arith.constant 0 : i32
      %cond3A_656 = arith.cmpi ne, %convert_element_type3A_654, %cond3A_655 : i32
      scf.if %cond3A_656 {
        %add3A_1300 = arith.constant 24 : i32
        %add3A_1301 = arith.addi %add3A_643, %add3A_1300 : i32
        %sub3A_1302 = arith.constant 1 : i32
        %sub3A_1303 = arith.subi %add3A_1301, %sub3A_1302 : i32
        %rem3A_1304 = arith.constant 24 : i32
        %rem3A_1305 = arith.remsi %sub3A_1303, %rem3A_1304 : i32
        %shift_right_arithmetic3A_1306 = arith.constant 7 : i32
        %shift_right_arithmetic3A_1307 = arith.shrsi %squeeze3A_647, %shift_right_arithmetic3A_1306 : i32
        %mul3A_1308 = arith.constant 128 : i32
        %mul3A_1309 = arith.muli %shift_right_arithmetic3A_1307, %mul3A_1308 : i32
        %multiple_of3A_1310 = tpu.assume_multiple %mul3A_1309, 128 : i32
        %dma_start3A_1311 = arith.constant 0 : i32
        %dma_start3A_1312 = arith.constant 0 : i32
        %dma_start3A_1313 = tpu.memref_slice %arg6[%rem3A_1305, %dma_start3A_1311, %dma_start3A_1312] : memref<24x32x128xf32, #tpu.memory_space<vmem>> -> memref<1x32x128xf32, #tpu.memory_space<vmem>>
        %dma_start3A_1314 = tpu.memref_squeeze %dma_start3A_1313 : memref<1x32x128xf32, #tpu.memory_space<vmem>> -> memref<32x128xf32, #tpu.memory_space<vmem>>
        %dma_start3A_1315 = arith.constant 0 : i32
        %dma_start3A_1316 = tpu.memref_slice %arg3[%dma_start3A_1315, %multiple_of3A_1310] : memref<32x1000000xf32, #tpu.memory_space<hbm>> -> memref<32x128xf32, #tpu.memory_space<hbm>>
        %dma_start3A_1317 = tpu.memref_slice %arg8[%rem3A_1305] : memref<24x!tpu.dma_semaphore, #tpu.memory_space<semaphore_mem>> -> memref<1x!tpu.dma_semaphore, #tpu.memory_space<semaphore_mem>>
        %dma_start3A_1318 = tpu.memref_squeeze %dma_start3A_1317 : memref<1x!tpu.dma_semaphore, #tpu.memory_space<semaphore_mem>> -> memref<!tpu.dma_semaphore, #tpu.memory_space<semaphore_mem>>
        %dma_start3A_1319 = arith.constant 0 : i32
        %dma_start3A_1320 = arith.constant 0 : i32
        %dma_start3A_1321 = tpu.memref_slice %arg6[%rem3A_1305, %dma_start3A_1319, %dma_start3A_1320] : memref<24x32x128xf32, #tpu.memory_space<vmem>> -> memref<1x32x128xf32, #tpu.memory_space<vmem>>
        %dma_start3A_1322 = tpu.memref_squeeze %dma_start3A_1321 : memref<1x32x128xf32, #tpu.memory_space<vmem>> -> memref<32x128xf32, #tpu.memory_space<vmem>>
        %dma_start3A_1323 = arith.constant 0 : i32
        %dma_start3A_1324 = tpu.memref_slice %arg3[%dma_start3A_1323, %multiple_of3A_1310] : memref<32x1000000xf32, #tpu.memory_space<hbm>> -> memref<32x128xf32, #tpu.memory_space<hbm>>
        tpu.enqueue_dma source(%dma_start3A_1324 : memref<32x128xf32, #tpu.memory_space<hbm>>) target(%dma_start3A_1322 : memref<32x128xf32, #tpu.memory_space<vmem>>) target_semaphore(%dma_start3A_1318 : memref<!tpu.dma_semaphore, #tpu.memory_space<semaphore_mem>>)
      } else {
      }
      %dma_wait3A_657 = arith.constant 0 : i32
      %dma_wait3A_658 = arith.constant 0 : i32
      %dma_wait3A_659 = tpu.memref_slice %arg6[%rem3A_645, %dma_wait3A_657, %dma_wait3A_658] : memref<24x32x128xf32, #tpu.memory_space<vmem>> -> memref<1x32x128xf32, #tpu.memory_space<vmem>>
      %dma_wait3A_660 = tpu.memref_squeeze %dma_wait3A_659 : memref<1x32x128xf32, #tpu.memory_space<vmem>> -> memref<32x128xf32, #tpu.memory_space<vmem>>
      %dma_wait3A_661 = arith.constant 0 : i32
      %dma_wait3A_662 = arith.constant 0 : i32
      %dma_wait3A_663 = tpu.memref_slice %arg3[%dma_wait3A_661, %dma_wait3A_662] : memref<32x1000000xf32, #tpu.memory_space<hbm>> -> memref<32x128xf32, #tpu.memory_space<hbm>>
      %dma_wait3A_664 = tpu.memref_slice %arg8[%rem3A_645] : memref<24x!tpu.dma_semaphore, #tpu.memory_space<semaphore_mem>> -> memref<1x!tpu.dma_semaphore, #tpu.memory_space<semaphore_mem>>
      %dma_wait3A_665 = tpu.memref_squeeze %dma_wait3A_664 : memref<1x!tpu.dma_semaphore, #tpu.memory_space<semaphore_mem>> -> memref<!tpu.dma_semaphore, #tpu.memory_space<semaphore_mem>>
      %dma_wait3A_666 = arith.constant 0 : i32
      %dma_wait3A_667 = arith.constant 0 : i32
      %dma_wait3A_668 = tpu.memref_slice %arg6[%rem3A_645, %dma_wait3A_666, %dma_wait3A_667] : memref<24x32x128xf32, #tpu.memory_space<vmem>> -> memref<1x32x128xf32, #tpu.memory_space<vmem>>
      %dma_wait3A_669 = tpu.memref_squeeze %dma_wait3A_668 : memref<1x32x128xf32, #tpu.memory_space<vmem>> -> memref<32x128xf32, #tpu.memory_space<vmem>>
      %dma_wait3A_670 = arith.constant 0 : i32
      %dma_wait3A_671 = arith.constant 0 : i32
      %dma_wait3A_672 = tpu.memref_slice %arg3[%dma_wait3A_670, %dma_wait3A_671] : memref<32x1000000xf32, #tpu.memory_space<hbm>> -> memref<32x128xf32, #tpu.memory_space<hbm>>
      tpu.wait_dma2 semaphore(%dma_wait3A_665 : memref<!tpu.dma_semaphore, #tpu.memory_space<semaphore_mem>>) src(%dma_wait3A_672 : memref<32x128xf32, #tpu.memory_space<hbm>>) dst(%dma_wait3A_669 : memref<32x128xf32, #tpu.memory_space<vmem>>)
      %slice3A_673 = vector.extract_strided_slice %get3A_542 {offsets = [2], sizes = [1], strides = [1]} : vector<16xi32> to vector<1xi32>
      %squeeze3A_674 = vector.extract %slice3A_673[0] : i32 from vector<1xi32>
      %and3A_675 = arith.constant 127 : i32
      %and3A_676 = arith.andi %squeeze3A_674, %and3A_675 : i32
      %broadcast_in_dim3A_677 = vector.broadcast %and3A_676 : i32 to vector<16xi32>
      %broadcast_in_dim3A_678 = vector.broadcast %add3A_643 : i32 to vector<16xi32>
      %gather3A_679 = arith.constant 0 : i32
      %gather3A_680 = arith.constant 0 : i32
      %gather3A_681 = tpu.memref_slice %arg6[%rem3A_645, %gather3A_679, %gather3A_680] : memref<24x32x128xf32, #tpu.memory_space<vmem>> -> memref<1x32x128xf32, #tpu.memory_space<vmem>>
      %gather3A_682 = tpu.memref_squeeze %gather3A_681 : memref<1x32x128xf32, #tpu.memory_space<vmem>> -> memref<32x128xf32, #tpu.memory_space<vmem>>
      %gather3A_683 = tpu.vector_load_idx %gather3A_682[%iota3A, %broadcast_in_dim3A_677] : memref<32x128xf32, #tpu.memory_space<vmem>>[vector<16xi32>, vector<16xi32>], vector<16xf32>,
      %gather3A_684 = arith.constant 0 : i32
      %gather3A_685 = arith.constant 0 : i32
      %gather3A_686 = tpu.memref_slice %arg6[%rem3A_645, %gather3A_684, %gather3A_685] : memref<24x32x128xf32, #tpu.memory_space<vmem>> -> memref<1x32x128xf32, #tpu.memory_space<vmem>>
      %gather3A_687 = tpu.memref_squeeze %gather3A_686 : memref<1x32x128xf32, #tpu.memory_space<vmem>> -> memref<32x128xf32, #tpu.memory_space<vmem>>
      %gather3A_688 = tpu.vector_load_idx %gather3A_687[%add3A_532, %broadcast_in_dim3A_677] : memref<32x128xf32, #tpu.memory_space<vmem>>[vector<16xi32>, vector<16xi32>], vector<16xf32>,
      tpu.vector_store_idx %arg7[%iota3A, %broadcast_in_dim3A_678], %gather3A_683 : memref<32x512xf32, #tpu.memory_space<vmem>>[vector<16xi32>, vector<16xi32>], vector<16xf32>,
      tpu.vector_store_idx %arg7[%add3A_532, %broadcast_in_dim3A_678], %gather3A_688 : memref<32x512xf32, #tpu.memory_space<vmem>>[vector<16xi32>, vector<16xi32>], vector<16xf32>,
      %add3A_689 = arith.constant 3 : i32
      %add3A_690 = arith.addi %mul3A_556, %add3A_689 : i32
      %rem3A_691 = arith.constant 24 : i32
      %rem3A_692 = arith.remsi %add3A_690, %rem3A_691 : i32
      %slice3A_693 = vector.extract_strided_slice %get3A_548 {offsets = [10], sizes = [1], strides = [1]} : vector<16xi32> to vector<1xi32>
      %squeeze3A_694 = vector.extract %slice3A_693[0] : i32 from vector<1xi32>
      %add3A_695 = arith.constant 24 : i32
      %add3A_696 = arith.addi %add3A_690, %add3A_695 : i32
      %sub3A_697 = arith.constant 1 : i32
      %sub3A_698 = arith.subi %add3A_696, %sub3A_697 : i32
      %lt3A_699 = arith.constant 512 : i32
      %lt3A_700 = arith.cmpi slt, %sub3A_698, %lt3A_699 : i32
      %convert_element_type3A_701 = arith.extui %lt3A_700 : i1 to i32
      %cond3A_702 = arith.constant 0 : i32
      %cond3A_703 = arith.cmpi ne, %convert_element_type3A_701, %cond3A_702 : i32
      scf.if %cond3A_703 {
        %add3A_1300 = arith.constant 24 : i32
        %add3A_1301 = arith.addi %add3A_690, %add3A_1300 : i32
        %sub3A_1302 = arith.constant 1 : i32
        %sub3A_1303 = arith.subi %add3A_1301, %sub3A_1302 : i32
        %rem3A_1304 = arith.constant 24 : i32
        %rem3A_1305 = arith.remsi %sub3A_1303, %rem3A_1304 : i32
        %shift_right_arithmetic3A_1306 = arith.constant 7 : i32
        %shift_right_arithmetic3A_1307 = arith.shrsi %squeeze3A_694, %shift_right_arithmetic3A_1306 : i32
        %mul3A_1308 = arith.constant 128 : i32
        %mul3A_1309 = arith.muli %shift_right_arithmetic3A_1307, %mul3A_1308 : i32
        %multiple_of3A_1310 = tpu.assume_multiple %mul3A_1309, 128 : i32
        %dma_start3A_1311 = arith.constant 0 : i32
        %dma_start3A_1312 = arith.constant 0 : i32
        %dma_start3A_1313 = tpu.memref_slice %arg6[%rem3A_1305, %dma_start3A_1311, %dma_start3A_1312] : memref<24x32x128xf32, #tpu.memory_space<vmem>> -> memref<1x32x128xf32, #tpu.memory_space<vmem>>
        %dma_start3A_1314 = tpu.memref_squeeze %dma_start3A_1313 : memref<1x32x128xf32, #tpu.memory_space<vmem>> -> memref<32x128xf32, #tpu.memory_space<vmem>>
        %dma_start3A_1315 = arith.constant 0 : i32
        %dma_start3A_1316 = tpu.memref_slice %arg3[%dma_start3A_1315, %multiple_of3A_1310] : memref<32x1000000xf32, #tpu.memory_space<hbm>> -> memref<32x128xf32, #tpu.memory_space<hbm>>
        %dma_start3A_1317 = tpu.memref_slice %arg8[%rem3A_1305] : memref<24x!tpu.dma_semaphore, #tpu.memory_space<semaphore_mem>> -> memref<1x!tpu.dma_semaphore, #tpu.memory_space<semaphore_mem>>
        %dma_start3A_1318 = tpu.memref_squeeze %dma_start3A_1317 : memref<1x!tpu.dma_semaphore, #tpu.memory_space<semaphore_mem>> -> memref<!tpu.dma_semaphore, #tpu.memory_space<semaphore_mem>>
        %dma_start3A_1319 = arith.constant 0 : i32
        %dma_start3A_1320 = arith.constant 0 : i32
        %dma_start3A_1321 = tpu.memref_slice %arg6[%rem3A_1305, %dma_start3A_1319, %dma_start3A_1320] : memref<24x32x128xf32, #tpu.memory_space<vmem>> -> memref<1x32x128xf32, #tpu.memory_space<vmem>>
        %dma_start3A_1322 = tpu.memref_squeeze %dma_start3A_1321 : memref<1x32x128xf32, #tpu.memory_space<vmem>> -> memref<32x128xf32, #tpu.memory_space<vmem>>
        %dma_start3A_1323 = arith.constant 0 : i32
        %dma_start3A_1324 = tpu.memref_slice %arg3[%dma_start3A_1323, %multiple_of3A_1310] : memref<32x1000000xf32, #tpu.memory_space<hbm>> -> memref<32x128xf32, #tpu.memory_space<hbm>>
        tpu.enqueue_dma source(%dma_start3A_1324 : memref<32x128xf32, #tpu.memory_space<hbm>>) target(%dma_start3A_1322 : memref<32x128xf32, #tpu.memory_space<vmem>>) target_semaphore(%dma_start3A_1318 : memref<!tpu.dma_semaphore, #tpu.memory_space<semaphore_mem>>)
      } else {
      }
      %dma_wait3A_704 = arith.constant 0 : i32
      %dma_wait3A_705 = arith.constant 0 : i32
      %dma_wait3A_706 = tpu.memref_slice %arg6[%rem3A_692, %dma_wait3A_704, %dma_wait3A_705] : memref<24x32x128xf32, #tpu.memory_space<vmem>> -> memref<1x32x128xf32, #tpu.memory_space<vmem>>
      %dma_wait3A_707 = tpu.memref_squeeze %dma_wait3A_706 : memref<1x32x128xf32, #tpu.memory_space<vmem>> -> memref<32x128xf32, #tpu.memory_space<vmem>>
      %dma_wait3A_708 = arith.constant 0 : i32
      %dma_wait3A_709 = arith.constant 0 : i32
      %dma_wait3A_710 = tpu.memref_slice %arg3[%dma_wait3A_708, %dma_wait3A_709] : memref<32x1000000xf32, #tpu.memory_space<hbm>> -> memref<32x128xf32, #tpu.memory_space<hbm>>
      %dma_wait3A_711 = tpu.memref_slice %arg8[%rem3A_692] : memref<24x!tpu.dma_semaphore, #tpu.memory_space<semaphore_mem>> -> memref<1x!tpu.dma_semaphore, #tpu.memory_space<semaphore_mem>>
      %dma_wait3A_712 = tpu.memref_squeeze %dma_wait3A_711 : memref<1x!tpu.dma_semaphore, #tpu.memory_space<semaphore_mem>> -> memref<!tpu.dma_semaphore, #tpu.memory_space<semaphore_mem>>
      %dma_wait3A_713 = arith.constant 0 : i32
      %dma_wait3A_714 = arith.constant 0 : i32
      %dma_wait3A_715 = tpu.memref_slice %arg6[%rem3A_692, %dma_wait3A_713, %dma_wait3A_714] : memref<24x32x128xf32, #tpu.memory_space<vmem>> -> memref<1x32x128xf32, #tpu.memory_space<vmem>>
      %dma_wait3A_716 = tpu.memref_squeeze %dma_wait3A_715 : memref<1x32x128xf32, #tpu.memory_space<vmem>> -> memref<32x128xf32, #tpu.memory_space<vmem>>
      %dma_wait3A_717 = arith.constant 0 : i32
      %dma_wait3A_718 = arith.constant 0 : i32
      %dma_wait3A_719 = tpu.memref_slice %arg3[%dma_wait3A_717, %dma_wait3A_718] : memref<32x1000000xf32, #tpu.memory_space<hbm>> -> memref<32x128xf32, #tpu.memory_space<hbm>>
      tpu.wait_dma2 semaphore(%dma_wait3A_712 : memref<!tpu.dma_semaphore, #tpu.memory_space<semaphore_mem>>) src(%dma_wait3A_719 : memref<32x128xf32, #tpu.memory_space<hbm>>) dst(%dma_wait3A_716 : memref<32x128xf32, #tpu.memory_space<vmem>>)
      %slice3A_720 = vector.extract_strided_slice %get3A_542 {offsets = [3], sizes = [1], strides = [1]} : vector<16xi32> to vector<1xi32>
      %squeeze3A_721 = vector.extract %slice3A_720[0] : i32 from vector<1xi32>
      %and3A_722 = arith.constant 127 : i32
      %and3A_723 = arith.andi %squeeze3A_721, %and3A_722 : i32
      %broadcast_in_dim3A_724 = vector.broadcast %and3A_723 : i32 to vector<16xi32>
      %broadcast_in_dim3A_725 = vector.broadcast %add3A_690 : i32 to vector<16xi32>
      %gather3A_726 = arith.constant 0 : i32
      %gather3A_727 = arith.constant 0 : i32
      %gather3A_728 = tpu.memref_slice %arg6[%rem3A_692, %gather3A_726, %gather3A_727] : memref<24x32x128xf32, #tpu.memory_space<vmem>> -> memref<1x32x128xf32, #tpu.memory_space<vmem>>
      %gather3A_729 = tpu.memref_squeeze %gather3A_728 : memref<1x32x128xf32, #tpu.memory_space<vmem>> -> memref<32x128xf32, #tpu.memory_space<vmem>>
      %gather3A_730 = tpu.vector_load_idx %gather3A_729[%iota3A, %broadcast_in_dim3A_724] : memref<32x128xf32, #tpu.memory_space<vmem>>[vector<16xi32>, vector<16xi32>], vector<16xf32>,
      %gather3A_731 = arith.constant 0 : i32
      %gather3A_732 = arith.constant 0 : i32
      %gather3A_733 = tpu.memref_slice %arg6[%rem3A_692, %gather3A_731, %gather3A_732] : memref<24x32x128xf32, #tpu.memory_space<vmem>> -> memref<1x32x128xf32, #tpu.memory_space<vmem>>
      %gather3A_734 = tpu.memref_squeeze %gather3A_733 : memref<1x32x128xf32, #tpu.memory_space<vmem>> -> memref<32x128xf32, #tpu.memory_space<vmem>>
      %gather3A_735 = tpu.vector_load_idx %gather3A_734[%add3A_532, %broadcast_in_dim3A_724] : memref<32x128xf32, #tpu.memory_space<vmem>>[vector<16xi32>, vector<16xi32>], vector<16xf32>,
      tpu.vector_store_idx %arg7[%iota3A, %broadcast_in_dim3A_725], %gather3A_730 : memref<32x512xf32, #tpu.memory_space<vmem>>[vector<16xi32>, vector<16xi32>], vector<16xf32>,
      tpu.vector_store_idx %arg7[%add3A_532, %broadcast_in_dim3A_725], %gather3A_735 : memref<32x512xf32, #tpu.memory_space<vmem>>[vector<16xi32>, vector<16xi32>], vector<16xf32>,
      %add3A_736 = arith.constant 4 : i32
      %add3A_737 = arith.addi %mul3A_556, %add3A_736 : i32
      %rem3A_738 = arith.constant 24 : i32
      %rem3A_739 = arith.remsi %add3A_737, %rem3A_738 : i32
      %slice3A_740 = vector.extract_strided_slice %get3A_548 {offsets = [11], sizes = [1], strides = [1]} : vector<16xi32> to vector<1xi32>
      %squeeze3A_741 = vector.extract %slice3A_740[0] : i32 from vector<1xi32>
      %add3A_742 = arith.constant 24 : i32
      %add3A_743 = arith.addi %add3A_737, %add3A_742 : i32
      %sub3A_744 = arith.constant 1 : i32
      %sub3A_745 = arith.subi %add3A_743, %sub3A_744 : i32
      %lt3A_746 = arith.constant 512 : i32
      %lt3A_747 = arith.cmpi slt, %sub3A_745, %lt3A_746 : i32
      %convert_element_type3A_748 = arith.extui %lt3A_747 : i1 to i32
      %cond3A_749 = arith.constant 0 : i32
      %cond3A_750 = arith.cmpi ne, %convert_element_type3A_748, %cond3A_749 : i32
      scf.if %cond3A_750 {
        %add3A_1300 = arith.constant 24 : i32
        %add3A_1301 = arith.addi %add3A_737, %add3A_1300 : i32
        %sub3A_1302 = arith.constant 1 : i32
        %sub3A_1303 = arith.subi %add3A_1301, %sub3A_1302 : i32
        %rem3A_1304 = arith.constant 24 : i32
        %rem3A_1305 = arith.remsi %sub3A_1303, %rem3A_1304 : i32
        %shift_right_arithmetic3A_1306 = arith.constant 7 : i32
        %shift_right_arithmetic3A_1307 = arith.shrsi %squeeze3A_741, %shift_right_arithmetic3A_1306 : i32
        %mul3A_1308 = arith.constant 128 : i32
        %mul3A_1309 = arith.muli %shift_right_arithmetic3A_1307, %mul3A_1308 : i32
        %multiple_of3A_1310 = tpu.assume_multiple %mul3A_1309, 128 : i32
        %dma_start3A_1311 = arith.constant 0 : i32
        %dma_start3A_1312 = arith.constant 0 : i32
        %dma_start3A_1313 = tpu.memref_slice %arg6[%rem3A_1305, %dma_start3A_1311, %dma_start3A_1312] : memref<24x32x128xf32, #tpu.memory_space<vmem>> -> memref<1x32x128xf32, #tpu.memory_space<vmem>>
        %dma_start3A_1314 = tpu.memref_squeeze %dma_start3A_1313 : memref<1x32x128xf32, #tpu.memory_space<vmem>> -> memref<32x128xf32, #tpu.memory_space<vmem>>
        %dma_start3A_1315 = arith.constant 0 : i32
        %dma_start3A_1316 = tpu.memref_slice %arg3[%dma_start3A_1315, %multiple_of3A_1310] : memref<32x1000000xf32, #tpu.memory_space<hbm>> -> memref<32x128xf32, #tpu.memory_space<hbm>>
        %dma_start3A_1317 = tpu.memref_slice %arg8[%rem3A_1305] : memref<24x!tpu.dma_semaphore, #tpu.memory_space<semaphore_mem>> -> memref<1x!tpu.dma_semaphore, #tpu.memory_space<semaphore_mem>>
        %dma_start3A_1318 = tpu.memref_squeeze %dma_start3A_1317 : memref<1x!tpu.dma_semaphore, #tpu.memory_space<semaphore_mem>> -> memref<!tpu.dma_semaphore, #tpu.memory_space<semaphore_mem>>
        %dma_start3A_1319 = arith.constant 0 : i32
        %dma_start3A_1320 = arith.constant 0 : i32
        %dma_start3A_1321 = tpu.memref_slice %arg6[%rem3A_1305, %dma_start3A_1319, %dma_start3A_1320] : memref<24x32x128xf32, #tpu.memory_space<vmem>> -> memref<1x32x128xf32, #tpu.memory_space<vmem>>
        %dma_start3A_1322 = tpu.memref_squeeze %dma_start3A_1321 : memref<1x32x128xf32, #tpu.memory_space<vmem>> -> memref<32x128xf32, #tpu.memory_space<vmem>>
        %dma_start3A_1323 = arith.constant 0 : i32
        %dma_start3A_1324 = tpu.memref_slice %arg3[%dma_start3A_1323, %multiple_of3A_1310] : memref<32x1000000xf32, #tpu.memory_space<hbm>> -> memref<32x128xf32, #tpu.memory_space<hbm>>
        tpu.enqueue_dma source(%dma_start3A_1324 : memref<32x128xf32, #tpu.memory_space<hbm>>) target(%dma_start3A_1322 : memref<32x128xf32, #tpu.memory_space<vmem>>) target_semaphore(%dma_start3A_1318 : memref<!tpu.dma_semaphore, #tpu.memory_space<semaphore_mem>>)
      } else {
      }
      %dma_wait3A_751 = arith.constant 0 : i32
      %dma_wait3A_752 = arith.constant 0 : i32
      %dma_wait3A_753 = tpu.memref_slice %arg6[%rem3A_739, %dma_wait3A_751, %dma_wait3A_752] : memref<24x32x128xf32, #tpu.memory_space<vmem>> -> memref<1x32x128xf32, #tpu.memory_space<vmem>>
      %dma_wait3A_754 = tpu.memref_squeeze %dma_wait3A_753 : memref<1x32x128xf32, #tpu.memory_space<vmem>> -> memref<32x128xf32, #tpu.memory_space<vmem>>
      %dma_wait3A_755 = arith.constant 0 : i32
      %dma_wait3A_756 = arith.constant 0 : i32
      %dma_wait3A_757 = tpu.memref_slice %arg3[%dma_wait3A_755, %dma_wait3A_756] : memref<32x1000000xf32, #tpu.memory_space<hbm>> -> memref<32x128xf32, #tpu.memory_space<hbm>>
      %dma_wait3A_758 = tpu.memref_slice %arg8[%rem3A_739] : memref<24x!tpu.dma_semaphore, #tpu.memory_space<semaphore_mem>> -> memref<1x!tpu.dma_semaphore, #tpu.memory_space<semaphore_mem>>
      %dma_wait3A_759 = tpu.memref_squeeze %dma_wait3A_758 : memref<1x!tpu.dma_semaphore, #tpu.memory_space<semaphore_mem>> -> memref<!tpu.dma_semaphore, #tpu.memory_space<semaphore_mem>>
      %dma_wait3A_760 = arith.constant 0 : i32
      %dma_wait3A_761 = arith.constant 0 : i32
      %dma_wait3A_762 = tpu.memref_slice %arg6[%rem3A_739, %dma_wait3A_760, %dma_wait3A_761] : memref<24x32x128xf32, #tpu.memory_space<vmem>> -> memref<1x32x128xf32, #tpu.memory_space<vmem>>
      %dma_wait3A_763 = tpu.memref_squeeze %dma_wait3A_762 : memref<1x32x128xf32, #tpu.memory_space<vmem>> -> memref<32x128xf32, #tpu.memory_space<vmem>>
      %dma_wait3A_764 = arith.constant 0 : i32
      %dma_wait3A_765 = arith.constant 0 : i32
      %dma_wait3A_766 = tpu.memref_slice %arg3[%dma_wait3A_764, %dma_wait3A_765] : memref<32x1000000xf32, #tpu.memory_space<hbm>> -> memref<32x128xf32, #tpu.memory_space<hbm>>
      tpu.wait_dma2 semaphore(%dma_wait3A_759 : memref<!tpu.dma_semaphore, #tpu.memory_space<semaphore_mem>>) src(%dma_wait3A_766 : memref<32x128xf32, #tpu.memory_space<hbm>>) dst(%dma_wait3A_763 : memref<32x128xf32, #tpu.memory_space<vmem>>)
      %slice3A_767 = vector.extract_strided_slice %get3A_542 {offsets = [4], sizes = [1], strides = [1]} : vector<16xi32> to vector<1xi32>
      %squeeze3A_768 = vector.extract %slice3A_767[0] : i32 from vector<1xi32>
      %and3A_769 = arith.constant 127 : i32
      %and3A_770 = arith.andi %squeeze3A_768, %and3A_769 : i32
      %broadcast_in_dim3A_771 = vector.broadcast %and3A_770 : i32 to vector<16xi32>
      %broadcast_in_dim3A_772 = vector.broadcast %add3A_737 : i32 to vector<16xi32>
      %gather3A_773 = arith.constant 0 : i32
      %gather3A_774 = arith.constant 0 : i32
      %gather3A_775 = tpu.memref_slice %arg6[%rem3A_739, %gather3A_773, %gather3A_774] : memref<24x32x128xf32, #tpu.memory_space<vmem>> -> memref<1x32x128xf32, #tpu.memory_space<vmem>>
      %gather3A_776 = tpu.memref_squeeze %gather3A_775 : memref<1x32x128xf32, #tpu.memory_space<vmem>> -> memref<32x128xf32, #tpu.memory_space<vmem>>
      %gather3A_777 = tpu.vector_load_idx %gather3A_776[%iota3A, %broadcast_in_dim3A_771] : memref<32x128xf32, #tpu.memory_space<vmem>>[vector<16xi32>, vector<16xi32>], vector<16xf32>,
      %gather3A_778 = arith.constant 0 : i32
      %gather3A_779 = arith.constant 0 : i32
      %gather3A_780 = tpu.memref_slice %arg6[%rem3A_739, %gather3A_778, %gather3A_779] : memref<24x32x128xf32, #tpu.memory_space<vmem>> -> memref<1x32x128xf32, #tpu.memory_space<vmem>>
      %gather3A_781 = tpu.memref_squeeze %gather3A_780 : memref<1x32x128xf32, #tpu.memory_space<vmem>> -> memref<32x128xf32, #tpu.memory_space<vmem>>
      %gather3A_782 = tpu.vector_load_idx %gather3A_781[%add3A_532, %broadcast_in_dim3A_771] : memref<32x128xf32, #tpu.memory_space<vmem>>[vector<16xi32>, vector<16xi32>], vector<16xf32>,
      tpu.vector_store_idx %arg7[%iota3A, %broadcast_in_dim3A_772], %gather3A_777 : memref<32x512xf32, #tpu.memory_space<vmem>>[vector<16xi32>, vector<16xi32>], vector<16xf32>,
      tpu.vector_store_idx %arg7[%add3A_532, %broadcast_in_dim3A_772], %gather3A_782 : memref<32x512xf32, #tpu.memory_space<vmem>>[vector<16xi32>, vector<16xi32>], vector<16xf32>,
      %add3A_783 = arith.constant 5 : i32
      %add3A_784 = arith.addi %mul3A_556, %add3A_783 : i32
      %rem3A_785 = arith.constant 24 : i32
      %rem3A_786 = arith.remsi %add3A_784, %rem3A_785 : i32
      %slice3A_787 = vector.extract_strided_slice %get3A_548 {offsets = [12], sizes = [1], strides = [1]} : vector<16xi32> to vector<1xi32>
      %squeeze3A_788 = vector.extract %slice3A_787[0] : i32 from vector<1xi32>
      %add3A_789 = arith.constant 24 : i32
      %add3A_790 = arith.addi %add3A_784, %add3A_789 : i32
      %sub3A_791 = arith.constant 1 : i32
      %sub3A_792 = arith.subi %add3A_790, %sub3A_791 : i32
      %lt3A_793 = arith.constant 512 : i32
      %lt3A_794 = arith.cmpi slt, %sub3A_792, %lt3A_793 : i32
      %convert_element_type3A_795 = arith.extui %lt3A_794 : i1 to i32
      %cond3A_796 = arith.constant 0 : i32
      %cond3A_797 = arith.cmpi ne, %convert_element_type3A_795, %cond3A_796 : i32
      scf.if %cond3A_797 {
        %add3A_1300 = arith.constant 24 : i32
        %add3A_1301 = arith.addi %add3A_784, %add3A_1300 : i32
        %sub3A_1302 = arith.constant 1 : i32
        %sub3A_1303 = arith.subi %add3A_1301, %sub3A_1302 : i32
        %rem3A_1304 = arith.constant 24 : i32
        %rem3A_1305 = arith.remsi %sub3A_1303, %rem3A_1304 : i32
        %shift_right_arithmetic3A_1306 = arith.constant 7 : i32
        %shift_right_arithmetic3A_1307 = arith.shrsi %squeeze3A_788, %shift_right_arithmetic3A_1306 : i32
        %mul3A_1308 = arith.constant 128 : i32
        %mul3A_1309 = arith.muli %shift_right_arithmetic3A_1307, %mul3A_1308 : i32
        %multiple_of3A_1310 = tpu.assume_multiple %mul3A_1309, 128 : i32
        %dma_start3A_1311 = arith.constant 0 : i32
        %dma_start3A_1312 = arith.constant 0 : i32
        %dma_start3A_1313 = tpu.memref_slice %arg6[%rem3A_1305, %dma_start3A_1311, %dma_start3A_1312] : memref<24x32x128xf32, #tpu.memory_space<vmem>> -> memref<1x32x128xf32, #tpu.memory_space<vmem>>
        %dma_start3A_1314 = tpu.memref_squeeze %dma_start3A_1313 : memref<1x32x128xf32, #tpu.memory_space<vmem>> -> memref<32x128xf32, #tpu.memory_space<vmem>>
        %dma_start3A_1315 = arith.constant 0 : i32
        %dma_start3A_1316 = tpu.memref_slice %arg3[%dma_start3A_1315, %multiple_of3A_1310] : memref<32x1000000xf32, #tpu.memory_space<hbm>> -> memref<32x128xf32, #tpu.memory_space<hbm>>
        %dma_start3A_1317 = tpu.memref_slice %arg8[%rem3A_1305] : memref<24x!tpu.dma_semaphore, #tpu.memory_space<semaphore_mem>> -> memref<1x!tpu.dma_semaphore, #tpu.memory_space<semaphore_mem>>
        %dma_start3A_1318 = tpu.memref_squeeze %dma_start3A_1317 : memref<1x!tpu.dma_semaphore, #tpu.memory_space<semaphore_mem>> -> memref<!tpu.dma_semaphore, #tpu.memory_space<semaphore_mem>>
        %dma_start3A_1319 = arith.constant 0 : i32
        %dma_start3A_1320 = arith.constant 0 : i32
        %dma_start3A_1321 = tpu.memref_slice %arg6[%rem3A_1305, %dma_start3A_1319, %dma_start3A_1320] : memref<24x32x128xf32, #tpu.memory_space<vmem>> -> memref<1x32x128xf32, #tpu.memory_space<vmem>>
        %dma_start3A_1322 = tpu.memref_squeeze %dma_start3A_1321 : memref<1x32x128xf32, #tpu.memory_space<vmem>> -> memref<32x128xf32, #tpu.memory_space<vmem>>
        %dma_start3A_1323 = arith.constant 0 : i32
        %dma_start3A_1324 = tpu.memref_slice %arg3[%dma_start3A_1323, %multiple_of3A_1310] : memref<32x1000000xf32, #tpu.memory_space<hbm>> -> memref<32x128xf32, #tpu.memory_space<hbm>>
        tpu.enqueue_dma source(%dma_start3A_1324 : memref<32x128xf32, #tpu.memory_space<hbm>>) target(%dma_start3A_1322 : memref<32x128xf32, #tpu.memory_space<vmem>>) target_semaphore(%dma_start3A_1318 : memref<!tpu.dma_semaphore, #tpu.memory_space<semaphore_mem>>)
      } else {
      }
      %dma_wait3A_798 = arith.constant 0 : i32
      %dma_wait3A_799 = arith.constant 0 : i32
      %dma_wait3A_800 = tpu.memref_slice %arg6[%rem3A_786, %dma_wait3A_798, %dma_wait3A_799] : memref<24x32x128xf32, #tpu.memory_space<vmem>> -> memref<1x32x128xf32, #tpu.memory_space<vmem>>
      %dma_wait3A_801 = tpu.memref_squeeze %dma_wait3A_800 : memref<1x32x128xf32, #tpu.memory_space<vmem>> -> memref<32x128xf32, #tpu.memory_space<vmem>>
      %dma_wait3A_802 = arith.constant 0 : i32
      %dma_wait3A_803 = arith.constant 0 : i32
      %dma_wait3A_804 = tpu.memref_slice %arg3[%dma_wait3A_802, %dma_wait3A_803] : memref<32x1000000xf32, #tpu.memory_space<hbm>> -> memref<32x128xf32, #tpu.memory_space<hbm>>
      %dma_wait3A_805 = tpu.memref_slice %arg8[%rem3A_786] : memref<24x!tpu.dma_semaphore, #tpu.memory_space<semaphore_mem>> -> memref<1x!tpu.dma_semaphore, #tpu.memory_space<semaphore_mem>>
      %dma_wait3A_806 = tpu.memref_squeeze %dma_wait3A_805 : memref<1x!tpu.dma_semaphore, #tpu.memory_space<semaphore_mem>> -> memref<!tpu.dma_semaphore, #tpu.memory_space<semaphore_mem>>
      %dma_wait3A_807 = arith.constant 0 : i32
      %dma_wait3A_808 = arith.constant 0 : i32
      %dma_wait3A_809 = tpu.memref_slice %arg6[%rem3A_786, %dma_wait3A_807, %dma_wait3A_808] : memref<24x32x128xf32, #tpu.memory_space<vmem>> -> memref<1x32x128xf32, #tpu.memory_space<vmem>>
      %dma_wait3A_810 = tpu.memref_squeeze %dma_wait3A_809 : memref<1x32x128xf32, #tpu.memory_space<vmem>> -> memref<32x128xf32, #tpu.memory_space<vmem>>
      %dma_wait3A_811 = arith.constant 0 : i32
      %dma_wait3A_812 = arith.constant 0 : i32
      %dma_wait3A_813 = tpu.memref_slice %arg3[%dma_wait3A_811, %dma_wait3A_812] : memref<32x1000000xf32, #tpu.memory_space<hbm>> -> memref<32x128xf32, #tpu.memory_space<hbm>>
      tpu.wait_dma2 semaphore(%dma_wait3A_806 : memref<!tpu.dma_semaphore, #tpu.memory_space<semaphore_mem>>) src(%dma_wait3A_813 : memref<32x128xf32, #tpu.memory_space<hbm>>) dst(%dma_wait3A_810 : memref<32x128xf32, #tpu.memory_space<vmem>>)
      %slice3A_814 = vector.extract_strided_slice %get3A_542 {offsets = [5], sizes = [1], strides = [1]} : vector<16xi32> to vector<1xi32>
      %squeeze3A_815 = vector.extract %slice3A_814[0] : i32 from vector<1xi32>
      %and3A_816 = arith.constant 127 : i32
      %and3A_817 = arith.andi %squeeze3A_815, %and3A_816 : i32
      %broadcast_in_dim3A_818 = vector.broadcast %and3A_817 : i32 to vector<16xi32>
      %broadcast_in_dim3A_819 = vector.broadcast %add3A_784 : i32 to vector<16xi32>
      %gather3A_820 = arith.constant 0 : i32
      %gather3A_821 = arith.constant 0 : i32
      %gather3A_822 = tpu.memref_slice %arg6[%rem3A_786, %gather3A_820, %gather3A_821] : memref<24x32x128xf32, #tpu.memory_space<vmem>> -> memref<1x32x128xf32, #tpu.memory_space<vmem>>
      %gather3A_823 = tpu.memref_squeeze %gather3A_822 : memref<1x32x128xf32, #tpu.memory_space<vmem>> -> memref<32x128xf32, #tpu.memory_space<vmem>>
      %gather3A_824 = tpu.vector_load_idx %gather3A_823[%iota3A, %broadcast_in_dim3A_818] : memref<32x128xf32, #tpu.memory_space<vmem>>[vector<16xi32>, vector<16xi32>], vector<16xf32>,
      %gather3A_825 = arith.constant 0 : i32
      %gather3A_826 = arith.constant 0 : i32
      %gather3A_827 = tpu.memref_slice %arg6[%rem3A_786, %gather3A_825, %gather3A_826] : memref<24x32x128xf32, #tpu.memory_space<vmem>> -> memref<1x32x128xf32, #tpu.memory_space<vmem>>
      %gather3A_828 = tpu.memref_squeeze %gather3A_827 : memref<1x32x128xf32, #tpu.memory_space<vmem>> -> memref<32x128xf32, #tpu.memory_space<vmem>>
      %gather3A_829 = tpu.vector_load_idx %gather3A_828[%add3A_532, %broadcast_in_dim3A_818] : memref<32x128xf32, #tpu.memory_space<vmem>>[vector<16xi32>, vector<16xi32>], vector<16xf32>,
      tpu.vector_store_idx %arg7[%iota3A, %broadcast_in_dim3A_819], %gather3A_824 : memref<32x512xf32, #tpu.memory_space<vmem>>[vector<16xi32>, vector<16xi32>], vector<16xf32>,
      tpu.vector_store_idx %arg7[%add3A_532, %broadcast_in_dim3A_819], %gather3A_829 : memref<32x512xf32, #tpu.memory_space<vmem>>[vector<16xi32>, vector<16xi32>], vector<16xf32>,
      %add3A_830 = arith.constant 6 : i32
      %add3A_831 = arith.addi %mul3A_556, %add3A_830 : i32
      %rem3A_832 = arith.constant 24 : i32
      %rem3A_833 = arith.remsi %add3A_831, %rem3A_832 : i32
      %slice3A_834 = vector.extract_strided_slice %get3A_548 {offsets = [13], sizes = [1], strides = [1]} : vector<16xi32> to vector<1xi32>
      %squeeze3A_835 = vector.extract %slice3A_834[0] : i32 from vector<1xi32>
      %add3A_836 = arith.constant 24 : i32
      %add3A_837 = arith.addi %add3A_831, %add3A_836 : i32
      %sub3A_838 = arith.constant 1 : i32
      %sub3A_839 = arith.subi %add3A_837, %sub3A_838 : i32
      %lt3A_840 = arith.constant 512 : i32
      %lt3A_841 = arith.cmpi slt, %sub3A_839, %lt3A_840 : i32
      %convert_element_type3A_842 = arith.extui %lt3A_841 : i1 to i32
      %cond3A_843 = arith.constant 0 : i32
      %cond3A_844 = arith.cmpi ne, %convert_element_type3A_842, %cond3A_843 : i32
      scf.if %cond3A_844 {
        %add3A_1300 = arith.constant 24 : i32
        %add3A_1301 = arith.addi %add3A_831, %add3A_1300 : i32
        %sub3A_1302 = arith.constant 1 : i32
        %sub3A_1303 = arith.subi %add3A_1301, %sub3A_1302 : i32
        %rem3A_1304 = arith.constant 24 : i32
        %rem3A_1305 = arith.remsi %sub3A_1303, %rem3A_1304 : i32
        %shift_right_arithmetic3A_1306 = arith.constant 7 : i32
        %shift_right_arithmetic3A_1307 = arith.shrsi %squeeze3A_835, %shift_right_arithmetic3A_1306 : i32
        %mul3A_1308 = arith.constant 128 : i32
        %mul3A_1309 = arith.muli %shift_right_arithmetic3A_1307, %mul3A_1308 : i32
        %multiple_of3A_1310 = tpu.assume_multiple %mul3A_1309, 128 : i32
        %dma_start3A_1311 = arith.constant 0 : i32
        %dma_start3A_1312 = arith.constant 0 : i32
        %dma_start3A_1313 = tpu.memref_slice %arg6[%rem3A_1305, %dma_start3A_1311, %dma_start3A_1312] : memref<24x32x128xf32, #tpu.memory_space<vmem>> -> memref<1x32x128xf32, #tpu.memory_space<vmem>>
        %dma_start3A_1314 = tpu.memref_squeeze %dma_start3A_1313 : memref<1x32x128xf32, #tpu.memory_space<vmem>> -> memref<32x128xf32, #tpu.memory_space<vmem>>
        %dma_start3A_1315 = arith.constant 0 : i32
        %dma_start3A_1316 = tpu.memref_slice %arg3[%dma_start3A_1315, %multiple_of3A_1310] : memref<32x1000000xf32, #tpu.memory_space<hbm>> -> memref<32x128xf32, #tpu.memory_space<hbm>>
        %dma_start3A_1317 = tpu.memref_slice %arg8[%rem3A_1305] : memref<24x!tpu.dma_semaphore, #tpu.memory_space<semaphore_mem>> -> memref<1x!tpu.dma_semaphore, #tpu.memory_space<semaphore_mem>>
        %dma_start3A_1318 = tpu.memref_squeeze %dma_start3A_1317 : memref<1x!tpu.dma_semaphore, #tpu.memory_space<semaphore_mem>> -> memref<!tpu.dma_semaphore, #tpu.memory_space<semaphore_mem>>
        %dma_start3A_1319 = arith.constant 0 : i32
        %dma_start3A_1320 = arith.constant 0 : i32
        %dma_start3A_1321 = tpu.memref_slice %arg6[%rem3A_1305, %dma_start3A_1319, %dma_start3A_1320] : memref<24x32x128xf32, #tpu.memory_space<vmem>> -> memref<1x32x128xf32, #tpu.memory_space<vmem>>
        %dma_start3A_1322 = tpu.memref_squeeze %dma_start3A_1321 : memref<1x32x128xf32, #tpu.memory_space<vmem>> -> memref<32x128xf32, #tpu.memory_space<vmem>>
        %dma_start3A_1323 = arith.constant 0 : i32
        %dma_start3A_1324 = tpu.memref_slice %arg3[%dma_start3A_1323, %multiple_of3A_1310] : memref<32x1000000xf32, #tpu.memory_space<hbm>> -> memref<32x128xf32, #tpu.memory_space<hbm>>
        tpu.enqueue_dma source(%dma_start3A_1324 : memref<32x128xf32, #tpu.memory_space<hbm>>) target(%dma_start3A_1322 : memref<32x128xf32, #tpu.memory_space<vmem>>) target_semaphore(%dma_start3A_1318 : memref<!tpu.dma_semaphore, #tpu.memory_space<semaphore_mem>>)
      } else {
      }
      %dma_wait3A_845 = arith.constant 0 : i32
      %dma_wait3A_846 = arith.constant 0 : i32
      %dma_wait3A_847 = tpu.memref_slice %arg6[%rem3A_833, %dma_wait3A_845, %dma_wait3A_846] : memref<24x32x128xf32, #tpu.memory_space<vmem>> -> memref<1x32x128xf32, #tpu.memory_space<vmem>>
      %dma_wait3A_848 = tpu.memref_squeeze %dma_wait3A_847 : memref<1x32x128xf32, #tpu.memory_space<vmem>> -> memref<32x128xf32, #tpu.memory_space<vmem>>
      %dma_wait3A_849 = arith.constant 0 : i32
      %dma_wait3A_850 = arith.constant 0 : i32
      %dma_wait3A_851 = tpu.memref_slice %arg3[%dma_wait3A_849, %dma_wait3A_850] : memref<32x1000000xf32, #tpu.memory_space<hbm>> -> memref<32x128xf32, #tpu.memory_space<hbm>>
      %dma_wait3A_852 = tpu.memref_slice %arg8[%rem3A_833] : memref<24x!tpu.dma_semaphore, #tpu.memory_space<semaphore_mem>> -> memref<1x!tpu.dma_semaphore, #tpu.memory_space<semaphore_mem>>
      %dma_wait3A_853 = tpu.memref_squeeze %dma_wait3A_852 : memref<1x!tpu.dma_semaphore, #tpu.memory_space<semaphore_mem>> -> memref<!tpu.dma_semaphore, #tpu.memory_space<semaphore_mem>>
      %dma_wait3A_854 = arith.constant 0 : i32
      %dma_wait3A_855 = arith.constant 0 : i32
      %dma_wait3A_856 = tpu.memref_slice %arg6[%rem3A_833, %dma_wait3A_854, %dma_wait3A_855] : memref<24x32x128xf32, #tpu.memory_space<vmem>> -> memref<1x32x128xf32, #tpu.memory_space<vmem>>
      %dma_wait3A_857 = tpu.memref_squeeze %dma_wait3A_856 : memref<1x32x128xf32, #tpu.memory_space<vmem>> -> memref<32x128xf32, #tpu.memory_space<vmem>>
      %dma_wait3A_858 = arith.constant 0 : i32
      %dma_wait3A_859 = arith.constant 0 : i32
      %dma_wait3A_860 = tpu.memref_slice %arg3[%dma_wait3A_858, %dma_wait3A_859] : memref<32x1000000xf32, #tpu.memory_space<hbm>> -> memref<32x128xf32, #tpu.memory_space<hbm>>
      tpu.wait_dma2 semaphore(%dma_wait3A_853 : memref<!tpu.dma_semaphore, #tpu.memory_space<semaphore_mem>>) src(%dma_wait3A_860 : memref<32x128xf32, #tpu.memory_space<hbm>>) dst(%dma_wait3A_857 : memref<32x128xf32, #tpu.memory_space<vmem>>)
      %slice3A_861 = vector.extract_strided_slice %get3A_542 {offsets = [6], sizes = [1], strides = [1]} : vector<16xi32> to vector<1xi32>
      %squeeze3A_862 = vector.extract %slice3A_861[0] : i32 from vector<1xi32>
      %and3A_863 = arith.constant 127 : i32
      %and3A_864 = arith.andi %squeeze3A_862, %and3A_863 : i32
      %broadcast_in_dim3A_865 = vector.broadcast %and3A_864 : i32 to vector<16xi32>
      %broadcast_in_dim3A_866 = vector.broadcast %add3A_831 : i32 to vector<16xi32>
      %gather3A_867 = arith.constant 0 : i32
      %gather3A_868 = arith.constant 0 : i32
      %gather3A_869 = tpu.memref_slice %arg6[%rem3A_833, %gather3A_867, %gather3A_868] : memref<24x32x128xf32, #tpu.memory_space<vmem>> -> memref<1x32x128xf32, #tpu.memory_space<vmem>>
      %gather3A_870 = tpu.memref_squeeze %gather3A_869 : memref<1x32x128xf32, #tpu.memory_space<vmem>> -> memref<32x128xf32, #tpu.memory_space<vmem>>
      %gather3A_871 = tpu.vector_load_idx %gather3A_870[%iota3A, %broadcast_in_dim3A_865] : memref<32x128xf32, #tpu.memory_space<vmem>>[vector<16xi32>, vector<16xi32>], vector<16xf32>,
      %gather3A_872 = arith.constant 0 : i32
      %gather3A_873 = arith.constant 0 : i32
      %gather3A_874 = tpu.memref_slice %arg6[%rem3A_833, %gather3A_872, %gather3A_873] : memref<24x32x128xf32, #tpu.memory_space<vmem>> -> memref<1x32x128xf32, #tpu.memory_space<vmem>>
      %gather3A_875 = tpu.memref_squeeze %gather3A_874 : memref<1x32x128xf32, #tpu.memory_space<vmem>> -> memref<32x128xf32, #tpu.memory_space<vmem>>
      %gather3A_876 = tpu.vector_load_idx %gather3A_875[%add3A_532, %broadcast_in_dim3A_865] : memref<32x128xf32, #tpu.memory_space<vmem>>[vector<16xi32>, vector<16xi32>], vector<16xf32>,
      tpu.vector_store_idx %arg7[%iota3A, %broadcast_in_dim3A_866], %gather3A_871 : memref<32x512xf32, #tpu.memory_space<vmem>>[vector<16xi32>, vector<16xi32>], vector<16xf32>,
      tpu.vector_store_idx %arg7[%add3A_532, %broadcast_in_dim3A_866], %gather3A_876 : memref<32x512xf32, #tpu.memory_space<vmem>>[vector<16xi32>, vector<16xi32>], vector<16xf32>,
      %add3A_877 = arith.constant 7 : i32
      %add3A_878 = arith.addi %mul3A_556, %add3A_877 : i32
      %rem3A_879 = arith.constant 24 : i32
      %rem3A_880 = arith.remsi %add3A_878, %rem3A_879 : i32
      %slice3A_881 = vector.extract_strided_slice %get3A_548 {offsets = [14], sizes = [1], strides = [1]} : vector<16xi32> to vector<1xi32>
      %squeeze3A_882 = vector.extract %slice3A_881[0] : i32 from vector<1xi32>
      %add3A_883 = arith.constant 24 : i32
      %add3A_884 = arith.addi %add3A_878, %add3A_883 : i32
      %sub3A_885 = arith.constant 1 : i32
      %sub3A_886 = arith.subi %add3A_884, %sub3A_885 : i32
      %lt3A_887 = arith.constant 512 : i32
      %lt3A_888 = arith.cmpi slt, %sub3A_886, %lt3A_887 : i32
      %convert_element_type3A_889 = arith.extui %lt3A_888 : i1 to i32
      %cond3A_890 = arith.constant 0 : i32
      %cond3A_891 = arith.cmpi ne, %convert_element_type3A_889, %cond3A_890 : i32
      scf.if %cond3A_891 {
        %add3A_1300 = arith.constant 24 : i32
        %add3A_1301 = arith.addi %add3A_878, %add3A_1300 : i32
        %sub3A_1302 = arith.constant 1 : i32
        %sub3A_1303 = arith.subi %add3A_1301, %sub3A_1302 : i32
        %rem3A_1304 = arith.constant 24 : i32
        %rem3A_1305 = arith.remsi %sub3A_1303, %rem3A_1304 : i32
        %shift_right_arithmetic3A_1306 = arith.constant 7 : i32
        %shift_right_arithmetic3A_1307 = arith.shrsi %squeeze3A_882, %shift_right_arithmetic3A_1306 : i32
        %mul3A_1308 = arith.constant 128 : i32
        %mul3A_1309 = arith.muli %shift_right_arithmetic3A_1307, %mul3A_1308 : i32
        %multiple_of3A_1310 = tpu.assume_multiple %mul3A_1309, 128 : i32
        %dma_start3A_1311 = arith.constant 0 : i32
        %dma_start3A_1312 = arith.constant 0 : i32
        %dma_start3A_1313 = tpu.memref_slice %arg6[%rem3A_1305, %dma_start3A_1311, %dma_start3A_1312] : memref<24x32x128xf32, #tpu.memory_space<vmem>> -> memref<1x32x128xf32, #tpu.memory_space<vmem>>
        %dma_start3A_1314 = tpu.memref_squeeze %dma_start3A_1313 : memref<1x32x128xf32, #tpu.memory_space<vmem>> -> memref<32x128xf32, #tpu.memory_space<vmem>>
        %dma_start3A_1315 = arith.constant 0 : i32
        %dma_start3A_1316 = tpu.memref_slice %arg3[%dma_start3A_1315, %multiple_of3A_1310] : memref<32x1000000xf32, #tpu.memory_space<hbm>> -> memref<32x128xf32, #tpu.memory_space<hbm>>
        %dma_start3A_1317 = tpu.memref_slice %arg8[%rem3A_1305] : memref<24x!tpu.dma_semaphore, #tpu.memory_space<semaphore_mem>> -> memref<1x!tpu.dma_semaphore, #tpu.memory_space<semaphore_mem>>
        %dma_start3A_1318 = tpu.memref_squeeze %dma_start3A_1317 : memref<1x!tpu.dma_semaphore, #tpu.memory_space<semaphore_mem>> -> memref<!tpu.dma_semaphore, #tpu.memory_space<semaphore_mem>>
        %dma_start3A_1319 = arith.constant 0 : i32
        %dma_start3A_1320 = arith.constant 0 : i32
        %dma_start3A_1321 = tpu.memref_slice %arg6[%rem3A_1305, %dma_start3A_1319, %dma_start3A_1320] : memref<24x32x128xf32, #tpu.memory_space<vmem>> -> memref<1x32x128xf32, #tpu.memory_space<vmem>>
        %dma_start3A_1322 = tpu.memref_squeeze %dma_start3A_1321 : memref<1x32x128xf32, #tpu.memory_space<vmem>> -> memref<32x128xf32, #tpu.memory_space<vmem>>
        %dma_start3A_1323 = arith.constant 0 : i32
        %dma_start3A_1324 = tpu.memref_slice %arg3[%dma_start3A_1323, %multiple_of3A_1310] : memref<32x1000000xf32, #tpu.memory_space<hbm>> -> memref<32x128xf32, #tpu.memory_space<hbm>>
        tpu.enqueue_dma source(%dma_start3A_1324 : memref<32x128xf32, #tpu.memory_space<hbm>>) target(%dma_start3A_1322 : memref<32x128xf32, #tpu.memory_space<vmem>>) target_semaphore(%dma_start3A_1318 : memref<!tpu.dma_semaphore, #tpu.memory_space<semaphore_mem>>)
      } else {
      }
      %dma_wait3A_892 = arith.constant 0 : i32
      %dma_wait3A_893 = arith.constant 0 : i32
      %dma_wait3A_894 = tpu.memref_slice %arg6[%rem3A_880, %dma_wait3A_892, %dma_wait3A_893] : memref<24x32x128xf32, #tpu.memory_space<vmem>> -> memref<1x32x128xf32, #tpu.memory_space<vmem>>
      %dma_wait3A_895 = tpu.memref_squeeze %dma_wait3A_894 : memref<1x32x128xf32, #tpu.memory_space<vmem>> -> memref<32x128xf32, #tpu.memory_space<vmem>>
      %dma_wait3A_896 = arith.constant 0 : i32
      %dma_wait3A_897 = arith.constant 0 : i32
      %dma_wait3A_898 = tpu.memref_slice %arg3[%dma_wait3A_896, %dma_wait3A_897] : memref<32x1000000xf32, #tpu.memory_space<hbm>> -> memref<32x128xf32, #tpu.memory_space<hbm>>
      %dma_wait3A_899 = tpu.memref_slice %arg8[%rem3A_880] : memref<24x!tpu.dma_semaphore, #tpu.memory_space<semaphore_mem>> -> memref<1x!tpu.dma_semaphore, #tpu.memory_space<semaphore_mem>>
      %dma_wait3A_900 = tpu.memref_squeeze %dma_wait3A_899 : memref<1x!tpu.dma_semaphore, #tpu.memory_space<semaphore_mem>> -> memref<!tpu.dma_semaphore, #tpu.memory_space<semaphore_mem>>
      %dma_wait3A_901 = arith.constant 0 : i32
      %dma_wait3A_902 = arith.constant 0 : i32
      %dma_wait3A_903 = tpu.memref_slice %arg6[%rem3A_880, %dma_wait3A_901, %dma_wait3A_902] : memref<24x32x128xf32, #tpu.memory_space<vmem>> -> memref<1x32x128xf32, #tpu.memory_space<vmem>>
      %dma_wait3A_904 = tpu.memref_squeeze %dma_wait3A_903 : memref<1x32x128xf32, #tpu.memory_space<vmem>> -> memref<32x128xf32, #tpu.memory_space<vmem>>
      %dma_wait3A_905 = arith.constant 0 : i32
      %dma_wait3A_906 = arith.constant 0 : i32
      %dma_wait3A_907 = tpu.memref_slice %arg3[%dma_wait3A_905, %dma_wait3A_906] : memref<32x1000000xf32, #tpu.memory_space<hbm>> -> memref<32x128xf32, #tpu.memory_space<hbm>>
      tpu.wait_dma2 semaphore(%dma_wait3A_900 : memref<!tpu.dma_semaphore, #tpu.memory_space<semaphore_mem>>) src(%dma_wait3A_907 : memref<32x128xf32, #tpu.memory_space<hbm>>) dst(%dma_wait3A_904 : memref<32x128xf32, #tpu.memory_space<vmem>>)
      %slice3A_908 = vector.extract_strided_slice %get3A_542 {offsets = [7], sizes = [1], strides = [1]} : vector<16xi32> to vector<1xi32>
      %squeeze3A_909 = vector.extract %slice3A_908[0] : i32 from vector<1xi32>
      %and3A_910 = arith.constant 127 : i32
      %and3A_911 = arith.andi %squeeze3A_909, %and3A_910 : i32
      %broadcast_in_dim3A_912 = vector.broadcast %and3A_911 : i32 to vector<16xi32>
      %broadcast_in_dim3A_913 = vector.broadcast %add3A_878 : i32 to vector<16xi32>
      %gather3A_914 = arith.constant 0 : i32
      %gather3A_915 = arith.constant 0 : i32
      %gather3A_916 = tpu.memref_slice %arg6[%rem3A_880, %gather3A_914, %gather3A_915] : memref<24x32x128xf32, #tpu.memory_space<vmem>> -> memref<1x32x128xf32, #tpu.memory_space<vmem>>
      %gather3A_917 = tpu.memref_squeeze %gather3A_916 : memref<1x32x128xf32, #tpu.memory_space<vmem>> -> memref<32x128xf32, #tpu.memory_space<vmem>>
      %gather3A_918 = tpu.vector_load_idx %gather3A_917[%iota3A, %broadcast_in_dim3A_912] : memref<32x128xf32, #tpu.memory_space<vmem>>[vector<16xi32>, vector<16xi32>], vector<16xf32>,
      %gather3A_919 = arith.constant 0 : i32
      %gather3A_920 = arith.constant 0 : i32
      %gather3A_921 = tpu.memref_slice %arg6[%rem3A_880, %gather3A_919, %gather3A_920] : memref<24x32x128xf32, #tpu.memory_space<vmem>> -> memref<1x32x128xf32, #tpu.memory_space<vmem>>
      %gather3A_922 = tpu.memref_squeeze %gather3A_921 : memref<1x32x128xf32, #tpu.memory_space<vmem>> -> memref<32x128xf32, #tpu.memory_space<vmem>>
      %gather3A_923 = tpu.vector_load_idx %gather3A_922[%add3A_532, %broadcast_in_dim3A_912] : memref<32x128xf32, #tpu.memory_space<vmem>>[vector<16xi32>, vector<16xi32>], vector<16xf32>,
      tpu.vector_store_idx %arg7[%iota3A, %broadcast_in_dim3A_913], %gather3A_918 : memref<32x512xf32, #tpu.memory_space<vmem>>[vector<16xi32>, vector<16xi32>], vector<16xf32>,
      tpu.vector_store_idx %arg7[%add3A_532, %broadcast_in_dim3A_913], %gather3A_923 : memref<32x512xf32, #tpu.memory_space<vmem>>[vector<16xi32>, vector<16xi32>], vector<16xf32>,
      %add3A_924 = arith.constant 8 : i32
      %add3A_925 = arith.addi %mul3A_556, %add3A_924 : i32
      %rem3A_926 = arith.constant 24 : i32
      %rem3A_927 = arith.remsi %add3A_925, %rem3A_926 : i32
      %slice3A_928 = vector.extract_strided_slice %get3A_548 {offsets = [15], sizes = [1], strides = [1]} : vector<16xi32> to vector<1xi32>
      %squeeze3A_929 = vector.extract %slice3A_928[0] : i32 from vector<1xi32>
      %add3A_930 = arith.constant 24 : i32
      %add3A_931 = arith.addi %add3A_925, %add3A_930 : i32
      %sub3A_932 = arith.constant 1 : i32
      %sub3A_933 = arith.subi %add3A_931, %sub3A_932 : i32
      %lt3A_934 = arith.constant 512 : i32
      %lt3A_935 = arith.cmpi slt, %sub3A_933, %lt3A_934 : i32
      %convert_element_type3A_936 = arith.extui %lt3A_935 : i1 to i32
      %cond3A_937 = arith.constant 0 : i32
      %cond3A_938 = arith.cmpi ne, %convert_element_type3A_936, %cond3A_937 : i32
      scf.if %cond3A_938 {
        %add3A_1300 = arith.constant 24 : i32
        %add3A_1301 = arith.addi %add3A_925, %add3A_1300 : i32
        %sub3A_1302 = arith.constant 1 : i32
        %sub3A_1303 = arith.subi %add3A_1301, %sub3A_1302 : i32
        %rem3A_1304 = arith.constant 24 : i32
        %rem3A_1305 = arith.remsi %sub3A_1303, %rem3A_1304 : i32
        %shift_right_arithmetic3A_1306 = arith.constant 7 : i32
        %shift_right_arithmetic3A_1307 = arith.shrsi %squeeze3A_929, %shift_right_arithmetic3A_1306 : i32
        %mul3A_1308 = arith.constant 128 : i32
        %mul3A_1309 = arith.muli %shift_right_arithmetic3A_1307, %mul3A_1308 : i32
        %multiple_of3A_1310 = tpu.assume_multiple %mul3A_1309, 128 : i32
        %dma_start3A_1311 = arith.constant 0 : i32
        %dma_start3A_1312 = arith.constant 0 : i32
        %dma_start3A_1313 = tpu.memref_slice %arg6[%rem3A_1305, %dma_start3A_1311, %dma_start3A_1312] : memref<24x32x128xf32, #tpu.memory_space<vmem>> -> memref<1x32x128xf32, #tpu.memory_space<vmem>>
        %dma_start3A_1314 = tpu.memref_squeeze %dma_start3A_1313 : memref<1x32x128xf32, #tpu.memory_space<vmem>> -> memref<32x128xf32, #tpu.memory_space<vmem>>
        %dma_start3A_1315 = arith.constant 0 : i32
        %dma_start3A_1316 = tpu.memref_slice %arg3[%dma_start3A_1315, %multiple_of3A_1310] : memref<32x1000000xf32, #tpu.memory_space<hbm>> -> memref<32x128xf32, #tpu.memory_space<hbm>>
        %dma_start3A_1317 = tpu.memref_slice %arg8[%rem3A_1305] : memref<24x!tpu.dma_semaphore, #tpu.memory_space<semaphore_mem>> -> memref<1x!tpu.dma_semaphore, #tpu.memory_space<semaphore_mem>>
        %dma_start3A_1318 = tpu.memref_squeeze %dma_start3A_1317 : memref<1x!tpu.dma_semaphore, #tpu.memory_space<semaphore_mem>> -> memref<!tpu.dma_semaphore, #tpu.memory_space<semaphore_mem>>
        %dma_start3A_1319 = arith.constant 0 : i32
        %dma_start3A_1320 = arith.constant 0 : i32
        %dma_start3A_1321 = tpu.memref_slice %arg6[%rem3A_1305, %dma_start3A_1319, %dma_start3A_1320] : memref<24x32x128xf32, #tpu.memory_space<vmem>> -> memref<1x32x128xf32, #tpu.memory_space<vmem>>
        %dma_start3A_1322 = tpu.memref_squeeze %dma_start3A_1321 : memref<1x32x128xf32, #tpu.memory_space<vmem>> -> memref<32x128xf32, #tpu.memory_space<vmem>>
        %dma_start3A_1323 = arith.constant 0 : i32
        %dma_start3A_1324 = tpu.memref_slice %arg3[%dma_start3A_1323, %multiple_of3A_1310] : memref<32x1000000xf32, #tpu.memory_space<hbm>> -> memref<32x128xf32, #tpu.memory_space<hbm>>
        tpu.enqueue_dma source(%dma_start3A_1324 : memref<32x128xf32, #tpu.memory_space<hbm>>) target(%dma_start3A_1322 : memref<32x128xf32, #tpu.memory_space<vmem>>) target_semaphore(%dma_start3A_1318 : memref<!tpu.dma_semaphore, #tpu.memory_space<semaphore_mem>>)
      } else {
      }
      %dma_wait3A_939 = arith.constant 0 : i32
      %dma_wait3A_940 = arith.constant 0 : i32
      %dma_wait3A_941 = tpu.memref_slice %arg6[%rem3A_927, %dma_wait3A_939, %dma_wait3A_940] : memref<24x32x128xf32, #tpu.memory_space<vmem>> -> memref<1x32x128xf32, #tpu.memory_space<vmem>>
      %dma_wait3A_942 = tpu.memref_squeeze %dma_wait3A_941 : memref<1x32x128xf32, #tpu.memory_space<vmem>> -> memref<32x128xf32, #tpu.memory_space<vmem>>
      %dma_wait3A_943 = arith.constant 0 : i32
      %dma_wait3A_944 = arith.constant 0 : i32
      %dma_wait3A_945 = tpu.memref_slice %arg3[%dma_wait3A_943, %dma_wait3A_944] : memref<32x1000000xf32, #tpu.memory_space<hbm>> -> memref<32x128xf32, #tpu.memory_space<hbm>>
      %dma_wait3A_946 = tpu.memref_slice %arg8[%rem3A_927] : memref<24x!tpu.dma_semaphore, #tpu.memory_space<semaphore_mem>> -> memref<1x!tpu.dma_semaphore, #tpu.memory_space<semaphore_mem>>
      %dma_wait3A_947 = tpu.memref_squeeze %dma_wait3A_946 : memref<1x!tpu.dma_semaphore, #tpu.memory_space<semaphore_mem>> -> memref<!tpu.dma_semaphore, #tpu.memory_space<semaphore_mem>>
      %dma_wait3A_948 = arith.constant 0 : i32
      %dma_wait3A_949 = arith.constant 0 : i32
      %dma_wait3A_950 = tpu.memref_slice %arg6[%rem3A_927, %dma_wait3A_948, %dma_wait3A_949] : memref<24x32x128xf32, #tpu.memory_space<vmem>> -> memref<1x32x128xf32, #tpu.memory_space<vmem>>
      %dma_wait3A_951 = tpu.memref_squeeze %dma_wait3A_950 : memref<1x32x128xf32, #tpu.memory_space<vmem>> -> memref<32x128xf32, #tpu.memory_space<vmem>>
      %dma_wait3A_952 = arith.constant 0 : i32
      %dma_wait3A_953 = arith.constant 0 : i32
      %dma_wait3A_954 = tpu.memref_slice %arg3[%dma_wait3A_952, %dma_wait3A_953] : memref<32x1000000xf32, #tpu.memory_space<hbm>> -> memref<32x128xf32, #tpu.memory_space<hbm>>
      tpu.wait_dma2 semaphore(%dma_wait3A_947 : memref<!tpu.dma_semaphore, #tpu.memory_space<semaphore_mem>>) src(%dma_wait3A_954 : memref<32x128xf32, #tpu.memory_space<hbm>>) dst(%dma_wait3A_951 : memref<32x128xf32, #tpu.memory_space<vmem>>)
      %slice3A_955 = vector.extract_strided_slice %get3A_542 {offsets = [8], sizes = [1], strides = [1]} : vector<16xi32> to vector<1xi32>
      %squeeze3A_956 = vector.extract %slice3A_955[0] : i32 from vector<1xi32>
      %and3A_957 = arith.constant 127 : i32
      %and3A_958 = arith.andi %squeeze3A_956, %and3A_957 : i32
      %broadcast_in_dim3A_959 = vector.broadcast %and3A_958 : i32 to vector<16xi32>
      %broadcast_in_dim3A_960 = vector.broadcast %add3A_925 : i32 to vector<16xi32>
      %gather3A_961 = arith.constant 0 : i32
      %gather3A_962 = arith.constant 0 : i32
      %gather3A_963 = tpu.memref_slice %arg6[%rem3A_927, %gather3A_961, %gather3A_962] : memref<24x32x128xf32, #tpu.memory_space<vmem>> -> memref<1x32x128xf32, #tpu.memory_space<vmem>>
      %gather3A_964 = tpu.memref_squeeze %gather3A_963 : memref<1x32x128xf32, #tpu.memory_space<vmem>> -> memref<32x128xf32, #tpu.memory_space<vmem>>
      %gather3A_965 = tpu.vector_load_idx %gather3A_964[%iota3A, %broadcast_in_dim3A_959] : memref<32x128xf32, #tpu.memory_space<vmem>>[vector<16xi32>, vector<16xi32>], vector<16xf32>,
      %gather3A_966 = arith.constant 0 : i32
      %gather3A_967 = arith.constant 0 : i32
      %gather3A_968 = tpu.memref_slice %arg6[%rem3A_927, %gather3A_966, %gather3A_967] : memref<24x32x128xf32, #tpu.memory_space<vmem>> -> memref<1x32x128xf32, #tpu.memory_space<vmem>>
      %gather3A_969 = tpu.memref_squeeze %gather3A_968 : memref<1x32x128xf32, #tpu.memory_space<vmem>> -> memref<32x128xf32, #tpu.memory_space<vmem>>
      %gather3A_970 = tpu.vector_load_idx %gather3A_969[%add3A_532, %broadcast_in_dim3A_959] : memref<32x128xf32, #tpu.memory_space<vmem>>[vector<16xi32>, vector<16xi32>], vector<16xf32>,
      tpu.vector_store_idx %arg7[%iota3A, %broadcast_in_dim3A_960], %gather3A_965 : memref<32x512xf32, #tpu.memory_space<vmem>>[vector<16xi32>, vector<16xi32>], vector<16xf32>,
      tpu.vector_store_idx %arg7[%add3A_532, %broadcast_in_dim3A_960], %gather3A_970 : memref<32x512xf32, #tpu.memory_space<vmem>>[vector<16xi32>, vector<16xi32>], vector<16xf32>,
      %add3A_971 = arith.constant 9 : i32
      %add3A_972 = arith.addi %mul3A_556, %add3A_971 : i32
      %rem3A_973 = arith.constant 24 : i32
      %rem3A_974 = arith.remsi %add3A_972, %rem3A_973 : i32
      %slice3A_975 = vector.extract_strided_slice %get3A_554 {offsets = [0], sizes = [1], strides = [1]} : vector<16xi32> to vector<1xi32>
      %squeeze3A_976 = vector.extract %slice3A_975[0] : i32 from vector<1xi32>
      %add3A_977 = arith.constant 24 : i32
      %add3A_978 = arith.addi %add3A_972, %add3A_977 : i32
      %sub3A_979 = arith.constant 1 : i32
      %sub3A_980 = arith.subi %add3A_978, %sub3A_979 : i32
      %lt3A_981 = arith.constant 512 : i32
      %lt3A_982 = arith.cmpi slt, %sub3A_980, %lt3A_981 : i32
      %convert_element_type3A_983 = arith.extui %lt3A_982 : i1 to i32
      %cond3A_984 = arith.constant 0 : i32
      %cond3A_985 = arith.cmpi ne, %convert_element_type3A_983, %cond3A_984 : i32
      scf.if %cond3A_985 {
        %add3A_1300 = arith.constant 24 : i32
        %add3A_1301 = arith.addi %add3A_972, %add3A_1300 : i32
        %sub3A_1302 = arith.constant 1 : i32
        %sub3A_1303 = arith.subi %add3A_1301, %sub3A_1302 : i32
        %rem3A_1304 = arith.constant 24 : i32
        %rem3A_1305 = arith.remsi %sub3A_1303, %rem3A_1304 : i32
        %shift_right_arithmetic3A_1306 = arith.constant 7 : i32
        %shift_right_arithmetic3A_1307 = arith.shrsi %squeeze3A_976, %shift_right_arithmetic3A_1306 : i32
        %mul3A_1308 = arith.constant 128 : i32
        %mul3A_1309 = arith.muli %shift_right_arithmetic3A_1307, %mul3A_1308 : i32
        %multiple_of3A_1310 = tpu.assume_multiple %mul3A_1309, 128 : i32
        %dma_start3A_1311 = arith.constant 0 : i32
        %dma_start3A_1312 = arith.constant 0 : i32
        %dma_start3A_1313 = tpu.memref_slice %arg6[%rem3A_1305, %dma_start3A_1311, %dma_start3A_1312] : memref<24x32x128xf32, #tpu.memory_space<vmem>> -> memref<1x32x128xf32, #tpu.memory_space<vmem>>
        %dma_start3A_1314 = tpu.memref_squeeze %dma_start3A_1313 : memref<1x32x128xf32, #tpu.memory_space<vmem>> -> memref<32x128xf32, #tpu.memory_space<vmem>>
        %dma_start3A_1315 = arith.constant 0 : i32
        %dma_start3A_1316 = tpu.memref_slice %arg3[%dma_start3A_1315, %multiple_of3A_1310] : memref<32x1000000xf32, #tpu.memory_space<hbm>> -> memref<32x128xf32, #tpu.memory_space<hbm>>
        %dma_start3A_1317 = tpu.memref_slice %arg8[%rem3A_1305] : memref<24x!tpu.dma_semaphore, #tpu.memory_space<semaphore_mem>> -> memref<1x!tpu.dma_semaphore, #tpu.memory_space<semaphore_mem>>
        %dma_start3A_1318 = tpu.memref_squeeze %dma_start3A_1317 : memref<1x!tpu.dma_semaphore, #tpu.memory_space<semaphore_mem>> -> memref<!tpu.dma_semaphore, #tpu.memory_space<semaphore_mem>>
        %dma_start3A_1319 = arith.constant 0 : i32
        %dma_start3A_1320 = arith.constant 0 : i32
        %dma_start3A_1321 = tpu.memref_slice %arg6[%rem3A_1305, %dma_start3A_1319, %dma_start3A_1320] : memref<24x32x128xf32, #tpu.memory_space<vmem>> -> memref<1x32x128xf32, #tpu.memory_space<vmem>>
        %dma_start3A_1322 = tpu.memref_squeeze %dma_start3A_1321 : memref<1x32x128xf32, #tpu.memory_space<vmem>> -> memref<32x128xf32, #tpu.memory_space<vmem>>
        %dma_start3A_1323 = arith.constant 0 : i32
        %dma_start3A_1324 = tpu.memref_slice %arg3[%dma_start3A_1323, %multiple_of3A_1310] : memref<32x1000000xf32, #tpu.memory_space<hbm>> -> memref<32x128xf32, #tpu.memory_space<hbm>>
        tpu.enqueue_dma source(%dma_start3A_1324 : memref<32x128xf32, #tpu.memory_space<hbm>>) target(%dma_start3A_1322 : memref<32x128xf32, #tpu.memory_space<vmem>>) target_semaphore(%dma_start3A_1318 : memref<!tpu.dma_semaphore, #tpu.memory_space<semaphore_mem>>)
      } else {
      }
      %dma_wait3A_986 = arith.constant 0 : i32
      %dma_wait3A_987 = arith.constant 0 : i32
      %dma_wait3A_988 = tpu.memref_slice %arg6[%rem3A_974, %dma_wait3A_986, %dma_wait3A_987] : memref<24x32x128xf32, #tpu.memory_space<vmem>> -> memref<1x32x128xf32, #tpu.memory_space<vmem>>
      %dma_wait3A_989 = tpu.memref_squeeze %dma_wait3A_988 : memref<1x32x128xf32, #tpu.memory_space<vmem>> -> memref<32x128xf32, #tpu.memory_space<vmem>>
      %dma_wait3A_990 = arith.constant 0 : i32
      %dma_wait3A_991 = arith.constant 0 : i32
      %dma_wait3A_992 = tpu.memref_slice %arg3[%dma_wait3A_990, %dma_wait3A_991] : memref<32x1000000xf32, #tpu.memory_space<hbm>> -> memref<32x128xf32, #tpu.memory_space<hbm>>
      %dma_wait3A_993 = tpu.memref_slice %arg8[%rem3A_974] : memref<24x!tpu.dma_semaphore, #tpu.memory_space<semaphore_mem>> -> memref<1x!tpu.dma_semaphore, #tpu.memory_space<semaphore_mem>>
      %dma_wait3A_994 = tpu.memref_squeeze %dma_wait3A_993 : memref<1x!tpu.dma_semaphore, #tpu.memory_space<semaphore_mem>> -> memref<!tpu.dma_semaphore, #tpu.memory_space<semaphore_mem>>
      %dma_wait3A_995 = arith.constant 0 : i32
      %dma_wait3A_996 = arith.constant 0 : i32
      %dma_wait3A_997 = tpu.memref_slice %arg6[%rem3A_974, %dma_wait3A_995, %dma_wait3A_996] : memref<24x32x128xf32, #tpu.memory_space<vmem>> -> memref<1x32x128xf32, #tpu.memory_space<vmem>>
      %dma_wait3A_998 = tpu.memref_squeeze %dma_wait3A_997 : memref<1x32x128xf32, #tpu.memory_space<vmem>> -> memref<32x128xf32, #tpu.memory_space<vmem>>
      %dma_wait3A_999 = arith.constant 0 : i32
      %dma_wait3A_1000 = arith.constant 0 : i32
      %dma_wait3A_1001 = tpu.memref_slice %arg3[%dma_wait3A_999, %dma_wait3A_1000] : memref<32x1000000xf32, #tpu.memory_space<hbm>> -> memref<32x128xf32, #tpu.memory_space<hbm>>
      tpu.wait_dma2 semaphore(%dma_wait3A_994 : memref<!tpu.dma_semaphore, #tpu.memory_space<semaphore_mem>>) src(%dma_wait3A_1001 : memref<32x128xf32, #tpu.memory_space<hbm>>) dst(%dma_wait3A_998 : memref<32x128xf32, #tpu.memory_space<vmem>>)
      %slice3A_1002 = vector.extract_strided_slice %get3A_542 {offsets = [9], sizes = [1], strides = [1]} : vector<16xi32> to vector<1xi32>
      %squeeze3A_1003 = vector.extract %slice3A_1002[0] : i32 from vector<1xi32>
      %and3A_1004 = arith.constant 127 : i32
      %and3A_1005 = arith.andi %squeeze3A_1003, %and3A_1004 : i32
      %broadcast_in_dim3A_1006 = vector.broadcast %and3A_1005 : i32 to vector<16xi32>
      %broadcast_in_dim3A_1007 = vector.broadcast %add3A_972 : i32 to vector<16xi32>
      %gather3A_1008 = arith.constant 0 : i32
      %gather3A_1009 = arith.constant 0 : i32
      %gather3A_1010 = tpu.memref_slice %arg6[%rem3A_974, %gather3A_1008, %gather3A_1009] : memref<24x32x128xf32, #tpu.memory_space<vmem>> -> memref<1x32x128xf32, #tpu.memory_space<vmem>>
      %gather3A_1011 = tpu.memref_squeeze %gather3A_1010 : memref<1x32x128xf32, #tpu.memory_space<vmem>> -> memref<32x128xf32, #tpu.memory_space<vmem>>
      %gather3A_1012 = tpu.vector_load_idx %gather3A_1011[%iota3A, %broadcast_in_dim3A_1006] : memref<32x128xf32, #tpu.memory_space<vmem>>[vector<16xi32>, vector<16xi32>], vector<16xf32>,
      %gather3A_1013 = arith.constant 0 : i32
      %gather3A_1014 = arith.constant 0 : i32
      %gather3A_1015 = tpu.memref_slice %arg6[%rem3A_974, %gather3A_1013, %gather3A_1014] : memref<24x32x128xf32, #tpu.memory_space<vmem>> -> memref<1x32x128xf32, #tpu.memory_space<vmem>>
      %gather3A_1016 = tpu.memref_squeeze %gather3A_1015 : memref<1x32x128xf32, #tpu.memory_space<vmem>> -> memref<32x128xf32, #tpu.memory_space<vmem>>
      %gather3A_1017 = tpu.vector_load_idx %gather3A_1016[%add3A_532, %broadcast_in_dim3A_1006] : memref<32x128xf32, #tpu.memory_space<vmem>>[vector<16xi32>, vector<16xi32>], vector<16xf32>,
      tpu.vector_store_idx %arg7[%iota3A, %broadcast_in_dim3A_1007], %gather3A_1012 : memref<32x512xf32, #tpu.memory_space<vmem>>[vector<16xi32>, vector<16xi32>], vector<16xf32>,
      tpu.vector_store_idx %arg7[%add3A_532, %broadcast_in_dim3A_1007], %gather3A_1017 : memref<32x512xf32, #tpu.memory_space<vmem>>[vector<16xi32>, vector<16xi32>], vector<16xf32>,
      %add3A_1018 = arith.constant 10 : i32
      %add3A_1019 = arith.addi %mul3A_556, %add3A_1018 : i32
      %rem3A_1020 = arith.constant 24 : i32
      %rem3A_1021 = arith.remsi %add3A_1019, %rem3A_1020 : i32
      %slice3A_1022 = vector.extract_strided_slice %get3A_554 {offsets = [1], sizes = [1], strides = [1]} : vector<16xi32> to vector<1xi32>
      %squeeze3A_1023 = vector.extract %slice3A_1022[0] : i32 from vector<1xi32>
      %add3A_1024 = arith.constant 24 : i32
      %add3A_1025 = arith.addi %add3A_1019, %add3A_1024 : i32
      %sub3A_1026 = arith.constant 1 : i32
      %sub3A_1027 = arith.subi %add3A_1025, %sub3A_1026 : i32
      %lt3A_1028 = arith.constant 512 : i32
      %lt3A_1029 = arith.cmpi slt, %sub3A_1027, %lt3A_1028 : i32
      %convert_element_type3A_1030 = arith.extui %lt3A_1029 : i1 to i32
      %cond3A_1031 = arith.constant 0 : i32
      %cond3A_1032 = arith.cmpi ne, %convert_element_type3A_1030, %cond3A_1031 : i32
      scf.if %cond3A_1032 {
        %add3A_1300 = arith.constant 24 : i32
        %add3A_1301 = arith.addi %add3A_1019, %add3A_1300 : i32
        %sub3A_1302 = arith.constant 1 : i32
        %sub3A_1303 = arith.subi %add3A_1301, %sub3A_1302 : i32
        %rem3A_1304 = arith.constant 24 : i32
        %rem3A_1305 = arith.remsi %sub3A_1303, %rem3A_1304 : i32
        %shift_right_arithmetic3A_1306 = arith.constant 7 : i32
        %shift_right_arithmetic3A_1307 = arith.shrsi %squeeze3A_1023, %shift_right_arithmetic3A_1306 : i32
        %mul3A_1308 = arith.constant 128 : i32
        %mul3A_1309 = arith.muli %shift_right_arithmetic3A_1307, %mul3A_1308 : i32
        %multiple_of3A_1310 = tpu.assume_multiple %mul3A_1309, 128 : i32
        %dma_start3A_1311 = arith.constant 0 : i32
        %dma_start3A_1312 = arith.constant 0 : i32
        %dma_start3A_1313 = tpu.memref_slice %arg6[%rem3A_1305, %dma_start3A_1311, %dma_start3A_1312] : memref<24x32x128xf32, #tpu.memory_space<vmem>> -> memref<1x32x128xf32, #tpu.memory_space<vmem>>
        %dma_start3A_1314 = tpu.memref_squeeze %dma_start3A_1313 : memref<1x32x128xf32, #tpu.memory_space<vmem>> -> memref<32x128xf32, #tpu.memory_space<vmem>>
        %dma_start3A_1315 = arith.constant 0 : i32
        %dma_start3A_1316 = tpu.memref_slice %arg3[%dma_start3A_1315, %multiple_of3A_1310] : memref<32x1000000xf32, #tpu.memory_space<hbm>> -> memref<32x128xf32, #tpu.memory_space<hbm>>
        %dma_start3A_1317 = tpu.memref_slice %arg8[%rem3A_1305] : memref<24x!tpu.dma_semaphore, #tpu.memory_space<semaphore_mem>> -> memref<1x!tpu.dma_semaphore, #tpu.memory_space<semaphore_mem>>
        %dma_start3A_1318 = tpu.memref_squeeze %dma_start3A_1317 : memref<1x!tpu.dma_semaphore, #tpu.memory_space<semaphore_mem>> -> memref<!tpu.dma_semaphore, #tpu.memory_space<semaphore_mem>>
        %dma_start3A_1319 = arith.constant 0 : i32
        %dma_start3A_1320 = arith.constant 0 : i32
        %dma_start3A_1321 = tpu.memref_slice %arg6[%rem3A_1305, %dma_start3A_1319, %dma_start3A_1320] : memref<24x32x128xf32, #tpu.memory_space<vmem>> -> memref<1x32x128xf32, #tpu.memory_space<vmem>>
        %dma_start3A_1322 = tpu.memref_squeeze %dma_start3A_1321 : memref<1x32x128xf32, #tpu.memory_space<vmem>> -> memref<32x128xf32, #tpu.memory_space<vmem>>
        %dma_start3A_1323 = arith.constant 0 : i32
        %dma_start3A_1324 = tpu.memref_slice %arg3[%dma_start3A_1323, %multiple_of3A_1310] : memref<32x1000000xf32, #tpu.memory_space<hbm>> -> memref<32x128xf32, #tpu.memory_space<hbm>>
        tpu.enqueue_dma source(%dma_start3A_1324 : memref<32x128xf32, #tpu.memory_space<hbm>>) target(%dma_start3A_1322 : memref<32x128xf32, #tpu.memory_space<vmem>>) target_semaphore(%dma_start3A_1318 : memref<!tpu.dma_semaphore, #tpu.memory_space<semaphore_mem>>)
      } else {
      }
      %dma_wait3A_1033 = arith.constant 0 : i32
      %dma_wait3A_1034 = arith.constant 0 : i32
      %dma_wait3A_1035 = tpu.memref_slice %arg6[%rem3A_1021, %dma_wait3A_1033, %dma_wait3A_1034] : memref<24x32x128xf32, #tpu.memory_space<vmem>> -> memref<1x32x128xf32, #tpu.memory_space<vmem>>
      %dma_wait3A_1036 = tpu.memref_squeeze %dma_wait3A_1035 : memref<1x32x128xf32, #tpu.memory_space<vmem>> -> memref<32x128xf32, #tpu.memory_space<vmem>>
      %dma_wait3A_1037 = arith.constant 0 : i32
      %dma_wait3A_1038 = arith.constant 0 : i32
      %dma_wait3A_1039 = tpu.memref_slice %arg3[%dma_wait3A_1037, %dma_wait3A_1038] : memref<32x1000000xf32, #tpu.memory_space<hbm>> -> memref<32x128xf32, #tpu.memory_space<hbm>>
      %dma_wait3A_1040 = tpu.memref_slice %arg8[%rem3A_1021] : memref<24x!tpu.dma_semaphore, #tpu.memory_space<semaphore_mem>> -> memref<1x!tpu.dma_semaphore, #tpu.memory_space<semaphore_mem>>
      %dma_wait3A_1041 = tpu.memref_squeeze %dma_wait3A_1040 : memref<1x!tpu.dma_semaphore, #tpu.memory_space<semaphore_mem>> -> memref<!tpu.dma_semaphore, #tpu.memory_space<semaphore_mem>>
      %dma_wait3A_1042 = arith.constant 0 : i32
      %dma_wait3A_1043 = arith.constant 0 : i32
      %dma_wait3A_1044 = tpu.memref_slice %arg6[%rem3A_1021, %dma_wait3A_1042, %dma_wait3A_1043] : memref<24x32x128xf32, #tpu.memory_space<vmem>> -> memref<1x32x128xf32, #tpu.memory_space<vmem>>
      %dma_wait3A_1045 = tpu.memref_squeeze %dma_wait3A_1044 : memref<1x32x128xf32, #tpu.memory_space<vmem>> -> memref<32x128xf32, #tpu.memory_space<vmem>>
      %dma_wait3A_1046 = arith.constant 0 : i32
      %dma_wait3A_1047 = arith.constant 0 : i32
      %dma_wait3A_1048 = tpu.memref_slice %arg3[%dma_wait3A_1046, %dma_wait3A_1047] : memref<32x1000000xf32, #tpu.memory_space<hbm>> -> memref<32x128xf32, #tpu.memory_space<hbm>>
      tpu.wait_dma2 semaphore(%dma_wait3A_1041 : memref<!tpu.dma_semaphore, #tpu.memory_space<semaphore_mem>>) src(%dma_wait3A_1048 : memref<32x128xf32, #tpu.memory_space<hbm>>) dst(%dma_wait3A_1045 : memref<32x128xf32, #tpu.memory_space<vmem>>)
      %slice3A_1049 = vector.extract_strided_slice %get3A_542 {offsets = [10], sizes = [1], strides = [1]} : vector<16xi32> to vector<1xi32>
      %squeeze3A_1050 = vector.extract %slice3A_1049[0] : i32 from vector<1xi32>
      %and3A_1051 = arith.constant 127 : i32
      %and3A_1052 = arith.andi %squeeze3A_1050, %and3A_1051 : i32
      %broadcast_in_dim3A_1053 = vector.broadcast %and3A_1052 : i32 to vector<16xi32>
      %broadcast_in_dim3A_1054 = vector.broadcast %add3A_1019 : i32 to vector<16xi32>
      %gather3A_1055 = arith.constant 0 : i32
      %gather3A_1056 = arith.constant 0 : i32
      %gather3A_1057 = tpu.memref_slice %arg6[%rem3A_1021, %gather3A_1055, %gather3A_1056] : memref<24x32x128xf32, #tpu.memory_space<vmem>> -> memref<1x32x128xf32, #tpu.memory_space<vmem>>
      %gather3A_1058 = tpu.memref_squeeze %gather3A_1057 : memref<1x32x128xf32, #tpu.memory_space<vmem>> -> memref<32x128xf32, #tpu.memory_space<vmem>>
      %gather3A_1059 = tpu.vector_load_idx %gather3A_1058[%iota3A, %broadcast_in_dim3A_1053] : memref<32x128xf32, #tpu.memory_space<vmem>>[vector<16xi32>, vector<16xi32>], vector<16xf32>,
      %gather3A_1060 = arith.constant 0 : i32
      %gather3A_1061 = arith.constant 0 : i32
      %gather3A_1062 = tpu.memref_slice %arg6[%rem3A_1021, %gather3A_1060, %gather3A_1061] : memref<24x32x128xf32, #tpu.memory_space<vmem>> -> memref<1x32x128xf32, #tpu.memory_space<vmem>>
      %gather3A_1063 = tpu.memref_squeeze %gather3A_1062 : memref<1x32x128xf32, #tpu.memory_space<vmem>> -> memref<32x128xf32, #tpu.memory_space<vmem>>
      %gather3A_1064 = tpu.vector_load_idx %gather3A_1063[%add3A_532, %broadcast_in_dim3A_1053] : memref<32x128xf32, #tpu.memory_space<vmem>>[vector<16xi32>, vector<16xi32>], vector<16xf32>,
      tpu.vector_store_idx %arg7[%iota3A, %broadcast_in_dim3A_1054], %gather3A_1059 : memref<32x512xf32, #tpu.memory_space<vmem>>[vector<16xi32>, vector<16xi32>], vector<16xf32>,
      tpu.vector_store_idx %arg7[%add3A_532, %broadcast_in_dim3A_1054], %gather3A_1064 : memref<32x512xf32, #tpu.memory_space<vmem>>[vector<16xi32>, vector<16xi32>], vector<16xf32>,
      %add3A_1065 = arith.constant 11 : i32
      %add3A_1066 = arith.addi %mul3A_556, %add3A_1065 : i32
      %rem3A_1067 = arith.constant 24 : i32
      %rem3A_1068 = arith.remsi %add3A_1066, %rem3A_1067 : i32
      %slice3A_1069 = vector.extract_strided_slice %get3A_554 {offsets = [2], sizes = [1], strides = [1]} : vector<16xi32> to vector<1xi32>
      %squeeze3A_1070 = vector.extract %slice3A_1069[0] : i32 from vector<1xi32>
      %add3A_1071 = arith.constant 24 : i32
      %add3A_1072 = arith.addi %add3A_1066, %add3A_1071 : i32
      %sub3A_1073 = arith.constant 1 : i32
      %sub3A_1074 = arith.subi %add3A_1072, %sub3A_1073 : i32
      %lt3A_1075 = arith.constant 512 : i32
      %lt3A_1076 = arith.cmpi slt, %sub3A_1074, %lt3A_1075 : i32
      %convert_element_type3A_1077 = arith.extui %lt3A_1076 : i1 to i32
      %cond3A_1078 = arith.constant 0 : i32
      %cond3A_1079 = arith.cmpi ne, %convert_element_type3A_1077, %cond3A_1078 : i32
      scf.if %cond3A_1079 {
        %add3A_1300 = arith.constant 24 : i32
        %add3A_1301 = arith.addi %add3A_1066, %add3A_1300 : i32
        %sub3A_1302 = arith.constant 1 : i32
        %sub3A_1303 = arith.subi %add3A_1301, %sub3A_1302 : i32
        %rem3A_1304 = arith.constant 24 : i32
        %rem3A_1305 = arith.remsi %sub3A_1303, %rem3A_1304 : i32
        %shift_right_arithmetic3A_1306 = arith.constant 7 : i32
        %shift_right_arithmetic3A_1307 = arith.shrsi %squeeze3A_1070, %shift_right_arithmetic3A_1306 : i32
        %mul3A_1308 = arith.constant 128 : i32
        %mul3A_1309 = arith.muli %shift_right_arithmetic3A_1307, %mul3A_1308 : i32
        %multiple_of3A_1310 = tpu.assume_multiple %mul3A_1309, 128 : i32
        %dma_start3A_1311 = arith.constant 0 : i32
        %dma_start3A_1312 = arith.constant 0 : i32
        %dma_start3A_1313 = tpu.memref_slice %arg6[%rem3A_1305, %dma_start3A_1311, %dma_start3A_1312] : memref<24x32x128xf32, #tpu.memory_space<vmem>> -> memref<1x32x128xf32, #tpu.memory_space<vmem>>
        %dma_start3A_1314 = tpu.memref_squeeze %dma_start3A_1313 : memref<1x32x128xf32, #tpu.memory_space<vmem>> -> memref<32x128xf32, #tpu.memory_space<vmem>>
        %dma_start3A_1315 = arith.constant 0 : i32
        %dma_start3A_1316 = tpu.memref_slice %arg3[%dma_start3A_1315, %multiple_of3A_1310] : memref<32x1000000xf32, #tpu.memory_space<hbm>> -> memref<32x128xf32, #tpu.memory_space<hbm>>
        %dma_start3A_1317 = tpu.memref_slice %arg8[%rem3A_1305] : memref<24x!tpu.dma_semaphore, #tpu.memory_space<semaphore_mem>> -> memref<1x!tpu.dma_semaphore, #tpu.memory_space<semaphore_mem>>
        %dma_start3A_1318 = tpu.memref_squeeze %dma_start3A_1317 : memref<1x!tpu.dma_semaphore, #tpu.memory_space<semaphore_mem>> -> memref<!tpu.dma_semaphore, #tpu.memory_space<semaphore_mem>>
        %dma_start3A_1319 = arith.constant 0 : i32
        %dma_start3A_1320 = arith.constant 0 : i32
        %dma_start3A_1321 = tpu.memref_slice %arg6[%rem3A_1305, %dma_start3A_1319, %dma_start3A_1320] : memref<24x32x128xf32, #tpu.memory_space<vmem>> -> memref<1x32x128xf32, #tpu.memory_space<vmem>>
        %dma_start3A_1322 = tpu.memref_squeeze %dma_start3A_1321 : memref<1x32x128xf32, #tpu.memory_space<vmem>> -> memref<32x128xf32, #tpu.memory_space<vmem>>
        %dma_start3A_1323 = arith.constant 0 : i32
        %dma_start3A_1324 = tpu.memref_slice %arg3[%dma_start3A_1323, %multiple_of3A_1310] : memref<32x1000000xf32, #tpu.memory_space<hbm>> -> memref<32x128xf32, #tpu.memory_space<hbm>>
        tpu.enqueue_dma source(%dma_start3A_1324 : memref<32x128xf32, #tpu.memory_space<hbm>>) target(%dma_start3A_1322 : memref<32x128xf32, #tpu.memory_space<vmem>>) target_semaphore(%dma_start3A_1318 : memref<!tpu.dma_semaphore, #tpu.memory_space<semaphore_mem>>)
      } else {
      }
      %dma_wait3A_1080 = arith.constant 0 : i32
      %dma_wait3A_1081 = arith.constant 0 : i32
      %dma_wait3A_1082 = tpu.memref_slice %arg6[%rem3A_1068, %dma_wait3A_1080, %dma_wait3A_1081] : memref<24x32x128xf32, #tpu.memory_space<vmem>> -> memref<1x32x128xf32, #tpu.memory_space<vmem>>
      %dma_wait3A_1083 = tpu.memref_squeeze %dma_wait3A_1082 : memref<1x32x128xf32, #tpu.memory_space<vmem>> -> memref<32x128xf32, #tpu.memory_space<vmem>>
      %dma_wait3A_1084 = arith.constant 0 : i32
      %dma_wait3A_1085 = arith.constant 0 : i32
      %dma_wait3A_1086 = tpu.memref_slice %arg3[%dma_wait3A_1084, %dma_wait3A_1085] : memref<32x1000000xf32, #tpu.memory_space<hbm>> -> memref<32x128xf32, #tpu.memory_space<hbm>>
      %dma_wait3A_1087 = tpu.memref_slice %arg8[%rem3A_1068] : memref<24x!tpu.dma_semaphore, #tpu.memory_space<semaphore_mem>> -> memref<1x!tpu.dma_semaphore, #tpu.memory_space<semaphore_mem>>
      %dma_wait3A_1088 = tpu.memref_squeeze %dma_wait3A_1087 : memref<1x!tpu.dma_semaphore, #tpu.memory_space<semaphore_mem>> -> memref<!tpu.dma_semaphore, #tpu.memory_space<semaphore_mem>>
      %dma_wait3A_1089 = arith.constant 0 : i32
      %dma_wait3A_1090 = arith.constant 0 : i32
      %dma_wait3A_1091 = tpu.memref_slice %arg6[%rem3A_1068, %dma_wait3A_1089, %dma_wait3A_1090] : memref<24x32x128xf32, #tpu.memory_space<vmem>> -> memref<1x32x128xf32, #tpu.memory_space<vmem>>
      %dma_wait3A_1092 = tpu.memref_squeeze %dma_wait3A_1091 : memref<1x32x128xf32, #tpu.memory_space<vmem>> -> memref<32x128xf32, #tpu.memory_space<vmem>>
      %dma_wait3A_1093 = arith.constant 0 : i32
      %dma_wait3A_1094 = arith.constant 0 : i32
      %dma_wait3A_1095 = tpu.memref_slice %arg3[%dma_wait3A_1093, %dma_wait3A_1094] : memref<32x1000000xf32, #tpu.memory_space<hbm>> -> memref<32x128xf32, #tpu.memory_space<hbm>>
      tpu.wait_dma2 semaphore(%dma_wait3A_1088 : memref<!tpu.dma_semaphore, #tpu.memory_space<semaphore_mem>>) src(%dma_wait3A_1095 : memref<32x128xf32, #tpu.memory_space<hbm>>) dst(%dma_wait3A_1092 : memref<32x128xf32, #tpu.memory_space<vmem>>)
      %slice3A_1096 = vector.extract_strided_slice %get3A_542 {offsets = [11], sizes = [1], strides = [1]} : vector<16xi32> to vector<1xi32>
      %squeeze3A_1097 = vector.extract %slice3A_1096[0] : i32 from vector<1xi32>
      %and3A_1098 = arith.constant 127 : i32
      %and3A_1099 = arith.andi %squeeze3A_1097, %and3A_1098 : i32
      %broadcast_in_dim3A_1100 = vector.broadcast %and3A_1099 : i32 to vector<16xi32>
      %broadcast_in_dim3A_1101 = vector.broadcast %add3A_1066 : i32 to vector<16xi32>
      %gather3A_1102 = arith.constant 0 : i32
      %gather3A_1103 = arith.constant 0 : i32
      %gather3A_1104 = tpu.memref_slice %arg6[%rem3A_1068, %gather3A_1102, %gather3A_1103] : memref<24x32x128xf32, #tpu.memory_space<vmem>> -> memref<1x32x128xf32, #tpu.memory_space<vmem>>
      %gather3A_1105 = tpu.memref_squeeze %gather3A_1104 : memref<1x32x128xf32, #tpu.memory_space<vmem>> -> memref<32x128xf32, #tpu.memory_space<vmem>>
      %gather3A_1106 = tpu.vector_load_idx %gather3A_1105[%iota3A, %broadcast_in_dim3A_1100] : memref<32x128xf32, #tpu.memory_space<vmem>>[vector<16xi32>, vector<16xi32>], vector<16xf32>,
      %gather3A_1107 = arith.constant 0 : i32
      %gather3A_1108 = arith.constant 0 : i32
      %gather3A_1109 = tpu.memref_slice %arg6[%rem3A_1068, %gather3A_1107, %gather3A_1108] : memref<24x32x128xf32, #tpu.memory_space<vmem>> -> memref<1x32x128xf32, #tpu.memory_space<vmem>>
      %gather3A_1110 = tpu.memref_squeeze %gather3A_1109 : memref<1x32x128xf32, #tpu.memory_space<vmem>> -> memref<32x128xf32, #tpu.memory_space<vmem>>
      %gather3A_1111 = tpu.vector_load_idx %gather3A_1110[%add3A_532, %broadcast_in_dim3A_1100] : memref<32x128xf32, #tpu.memory_space<vmem>>[vector<16xi32>, vector<16xi32>], vector<16xf32>,
      tpu.vector_store_idx %arg7[%iota3A, %broadcast_in_dim3A_1101], %gather3A_1106 : memref<32x512xf32, #tpu.memory_space<vmem>>[vector<16xi32>, vector<16xi32>], vector<16xf32>,
      tpu.vector_store_idx %arg7[%add3A_532, %broadcast_in_dim3A_1101], %gather3A_1111 : memref<32x512xf32, #tpu.memory_space<vmem>>[vector<16xi32>, vector<16xi32>], vector<16xf32>,
      %add3A_1112 = arith.constant 12 : i32
      %add3A_1113 = arith.addi %mul3A_556, %add3A_1112 : i32
      %rem3A_1114 = arith.constant 24 : i32
      %rem3A_1115 = arith.remsi %add3A_1113, %rem3A_1114 : i32
      %slice3A_1116 = vector.extract_strided_slice %get3A_554 {offsets = [3], sizes = [1], strides = [1]} : vector<16xi32> to vector<1xi32>
      %squeeze3A_1117 = vector.extract %slice3A_1116[0] : i32 from vector<1xi32>
      %add3A_1118 = arith.constant 24 : i32
      %add3A_1119 = arith.addi %add3A_1113, %add3A_1118 : i32
      %sub3A_1120 = arith.constant 1 : i32
      %sub3A_1121 = arith.subi %add3A_1119, %sub3A_1120 : i32
      %lt3A_1122 = arith.constant 512 : i32
      %lt3A_1123 = arith.cmpi slt, %sub3A_1121, %lt3A_1122 : i32
      %convert_element_type3A_1124 = arith.extui %lt3A_1123 : i1 to i32
      %cond3A_1125 = arith.constant 0 : i32
      %cond3A_1126 = arith.cmpi ne, %convert_element_type3A_1124, %cond3A_1125 : i32
      scf.if %cond3A_1126 {
        %add3A_1300 = arith.constant 24 : i32
        %add3A_1301 = arith.addi %add3A_1113, %add3A_1300 : i32
        %sub3A_1302 = arith.constant 1 : i32
        %sub3A_1303 = arith.subi %add3A_1301, %sub3A_1302 : i32
        %rem3A_1304 = arith.constant 24 : i32
        %rem3A_1305 = arith.remsi %sub3A_1303, %rem3A_1304 : i32
        %shift_right_arithmetic3A_1306 = arith.constant 7 : i32
        %shift_right_arithmetic3A_1307 = arith.shrsi %squeeze3A_1117, %shift_right_arithmetic3A_1306 : i32
        %mul3A_1308 = arith.constant 128 : i32
        %mul3A_1309 = arith.muli %shift_right_arithmetic3A_1307, %mul3A_1308 : i32
        %multiple_of3A_1310 = tpu.assume_multiple %mul3A_1309, 128 : i32
        %dma_start3A_1311 = arith.constant 0 : i32
        %dma_start3A_1312 = arith.constant 0 : i32
        %dma_start3A_1313 = tpu.memref_slice %arg6[%rem3A_1305, %dma_start3A_1311, %dma_start3A_1312] : memref<24x32x128xf32, #tpu.memory_space<vmem>> -> memref<1x32x128xf32, #tpu.memory_space<vmem>>
        %dma_start3A_1314 = tpu.memref_squeeze %dma_start3A_1313 : memref<1x32x128xf32, #tpu.memory_space<vmem>> -> memref<32x128xf32, #tpu.memory_space<vmem>>
        %dma_start3A_1315 = arith.constant 0 : i32
        %dma_start3A_1316 = tpu.memref_slice %arg3[%dma_start3A_1315, %multiple_of3A_1310] : memref<32x1000000xf32, #tpu.memory_space<hbm>> -> memref<32x128xf32, #tpu.memory_space<hbm>>
        %dma_start3A_1317 = tpu.memref_slice %arg8[%rem3A_1305] : memref<24x!tpu.dma_semaphore, #tpu.memory_space<semaphore_mem>> -> memref<1x!tpu.dma_semaphore, #tpu.memory_space<semaphore_mem>>
        %dma_start3A_1318 = tpu.memref_squeeze %dma_start3A_1317 : memref<1x!tpu.dma_semaphore, #tpu.memory_space<semaphore_mem>> -> memref<!tpu.dma_semaphore, #tpu.memory_space<semaphore_mem>>
        %dma_start3A_1319 = arith.constant 0 : i32
        %dma_start3A_1320 = arith.constant 0 : i32
        %dma_start3A_1321 = tpu.memref_slice %arg6[%rem3A_1305, %dma_start3A_1319, %dma_start3A_1320] : memref<24x32x128xf32, #tpu.memory_space<vmem>> -> memref<1x32x128xf32, #tpu.memory_space<vmem>>
        %dma_start3A_1322 = tpu.memref_squeeze %dma_start3A_1321 : memref<1x32x128xf32, #tpu.memory_space<vmem>> -> memref<32x128xf32, #tpu.memory_space<vmem>>
        %dma_start3A_1323 = arith.constant 0 : i32
        %dma_start3A_1324 = tpu.memref_slice %arg3[%dma_start3A_1323, %multiple_of3A_1310] : memref<32x1000000xf32, #tpu.memory_space<hbm>> -> memref<32x128xf32, #tpu.memory_space<hbm>>
        tpu.enqueue_dma source(%dma_start3A_1324 : memref<32x128xf32, #tpu.memory_space<hbm>>) target(%dma_start3A_1322 : memref<32x128xf32, #tpu.memory_space<vmem>>) target_semaphore(%dma_start3A_1318 : memref<!tpu.dma_semaphore, #tpu.memory_space<semaphore_mem>>)
      } else {
      }
      %dma_wait3A_1127 = arith.constant 0 : i32
      %dma_wait3A_1128 = arith.constant 0 : i32
      %dma_wait3A_1129 = tpu.memref_slice %arg6[%rem3A_1115, %dma_wait3A_1127, %dma_wait3A_1128] : memref<24x32x128xf32, #tpu.memory_space<vmem>> -> memref<1x32x128xf32, #tpu.memory_space<vmem>>
      %dma_wait3A_1130 = tpu.memref_squeeze %dma_wait3A_1129 : memref<1x32x128xf32, #tpu.memory_space<vmem>> -> memref<32x128xf32, #tpu.memory_space<vmem>>
      %dma_wait3A_1131 = arith.constant 0 : i32
      %dma_wait3A_1132 = arith.constant 0 : i32
      %dma_wait3A_1133 = tpu.memref_slice %arg3[%dma_wait3A_1131, %dma_wait3A_1132] : memref<32x1000000xf32, #tpu.memory_space<hbm>> -> memref<32x128xf32, #tpu.memory_space<hbm>>
      %dma_wait3A_1134 = tpu.memref_slice %arg8[%rem3A_1115] : memref<24x!tpu.dma_semaphore, #tpu.memory_space<semaphore_mem>> -> memref<1x!tpu.dma_semaphore, #tpu.memory_space<semaphore_mem>>
      %dma_wait3A_1135 = tpu.memref_squeeze %dma_wait3A_1134 : memref<1x!tpu.dma_semaphore, #tpu.memory_space<semaphore_mem>> -> memref<!tpu.dma_semaphore, #tpu.memory_space<semaphore_mem>>
      %dma_wait3A_1136 = arith.constant 0 : i32
      %dma_wait3A_1137 = arith.constant 0 : i32
      %dma_wait3A_1138 = tpu.memref_slice %arg6[%rem3A_1115, %dma_wait3A_1136, %dma_wait3A_1137] : memref<24x32x128xf32, #tpu.memory_space<vmem>> -> memref<1x32x128xf32, #tpu.memory_space<vmem>>
      %dma_wait3A_1139 = tpu.memref_squeeze %dma_wait3A_1138 : memref<1x32x128xf32, #tpu.memory_space<vmem>> -> memref<32x128xf32, #tpu.memory_space<vmem>>
      %dma_wait3A_1140 = arith.constant 0 : i32
      %dma_wait3A_1141 = arith.constant 0 : i32
      %dma_wait3A_1142 = tpu.memref_slice %arg3[%dma_wait3A_1140, %dma_wait3A_1141] : memref<32x1000000xf32, #tpu.memory_space<hbm>> -> memref<32x128xf32, #tpu.memory_space<hbm>>
      tpu.wait_dma2 semaphore(%dma_wait3A_1135 : memref<!tpu.dma_semaphore, #tpu.memory_space<semaphore_mem>>) src(%dma_wait3A_1142 : memref<32x128xf32, #tpu.memory_space<hbm>>) dst(%dma_wait3A_1139 : memref<32x128xf32, #tpu.memory_space<vmem>>)
      %slice3A_1143 = vector.extract_strided_slice %get3A_542 {offsets = [12], sizes = [1], strides = [1]} : vector<16xi32> to vector<1xi32>
      %squeeze3A_1144 = vector.extract %slice3A_1143[0] : i32 from vector<1xi32>
      %and3A_1145 = arith.constant 127 : i32
      %and3A_1146 = arith.andi %squeeze3A_1144, %and3A_1145 : i32
      %broadcast_in_dim3A_1147 = vector.broadcast %and3A_1146 : i32 to vector<16xi32>
      %broadcast_in_dim3A_1148 = vector.broadcast %add3A_1113 : i32 to vector<16xi32>
      %gather3A_1149 = arith.constant 0 : i32
      %gather3A_1150 = arith.constant 0 : i32
      %gather3A_1151 = tpu.memref_slice %arg6[%rem3A_1115, %gather3A_1149, %gather3A_1150] : memref<24x32x128xf32, #tpu.memory_space<vmem>> -> memref<1x32x128xf32, #tpu.memory_space<vmem>>
      %gather3A_1152 = tpu.memref_squeeze %gather3A_1151 : memref<1x32x128xf32, #tpu.memory_space<vmem>> -> memref<32x128xf32, #tpu.memory_space<vmem>>
      %gather3A_1153 = tpu.vector_load_idx %gather3A_1152[%iota3A, %broadcast_in_dim3A_1147] : memref<32x128xf32, #tpu.memory_space<vmem>>[vector<16xi32>, vector<16xi32>], vector<16xf32>,
      %gather3A_1154 = arith.constant 0 : i32
      %gather3A_1155 = arith.constant 0 : i32
      %gather3A_1156 = tpu.memref_slice %arg6[%rem3A_1115, %gather3A_1154, %gather3A_1155] : memref<24x32x128xf32, #tpu.memory_space<vmem>> -> memref<1x32x128xf32, #tpu.memory_space<vmem>>
      %gather3A_1157 = tpu.memref_squeeze %gather3A_1156 : memref<1x32x128xf32, #tpu.memory_space<vmem>> -> memref<32x128xf32, #tpu.memory_space<vmem>>
      %gather3A_1158 = tpu.vector_load_idx %gather3A_1157[%add3A_532, %broadcast_in_dim3A_1147] : memref<32x128xf32, #tpu.memory_space<vmem>>[vector<16xi32>, vector<16xi32>], vector<16xf32>,
      tpu.vector_store_idx %arg7[%iota3A, %broadcast_in_dim3A_1148], %gather3A_1153 : memref<32x512xf32, #tpu.memory_space<vmem>>[vector<16xi32>, vector<16xi32>], vector<16xf32>,
      tpu.vector_store_idx %arg7[%add3A_532, %broadcast_in_dim3A_1148], %gather3A_1158 : memref<32x512xf32, #tpu.memory_space<vmem>>[vector<16xi32>, vector<16xi32>], vector<16xf32>,
      %add3A_1159 = arith.constant 13 : i32
      %add3A_1160 = arith.addi %mul3A_556, %add3A_1159 : i32
      %rem3A_1161 = arith.constant 24 : i32
      %rem3A_1162 = arith.remsi %add3A_1160, %rem3A_1161 : i32
      %slice3A_1163 = vector.extract_strided_slice %get3A_554 {offsets = [4], sizes = [1], strides = [1]} : vector<16xi32> to vector<1xi32>
      %squeeze3A_1164 = vector.extract %slice3A_1163[0] : i32 from vector<1xi32>
      %add3A_1165 = arith.constant 24 : i32
      %add3A_1166 = arith.addi %add3A_1160, %add3A_1165 : i32
      %sub3A_1167 = arith.constant 1 : i32
      %sub3A_1168 = arith.subi %add3A_1166, %sub3A_1167 : i32
      %lt3A_1169 = arith.constant 512 : i32
      %lt3A_1170 = arith.cmpi slt, %sub3A_1168, %lt3A_1169 : i32
      %convert_element_type3A_1171 = arith.extui %lt3A_1170 : i1 to i32
      %cond3A_1172 = arith.constant 0 : i32
      %cond3A_1173 = arith.cmpi ne, %convert_element_type3A_1171, %cond3A_1172 : i32
      scf.if %cond3A_1173 {
        %add3A_1300 = arith.constant 24 : i32
        %add3A_1301 = arith.addi %add3A_1160, %add3A_1300 : i32
        %sub3A_1302 = arith.constant 1 : i32
        %sub3A_1303 = arith.subi %add3A_1301, %sub3A_1302 : i32
        %rem3A_1304 = arith.constant 24 : i32
        %rem3A_1305 = arith.remsi %sub3A_1303, %rem3A_1304 : i32
        %shift_right_arithmetic3A_1306 = arith.constant 7 : i32
        %shift_right_arithmetic3A_1307 = arith.shrsi %squeeze3A_1164, %shift_right_arithmetic3A_1306 : i32
        %mul3A_1308 = arith.constant 128 : i32
        %mul3A_1309 = arith.muli %shift_right_arithmetic3A_1307, %mul3A_1308 : i32
        %multiple_of3A_1310 = tpu.assume_multiple %mul3A_1309, 128 : i32
        %dma_start3A_1311 = arith.constant 0 : i32
        %dma_start3A_1312 = arith.constant 0 : i32
        %dma_start3A_1313 = tpu.memref_slice %arg6[%rem3A_1305, %dma_start3A_1311, %dma_start3A_1312] : memref<24x32x128xf32, #tpu.memory_space<vmem>> -> memref<1x32x128xf32, #tpu.memory_space<vmem>>
        %dma_start3A_1314 = tpu.memref_squeeze %dma_start3A_1313 : memref<1x32x128xf32, #tpu.memory_space<vmem>> -> memref<32x128xf32, #tpu.memory_space<vmem>>
        %dma_start3A_1315 = arith.constant 0 : i32
        %dma_start3A_1316 = tpu.memref_slice %arg3[%dma_start3A_1315, %multiple_of3A_1310] : memref<32x1000000xf32, #tpu.memory_space<hbm>> -> memref<32x128xf32, #tpu.memory_space<hbm>>
        %dma_start3A_1317 = tpu.memref_slice %arg8[%rem3A_1305] : memref<24x!tpu.dma_semaphore, #tpu.memory_space<semaphore_mem>> -> memref<1x!tpu.dma_semaphore, #tpu.memory_space<semaphore_mem>>
        %dma_start3A_1318 = tpu.memref_squeeze %dma_start3A_1317 : memref<1x!tpu.dma_semaphore, #tpu.memory_space<semaphore_mem>> -> memref<!tpu.dma_semaphore, #tpu.memory_space<semaphore_mem>>
        %dma_start3A_1319 = arith.constant 0 : i32
        %dma_start3A_1320 = arith.constant 0 : i32
        %dma_start3A_1321 = tpu.memref_slice %arg6[%rem3A_1305, %dma_start3A_1319, %dma_start3A_1320] : memref<24x32x128xf32, #tpu.memory_space<vmem>> -> memref<1x32x128xf32, #tpu.memory_space<vmem>>
        %dma_start3A_1322 = tpu.memref_squeeze %dma_start3A_1321 : memref<1x32x128xf32, #tpu.memory_space<vmem>> -> memref<32x128xf32, #tpu.memory_space<vmem>>
        %dma_start3A_1323 = arith.constant 0 : i32
        %dma_start3A_1324 = tpu.memref_slice %arg3[%dma_start3A_1323, %multiple_of3A_1310] : memref<32x1000000xf32, #tpu.memory_space<hbm>> -> memref<32x128xf32, #tpu.memory_space<hbm>>
        tpu.enqueue_dma source(%dma_start3A_1324 : memref<32x128xf32, #tpu.memory_space<hbm>>) target(%dma_start3A_1322 : memref<32x128xf32, #tpu.memory_space<vmem>>) target_semaphore(%dma_start3A_1318 : memref<!tpu.dma_semaphore, #tpu.memory_space<semaphore_mem>>)
      } else {
      }
      %dma_wait3A_1174 = arith.constant 0 : i32
      %dma_wait3A_1175 = arith.constant 0 : i32
      %dma_wait3A_1176 = tpu.memref_slice %arg6[%rem3A_1162, %dma_wait3A_1174, %dma_wait3A_1175] : memref<24x32x128xf32, #tpu.memory_space<vmem>> -> memref<1x32x128xf32, #tpu.memory_space<vmem>>
      %dma_wait3A_1177 = tpu.memref_squeeze %dma_wait3A_1176 : memref<1x32x128xf32, #tpu.memory_space<vmem>> -> memref<32x128xf32, #tpu.memory_space<vmem>>
      %dma_wait3A_1178 = arith.constant 0 : i32
      %dma_wait3A_1179 = arith.constant 0 : i32
      %dma_wait3A_1180 = tpu.memref_slice %arg3[%dma_wait3A_1178, %dma_wait3A_1179] : memref<32x1000000xf32, #tpu.memory_space<hbm>> -> memref<32x128xf32, #tpu.memory_space<hbm>>
      %dma_wait3A_1181 = tpu.memref_slice %arg8[%rem3A_1162] : memref<24x!tpu.dma_semaphore, #tpu.memory_space<semaphore_mem>> -> memref<1x!tpu.dma_semaphore, #tpu.memory_space<semaphore_mem>>
      %dma_wait3A_1182 = tpu.memref_squeeze %dma_wait3A_1181 : memref<1x!tpu.dma_semaphore, #tpu.memory_space<semaphore_mem>> -> memref<!tpu.dma_semaphore, #tpu.memory_space<semaphore_mem>>
      %dma_wait3A_1183 = arith.constant 0 : i32
      %dma_wait3A_1184 = arith.constant 0 : i32
      %dma_wait3A_1185 = tpu.memref_slice %arg6[%rem3A_1162, %dma_wait3A_1183, %dma_wait3A_1184] : memref<24x32x128xf32, #tpu.memory_space<vmem>> -> memref<1x32x128xf32, #tpu.memory_space<vmem>>
      %dma_wait3A_1186 = tpu.memref_squeeze %dma_wait3A_1185 : memref<1x32x128xf32, #tpu.memory_space<vmem>> -> memref<32x128xf32, #tpu.memory_space<vmem>>
      %dma_wait3A_1187 = arith.constant 0 : i32
      %dma_wait3A_1188 = arith.constant 0 : i32
      %dma_wait3A_1189 = tpu.memref_slice %arg3[%dma_wait3A_1187, %dma_wait3A_1188] : memref<32x1000000xf32, #tpu.memory_space<hbm>> -> memref<32x128xf32, #tpu.memory_space<hbm>>
      tpu.wait_dma2 semaphore(%dma_wait3A_1182 : memref<!tpu.dma_semaphore, #tpu.memory_space<semaphore_mem>>) src(%dma_wait3A_1189 : memref<32x128xf32, #tpu.memory_space<hbm>>) dst(%dma_wait3A_1186 : memref<32x128xf32, #tpu.memory_space<vmem>>)
      %slice3A_1190 = vector.extract_strided_slice %get3A_542 {offsets = [13], sizes = [1], strides = [1]} : vector<16xi32> to vector<1xi32>
      %squeeze3A_1191 = vector.extract %slice3A_1190[0] : i32 from vector<1xi32>
      %and3A_1192 = arith.constant 127 : i32
      %and3A_1193 = arith.andi %squeeze3A_1191, %and3A_1192 : i32
      %broadcast_in_dim3A_1194 = vector.broadcast %and3A_1193 : i32 to vector<16xi32>
      %broadcast_in_dim3A_1195 = vector.broadcast %add3A_1160 : i32 to vector<16xi32>
      %gather3A_1196 = arith.constant 0 : i32
      %gather3A_1197 = arith.constant 0 : i32
      %gather3A_1198 = tpu.memref_slice %arg6[%rem3A_1162, %gather3A_1196, %gather3A_1197] : memref<24x32x128xf32, #tpu.memory_space<vmem>> -> memref<1x32x128xf32, #tpu.memory_space<vmem>>
      %gather3A_1199 = tpu.memref_squeeze %gather3A_1198 : memref<1x32x128xf32, #tpu.memory_space<vmem>> -> memref<32x128xf32, #tpu.memory_space<vmem>>
      %gather3A_1200 = tpu.vector_load_idx %gather3A_1199[%iota3A, %broadcast_in_dim3A_1194] : memref<32x128xf32, #tpu.memory_space<vmem>>[vector<16xi32>, vector<16xi32>], vector<16xf32>,
      %gather3A_1201 = arith.constant 0 : i32
      %gather3A_1202 = arith.constant 0 : i32
      %gather3A_1203 = tpu.memref_slice %arg6[%rem3A_1162, %gather3A_1201, %gather3A_1202] : memref<24x32x128xf32, #tpu.memory_space<vmem>> -> memref<1x32x128xf32, #tpu.memory_space<vmem>>
      %gather3A_1204 = tpu.memref_squeeze %gather3A_1203 : memref<1x32x128xf32, #tpu.memory_space<vmem>> -> memref<32x128xf32, #tpu.memory_space<vmem>>
      %gather3A_1205 = tpu.vector_load_idx %gather3A_1204[%add3A_532, %broadcast_in_dim3A_1194] : memref<32x128xf32, #tpu.memory_space<vmem>>[vector<16xi32>, vector<16xi32>], vector<16xf32>,
      tpu.vector_store_idx %arg7[%iota3A, %broadcast_in_dim3A_1195], %gather3A_1200 : memref<32x512xf32, #tpu.memory_space<vmem>>[vector<16xi32>, vector<16xi32>], vector<16xf32>,
      tpu.vector_store_idx %arg7[%add3A_532, %broadcast_in_dim3A_1195], %gather3A_1205 : memref<32x512xf32, #tpu.memory_space<vmem>>[vector<16xi32>, vector<16xi32>], vector<16xf32>,
      %add3A_1206 = arith.constant 14 : i32
      %add3A_1207 = arith.addi %mul3A_556, %add3A_1206 : i32
      %rem3A_1208 = arith.constant 24 : i32
      %rem3A_1209 = arith.remsi %add3A_1207, %rem3A_1208 : i32
      %slice3A_1210 = vector.extract_strided_slice %get3A_554 {offsets = [5], sizes = [1], strides = [1]} : vector<16xi32> to vector<1xi32>
      %squeeze3A_1211 = vector.extract %slice3A_1210[0] : i32 from vector<1xi32>
      %add3A_1212 = arith.constant 24 : i32
      %add3A_1213 = arith.addi %add3A_1207, %add3A_1212 : i32
      %sub3A_1214 = arith.constant 1 : i32
      %sub3A_1215 = arith.subi %add3A_1213, %sub3A_1214 : i32
      %lt3A_1216 = arith.constant 512 : i32
      %lt3A_1217 = arith.cmpi slt, %sub3A_1215, %lt3A_1216 : i32
      %convert_element_type3A_1218 = arith.extui %lt3A_1217 : i1 to i32
      %cond3A_1219 = arith.constant 0 : i32
      %cond3A_1220 = arith.cmpi ne, %convert_element_type3A_1218, %cond3A_1219 : i32
      scf.if %cond3A_1220 {
        %add3A_1300 = arith.constant 24 : i32
        %add3A_1301 = arith.addi %add3A_1207, %add3A_1300 : i32
        %sub3A_1302 = arith.constant 1 : i32
        %sub3A_1303 = arith.subi %add3A_1301, %sub3A_1302 : i32
        %rem3A_1304 = arith.constant 24 : i32
        %rem3A_1305 = arith.remsi %sub3A_1303, %rem3A_1304 : i32
        %shift_right_arithmetic3A_1306 = arith.constant 7 : i32
        %shift_right_arithmetic3A_1307 = arith.shrsi %squeeze3A_1211, %shift_right_arithmetic3A_1306 : i32
        %mul3A_1308 = arith.constant 128 : i32
        %mul3A_1309 = arith.muli %shift_right_arithmetic3A_1307, %mul3A_1308 : i32
        %multiple_of3A_1310 = tpu.assume_multiple %mul3A_1309, 128 : i32
        %dma_start3A_1311 = arith.constant 0 : i32
        %dma_start3A_1312 = arith.constant 0 : i32
        %dma_start3A_1313 = tpu.memref_slice %arg6[%rem3A_1305, %dma_start3A_1311, %dma_start3A_1312] : memref<24x32x128xf32, #tpu.memory_space<vmem>> -> memref<1x32x128xf32, #tpu.memory_space<vmem>>
        %dma_start3A_1314 = tpu.memref_squeeze %dma_start3A_1313 : memref<1x32x128xf32, #tpu.memory_space<vmem>> -> memref<32x128xf32, #tpu.memory_space<vmem>>
        %dma_start3A_1315 = arith.constant 0 : i32
        %dma_start3A_1316 = tpu.memref_slice %arg3[%dma_start3A_1315, %multiple_of3A_1310] : memref<32x1000000xf32, #tpu.memory_space<hbm>> -> memref<32x128xf32, #tpu.memory_space<hbm>>
        %dma_start3A_1317 = tpu.memref_slice %arg8[%rem3A_1305] : memref<24x!tpu.dma_semaphore, #tpu.memory_space<semaphore_mem>> -> memref<1x!tpu.dma_semaphore, #tpu.memory_space<semaphore_mem>>
        %dma_start3A_1318 = tpu.memref_squeeze %dma_start3A_1317 : memref<1x!tpu.dma_semaphore, #tpu.memory_space<semaphore_mem>> -> memref<!tpu.dma_semaphore, #tpu.memory_space<semaphore_mem>>
        %dma_start3A_1319 = arith.constant 0 : i32
        %dma_start3A_1320 = arith.constant 0 : i32
        %dma_start3A_1321 = tpu.memref_slice %arg6[%rem3A_1305, %dma_start3A_1319, %dma_start3A_1320] : memref<24x32x128xf32, #tpu.memory_space<vmem>> -> memref<1x32x128xf32, #tpu.memory_space<vmem>>
        %dma_start3A_1322 = tpu.memref_squeeze %dma_start3A_1321 : memref<1x32x128xf32, #tpu.memory_space<vmem>> -> memref<32x128xf32, #tpu.memory_space<vmem>>
        %dma_start3A_1323 = arith.constant 0 : i32
        %dma_start3A_1324 = tpu.memref_slice %arg3[%dma_start3A_1323, %multiple_of3A_1310] : memref<32x1000000xf32, #tpu.memory_space<hbm>> -> memref<32x128xf32, #tpu.memory_space<hbm>>
        tpu.enqueue_dma source(%dma_start3A_1324 : memref<32x128xf32, #tpu.memory_space<hbm>>) target(%dma_start3A_1322 : memref<32x128xf32, #tpu.memory_space<vmem>>) target_semaphore(%dma_start3A_1318 : memref<!tpu.dma_semaphore, #tpu.memory_space<semaphore_mem>>)
      } else {
      }
      %dma_wait3A_1221 = arith.constant 0 : i32
      %dma_wait3A_1222 = arith.constant 0 : i32
      %dma_wait3A_1223 = tpu.memref_slice %arg6[%rem3A_1209, %dma_wait3A_1221, %dma_wait3A_1222] : memref<24x32x128xf32, #tpu.memory_space<vmem>> -> memref<1x32x128xf32, #tpu.memory_space<vmem>>
      %dma_wait3A_1224 = tpu.memref_squeeze %dma_wait3A_1223 : memref<1x32x128xf32, #tpu.memory_space<vmem>> -> memref<32x128xf32, #tpu.memory_space<vmem>>
      %dma_wait3A_1225 = arith.constant 0 : i32
      %dma_wait3A_1226 = arith.constant 0 : i32
      %dma_wait3A_1227 = tpu.memref_slice %arg3[%dma_wait3A_1225, %dma_wait3A_1226] : memref<32x1000000xf32, #tpu.memory_space<hbm>> -> memref<32x128xf32, #tpu.memory_space<hbm>>
      %dma_wait3A_1228 = tpu.memref_slice %arg8[%rem3A_1209] : memref<24x!tpu.dma_semaphore, #tpu.memory_space<semaphore_mem>> -> memref<1x!tpu.dma_semaphore, #tpu.memory_space<semaphore_mem>>
      %dma_wait3A_1229 = tpu.memref_squeeze %dma_wait3A_1228 : memref<1x!tpu.dma_semaphore, #tpu.memory_space<semaphore_mem>> -> memref<!tpu.dma_semaphore, #tpu.memory_space<semaphore_mem>>
      %dma_wait3A_1230 = arith.constant 0 : i32
      %dma_wait3A_1231 = arith.constant 0 : i32
      %dma_wait3A_1232 = tpu.memref_slice %arg6[%rem3A_1209, %dma_wait3A_1230, %dma_wait3A_1231] : memref<24x32x128xf32, #tpu.memory_space<vmem>> -> memref<1x32x128xf32, #tpu.memory_space<vmem>>
      %dma_wait3A_1233 = tpu.memref_squeeze %dma_wait3A_1232 : memref<1x32x128xf32, #tpu.memory_space<vmem>> -> memref<32x128xf32, #tpu.memory_space<vmem>>
      %dma_wait3A_1234 = arith.constant 0 : i32
      %dma_wait3A_1235 = arith.constant 0 : i32
      %dma_wait3A_1236 = tpu.memref_slice %arg3[%dma_wait3A_1234, %dma_wait3A_1235] : memref<32x1000000xf32, #tpu.memory_space<hbm>> -> memref<32x128xf32, #tpu.memory_space<hbm>>
      tpu.wait_dma2 semaphore(%dma_wait3A_1229 : memref<!tpu.dma_semaphore, #tpu.memory_space<semaphore_mem>>) src(%dma_wait3A_1236 : memref<32x128xf32, #tpu.memory_space<hbm>>) dst(%dma_wait3A_1233 : memref<32x128xf32, #tpu.memory_space<vmem>>)
      %slice3A_1237 = vector.extract_strided_slice %get3A_542 {offsets = [14], sizes = [1], strides = [1]} : vector<16xi32> to vector<1xi32>
      %squeeze3A_1238 = vector.extract %slice3A_1237[0] : i32 from vector<1xi32>
      %and3A_1239 = arith.constant 127 : i32
      %and3A_1240 = arith.andi %squeeze3A_1238, %and3A_1239 : i32
      %broadcast_in_dim3A_1241 = vector.broadcast %and3A_1240 : i32 to vector<16xi32>
      %broadcast_in_dim3A_1242 = vector.broadcast %add3A_1207 : i32 to vector<16xi32>
      %gather3A_1243 = arith.constant 0 : i32
      %gather3A_1244 = arith.constant 0 : i32
      %gather3A_1245 = tpu.memref_slice %arg6[%rem3A_1209, %gather3A_1243, %gather3A_1244] : memref<24x32x128xf32, #tpu.memory_space<vmem>> -> memref<1x32x128xf32, #tpu.memory_space<vmem>>
      %gather3A_1246 = tpu.memref_squeeze %gather3A_1245 : memref<1x32x128xf32, #tpu.memory_space<vmem>> -> memref<32x128xf32, #tpu.memory_space<vmem>>
      %gather3A_1247 = tpu.vector_load_idx %gather3A_1246[%iota3A, %broadcast_in_dim3A_1241] : memref<32x128xf32, #tpu.memory_space<vmem>>[vector<16xi32>, vector<16xi32>], vector<16xf32>,
      %gather3A_1248 = arith.constant 0 : i32
      %gather3A_1249 = arith.constant 0 : i32
      %gather3A_1250 = tpu.memref_slice %arg6[%rem3A_1209, %gather3A_1248, %gather3A_1249] : memref<24x32x128xf32, #tpu.memory_space<vmem>> -> memref<1x32x128xf32, #tpu.memory_space<vmem>>
      %gather3A_1251 = tpu.memref_squeeze %gather3A_1250 : memref<1x32x128xf32, #tpu.memory_space<vmem>> -> memref<32x128xf32, #tpu.memory_space<vmem>>
      %gather3A_1252 = tpu.vector_load_idx %gather3A_1251[%add3A_532, %broadcast_in_dim3A_1241] : memref<32x128xf32, #tpu.memory_space<vmem>>[vector<16xi32>, vector<16xi32>], vector<16xf32>,
      tpu.vector_store_idx %arg7[%iota3A, %broadcast_in_dim3A_1242], %gather3A_1247 : memref<32x512xf32, #tpu.memory_space<vmem>>[vector<16xi32>, vector<16xi32>], vector<16xf32>,
      tpu.vector_store_idx %arg7[%add3A_532, %broadcast_in_dim3A_1242], %gather3A_1252 : memref<32x512xf32, #tpu.memory_space<vmem>>[vector<16xi32>, vector<16xi32>], vector<16xf32>,
      %add3A_1253 = arith.constant 15 : i32
      %add3A_1254 = arith.addi %mul3A_556, %add3A_1253 : i32
      %rem3A_1255 = arith.constant 24 : i32
      %rem3A_1256 = arith.remsi %add3A_1254, %rem3A_1255 : i32
      %slice3A_1257 = vector.extract_strided_slice %get3A_554 {offsets = [6], sizes = [1], strides = [1]} : vector<16xi32> to vector<1xi32>
      %squeeze3A_1258 = vector.extract %slice3A_1257[0] : i32 from vector<1xi32>
      %add3A_1259 = arith.constant 24 : i32
      %add3A_1260 = arith.addi %add3A_1254, %add3A_1259 : i32
      %sub3A_1261 = arith.constant 1 : i32
      %sub3A_1262 = arith.subi %add3A_1260, %sub3A_1261 : i32
      %lt3A_1263 = arith.constant 512 : i32
      %lt3A_1264 = arith.cmpi slt, %sub3A_1262, %lt3A_1263 : i32
      %convert_element_type3A_1265 = arith.extui %lt3A_1264 : i1 to i32
      %cond3A_1266 = arith.constant 0 : i32
      %cond3A_1267 = arith.cmpi ne, %convert_element_type3A_1265, %cond3A_1266 : i32
      scf.if %cond3A_1267 {
        %add3A_1300 = arith.constant 24 : i32
        %add3A_1301 = arith.addi %add3A_1254, %add3A_1300 : i32
        %sub3A_1302 = arith.constant 1 : i32
        %sub3A_1303 = arith.subi %add3A_1301, %sub3A_1302 : i32
        %rem3A_1304 = arith.constant 24 : i32
        %rem3A_1305 = arith.remsi %sub3A_1303, %rem3A_1304 : i32
        %shift_right_arithmetic3A_1306 = arith.constant 7 : i32
        %shift_right_arithmetic3A_1307 = arith.shrsi %squeeze3A_1258, %shift_right_arithmetic3A_1306 : i32
        %mul3A_1308 = arith.constant 128 : i32
        %mul3A_1309 = arith.muli %shift_right_arithmetic3A_1307, %mul3A_1308 : i32
        %multiple_of3A_1310 = tpu.assume_multiple %mul3A_1309, 128 : i32
        %dma_start3A_1311 = arith.constant 0 : i32
        %dma_start3A_1312 = arith.constant 0 : i32
        %dma_start3A_1313 = tpu.memref_slice %arg6[%rem3A_1305, %dma_start3A_1311, %dma_start3A_1312] : memref<24x32x128xf32, #tpu.memory_space<vmem>> -> memref<1x32x128xf32, #tpu.memory_space<vmem>>
        %dma_start3A_1314 = tpu.memref_squeeze %dma_start3A_1313 : memref<1x32x128xf32, #tpu.memory_space<vmem>> -> memref<32x128xf32, #tpu.memory_space<vmem>>
        %dma_start3A_1315 = arith.constant 0 : i32
        %dma_start3A_1316 = tpu.memref_slice %arg3[%dma_start3A_1315, %multiple_of3A_1310] : memref<32x1000000xf32, #tpu.memory_space<hbm>> -> memref<32x128xf32, #tpu.memory_space<hbm>>
        %dma_start3A_1317 = tpu.memref_slice %arg8[%rem3A_1305] : memref<24x!tpu.dma_semaphore, #tpu.memory_space<semaphore_mem>> -> memref<1x!tpu.dma_semaphore, #tpu.memory_space<semaphore_mem>>
        %dma_start3A_1318 = tpu.memref_squeeze %dma_start3A_1317 : memref<1x!tpu.dma_semaphore, #tpu.memory_space<semaphore_mem>> -> memref<!tpu.dma_semaphore, #tpu.memory_space<semaphore_mem>>
        %dma_start3A_1319 = arith.constant 0 : i32
        %dma_start3A_1320 = arith.constant 0 : i32
        %dma_start3A_1321 = tpu.memref_slice %arg6[%rem3A_1305, %dma_start3A_1319, %dma_start3A_1320] : memref<24x32x128xf32, #tpu.memory_space<vmem>> -> memref<1x32x128xf32, #tpu.memory_space<vmem>>
        %dma_start3A_1322 = tpu.memref_squeeze %dma_start3A_1321 : memref<1x32x128xf32, #tpu.memory_space<vmem>> -> memref<32x128xf32, #tpu.memory_space<vmem>>
        %dma_start3A_1323 = arith.constant 0 : i32
        %dma_start3A_1324 = tpu.memref_slice %arg3[%dma_start3A_1323, %multiple_of3A_1310] : memref<32x1000000xf32, #tpu.memory_space<hbm>> -> memref<32x128xf32, #tpu.memory_space<hbm>>
        tpu.enqueue_dma source(%dma_start3A_1324 : memref<32x128xf32, #tpu.memory_space<hbm>>) target(%dma_start3A_1322 : memref<32x128xf32, #tpu.memory_space<vmem>>) target_semaphore(%dma_start3A_1318 : memref<!tpu.dma_semaphore, #tpu.memory_space<semaphore_mem>>)
      } else {
      }
      %dma_wait3A_1268 = arith.constant 0 : i32
      %dma_wait3A_1269 = arith.constant 0 : i32
      %dma_wait3A_1270 = tpu.memref_slice %arg6[%rem3A_1256, %dma_wait3A_1268, %dma_wait3A_1269] : memref<24x32x128xf32, #tpu.memory_space<vmem>> -> memref<1x32x128xf32, #tpu.memory_space<vmem>>
      %dma_wait3A_1271 = tpu.memref_squeeze %dma_wait3A_1270 : memref<1x32x128xf32, #tpu.memory_space<vmem>> -> memref<32x128xf32, #tpu.memory_space<vmem>>
      %dma_wait3A_1272 = arith.constant 0 : i32
      %dma_wait3A_1273 = arith.constant 0 : i32
      %dma_wait3A_1274 = tpu.memref_slice %arg3[%dma_wait3A_1272, %dma_wait3A_1273] : memref<32x1000000xf32, #tpu.memory_space<hbm>> -> memref<32x128xf32, #tpu.memory_space<hbm>>
      %dma_wait3A_1275 = tpu.memref_slice %arg8[%rem3A_1256] : memref<24x!tpu.dma_semaphore, #tpu.memory_space<semaphore_mem>> -> memref<1x!tpu.dma_semaphore, #tpu.memory_space<semaphore_mem>>
      %dma_wait3A_1276 = tpu.memref_squeeze %dma_wait3A_1275 : memref<1x!tpu.dma_semaphore, #tpu.memory_space<semaphore_mem>> -> memref<!tpu.dma_semaphore, #tpu.memory_space<semaphore_mem>>
      %dma_wait3A_1277 = arith.constant 0 : i32
      %dma_wait3A_1278 = arith.constant 0 : i32
      %dma_wait3A_1279 = tpu.memref_slice %arg6[%rem3A_1256, %dma_wait3A_1277, %dma_wait3A_1278] : memref<24x32x128xf32, #tpu.memory_space<vmem>> -> memref<1x32x128xf32, #tpu.memory_space<vmem>>
      %dma_wait3A_1280 = tpu.memref_squeeze %dma_wait3A_1279 : memref<1x32x128xf32, #tpu.memory_space<vmem>> -> memref<32x128xf32, #tpu.memory_space<vmem>>
      %dma_wait3A_1281 = arith.constant 0 : i32
      %dma_wait3A_1282 = arith.constant 0 : i32
      %dma_wait3A_1283 = tpu.memref_slice %arg3[%dma_wait3A_1281, %dma_wait3A_1282] : memref<32x1000000xf32, #tpu.memory_space<hbm>> -> memref<32x128xf32, #tpu.memory_space<hbm>>
      tpu.wait_dma2 semaphore(%dma_wait3A_1276 : memref<!tpu.dma_semaphore, #tpu.memory_space<semaphore_mem>>) src(%dma_wait3A_1283 : memref<32x128xf32, #tpu.memory_space<hbm>>) dst(%dma_wait3A_1280 : memref<32x128xf32, #tpu.memory_space<vmem>>)
      %slice3A_1284 = vector.extract_strided_slice %get3A_542 {offsets = [15], sizes = [1], strides = [1]} : vector<16xi32> to vector<1xi32>
      %squeeze3A_1285 = vector.extract %slice3A_1284[0] : i32 from vector<1xi32>
      %and3A_1286 = arith.constant 127 : i32
      %and3A_1287 = arith.andi %squeeze3A_1285, %and3A_1286 : i32
      %broadcast_in_dim3A_1288 = vector.broadcast %and3A_1287 : i32 to vector<16xi32>
      %broadcast_in_dim3A_1289 = vector.broadcast %add3A_1254 : i32 to vector<16xi32>
      %gather3A_1290 = arith.constant 0 : i32
      %gather3A_1291 = arith.constant 0 : i32
      %gather3A_1292 = tpu.memref_slice %arg6[%rem3A_1256, %gather3A_1290, %gather3A_1291] : memref<24x32x128xf32, #tpu.memory_space<vmem>> -> memref<1x32x128xf32, #tpu.memory_space<vmem>>
      %gather3A_1293 = tpu.memref_squeeze %gather3A_1292 : memref<1x32x128xf32, #tpu.memory_space<vmem>> -> memref<32x128xf32, #tpu.memory_space<vmem>>
      %gather3A_1294 = tpu.vector_load_idx %gather3A_1293[%iota3A, %broadcast_in_dim3A_1288] : memref<32x128xf32, #tpu.memory_space<vmem>>[vector<16xi32>, vector<16xi32>], vector<16xf32>,
      %gather3A_1295 = arith.constant 0 : i32
      %gather3A_1296 = arith.constant 0 : i32
      %gather3A_1297 = tpu.memref_slice %arg6[%rem3A_1256, %gather3A_1295, %gather3A_1296] : memref<24x32x128xf32, #tpu.memory_space<vmem>> -> memref<1x32x128xf32, #tpu.memory_space<vmem>>
      %gather3A_1298 = tpu.memref_squeeze %gather3A_1297 : memref<1x32x128xf32, #tpu.memory_space<vmem>> -> memref<32x128xf32, #tpu.memory_space<vmem>>
      %gather3A_1299 = tpu.vector_load_idx %gather3A_1298[%add3A_532, %broadcast_in_dim3A_1288] : memref<32x128xf32, #tpu.memory_space<vmem>>[vector<16xi32>, vector<16xi32>], vector<16xf32>,
      tpu.vector_store_idx %arg7[%iota3A, %broadcast_in_dim3A_1289], %gather3A_1294 : memref<32x512xf32, #tpu.memory_space<vmem>>[vector<16xi32>, vector<16xi32>], vector<16xf32>,
      tpu.vector_store_idx %arg7[%add3A_532, %broadcast_in_dim3A_1289], %gather3A_1299 : memref<32x512xf32, #tpu.memory_space<vmem>>[vector<16xi32>, vector<16xi32>], vector<16xf32>,
    }
    %scan3A_537 = arith.constant 32 : i32
    "tpu.region"() ({
      %run_scoped3A = tpu.sem_alloc : memref<!tpu.dma_semaphore, #tpu.memory_space<semaphore_mem>>
      %dma_start3A_538 = arith.constant 0 : i32
      %dma_start3A_539 = tpu.memref_slice %arg4[%dma_start3A_538, %mul3A_2] : memref<32x16384xf32, #tpu.memory_space<hbm>> -> memref<32x512xf32, #tpu.memory_space<hbm>>
      %dma_start3A_540 = arith.constant 0 : i32
      %dma_start3A_541 = tpu.memref_slice %arg4[%dma_start3A_540, %mul3A_2] : memref<32x16384xf32, #tpu.memory_space<hbm>> -> memref<32x512xf32, #tpu.memory_space<hbm>>
      tpu.enqueue_dma source(%arg7 : memref<32x512xf32, #tpu.memory_space<vmem>>) target(%dma_start3A_541 : memref<32x512xf32, #tpu.memory_space<hbm>>) target_semaphore(%run_scoped3A : memref<!tpu.dma_semaphore, #tpu.memory_space<semaphore_mem>>)
      %dma_wait3A = arith.constant 0 : i32
      %dma_wait3A_542 = tpu.memref_slice %arg4[%dma_wait3A, %mul3A_2] : memref<32x16384xf32, #tpu.memory_space<hbm>> -> memref<32x512xf32, #tpu.memory_space<hbm>>
      %dma_wait3A_543 = arith.constant 0 : i32
      %dma_wait3A_544 = tpu.memref_slice %arg4[%dma_wait3A_543, %mul3A_2] : memref<32x16384xf32, #tpu.memory_space<hbm>> -> memref<32x512xf32, #tpu.memory_space<hbm>>
      tpu.wait_dma2 semaphore(%run_scoped3A : memref<!tpu.dma_semaphore, #tpu.memory_space<semaphore_mem>>) src(%arg7 : memref<32x512xf32, #tpu.memory_space<vmem>>) dst(%dma_wait3A_544 : memref<32x512xf32, #tpu.memory_space<hbm>>)
      tpu.yield
    }) : () -> ()
    return
  }
}

</mosaic_0001>

<sc_bundles>
// kernel: kernel.3.cloned.1.call-start
scs
__scs_entry_jumppad:
0x0: {  	(pc) =	sbr.rel $0x88, $3  }
0x1: {  	(tag) =	ssettag $0x0;
	lr =	simm.s32 $0x1  }
0x2: {  	[smem:$0x3F9F] =	sst lr;
	_ =	strace $0xD0000000  }
0x3: {  	_ = 	snop  }
0x4: {  	_ = 	snop  }
0x5: {  	_ = 	snop  }
0x6: {  	_ = 	snop  }
0x7: {  	_ = 	snop  }
__scs_overlays_trampoline_lowered:
0x8: {  	[smem:$0x3FAE] =	sst s0  }
0x9: {  	[smem:$0x3FAF] =	sst s1  }
0xa: {  	[smem:$0x3FB0] =	sst s2  }
0xb: {  	[smem:$0x3FB1] =	sst s3  }
0xc: {  	[smem:$0x3FB2] =	sst s4  }
0xd: {  	[smem:$0x3FB3] =	sst s5  }
0xe: {  	[smem:$0x3FB4] =	sst s6  }
0xf: {  	[smem:$0x3FB5] =	sst s7  }
0x10: {  	[smem:$0x3FB6] =	sst s8  }
0x11: {  	[smem:$0x3FB7] =	sst s9;
	s0 =	simm.s32 @!p0 $0x0  }
0x12: {  	s1 =	sld [smem:$0x3F9D];
	s0 =	simm.s32 @p0 $0x1  }
0x13: {  	[smem:$0x3FB8] =	sst s0;
	s0 =	simm.s32 @!p1 $0x0  }
0x14: {  	s2 =	sld [smem:$0x3F9C];
	s0 =	simm.s32 @p1 $0x1  }
0x15: {  	[smem:$0x3FB9] =	sst s0;
	s0 =	simm.s32 @!p2 $0x0  }
0x16: {  	s3 =	sld [smem:$0x3FDB];
	s0 =	simm.s32 @p2 $0x1  }
0x17: {  	s4 =	simm.s32 $0x1BF5;
	[smem:$0x3FBB] =	sst s0  }
0x18: {  	s0 =	sld [smem:$0x3F9E];
	_ =	swait.ge [sflag:s4], $0x0  }
0x19: {  	s7 =	sld [smem:$0x3F9F]  }
0x1a: {  	s8 =	sadd.s32 $0xFFFFE003, lr  }
0x1b: {  	s9 =	sadd.s32 $0xFFFFFEF7, lr;
	s5 =	simm.s32 $0xFFFFFFFF;
	p2 =	slt.u32 s8, $0xFFFFF086  }
0x1c: {  	p1 =	slt.u32 s9, $0xF7A;
	s5 =	simm.s32 @!p2 $0x0  }
0x1d: {  	s5 =	simm.s32 @p1 $0x1;
	p0 =	seq.s32 s7, s2  }
0x1e: {  	s7 =	smul.u32 @!p0 $0xF7A, s2;
	p2 =	seq.s32 @!p0 s5, $0x0  }
0x1f: {  	s9 =	smul.u32 $0xF7A, s1;
	s8 =	simm.s32 @!p0 $0x1BF5;
	p2 =	por !p2, p0  }
0x20: {  	[sflag:s8] =	ssyncset.s32 @!p0 $0xFFFFF086;
	s6 =	sadd.s32 @!p0 s3, s7;
	s7 =	simm.s32 @!p0 $0x108  }
0x21: {  	s3 =	sadd.s32 s3, s9;
	s6 =	sadd.s32 @!p0 $0x88, s6;
	s7 =	simm.s32 @p2 $0x1082  }
0x22: {  	[simem:s7], [sflag:s8] =	dma.local @!p0 [hbm:s6], $0xF7A  }
0x23: {  	s9 =	sor.u32 $0xD0000000, s2;
	s6 =	simm.s32 $0x108;
	_ =	swait.ge @!p0 [sflag:s8], $0x0  }
0x24: {  	s3 =	sadd.s32 $0x88, s3;
	s6 =	simm.s32 @!p1 $0x1082;
	[sflag:s4] =	ssyncset.s32 $0xFFFFF086  }
0x25: {  	[simem:s6], [sflag:s4] =	dma.local [hbm:s3], $0xF7A  }
0x26: {  	[smem:$0x3F9F] =	sst s1;
	(tag) =	ssettag s2;
	_ =	strace s9  }
0x27: {  	s1 =	sld [smem:$0x3FAF]  }
0x28: {  	s2 =	sld [smem:$0x3FB0]  }
0x29: {  	s4 =	sld [smem:$0x3FB2]  }
0x2a: {  	p0 =	seq.s32 s5, $0x0;
	s5 =	sld [smem:$0x3FB3]  }
0x2b: {  	s6 =	sld [smem:$0x3FB4]  }
0x2c: {  	s7 =	sld [smem:$0x3FB5]  }
0x2d: {  	s3 =	simm.s32 $0x108;
	s8 =	sld [smem:$0x3FB6]  }
0x2e: {  	s3 =	simm.s32 @!p0 $0x1082;
	s9 =	sld [smem:$0x3FB7]  }
0x2f: {  	lr =	sadd.s32 s0, s3;
	s0 =	sld [smem:$0x3FAE]  }
0x30: {  	s3 =	sld [smem:$0x3FB1]  }
0x31: {  	[smem:$0x3FBA] =	sst s10  }
0x32: {  	s10 =	sld [smem:$0x3FB8];
	_ =	sdelay $0x3  }
0x33: {  	p0 =	seq.s32 s10, $0x1;
	s10 =	sld [smem:$0x3FBA];
	_ =	sdelay $0x3  }
0x34: {  	[smem:$0x3FBA] =	sst s10  }
0x35: {  	s10 =	sld [smem:$0x3FB9];
	_ =	sdelay $0x3  }
0x36: {  	p1 =	seq.s32 s10, $0x1;
	s10 =	sld [smem:$0x3FBA];
	_ =	sdelay $0x3  }
0x37: {  	[smem:$0x3FBA] =	sst s10  }
0x38: {  	s10 =	sld [smem:$0x3FBB]  }
0x39: {  	_ = 	snop;
	(pc) =	sbr.ind lr, $3  }
0x3a: {  	_ = 	snop  }
0x3b: {  	_ = 	snop  }
0x3c: {  	p2 =	seq.s32 s10, $0x1;
	s10 =	sld [smem:$0x3FBA]  }
0x3d: {  	_ =	shalt  }
0x3e: {  	_ =	shalt  }
0x3f: {  	_ =	shalt  }
0x40: {  	_ =	shalt  }
0x41: {  	_ =	shalt  }
0x42: {  	_ =	shalt  }
0x43: {  	_ =	shalt  }
0x44: {  	_ =	shalt  }
0x45: {  	_ =	shalt  }
0x46: {  	_ =	shalt  }
0x47: {  	_ =	shalt  }
0x48: {  	_ =	shalt  }
0x49: {  	_ =	shalt  }
0x4a: {  	_ =	shalt  }
0x4b: {  	_ =	shalt  }
0x4c: {  	_ =	shalt  }
0x4d: {  	_ =	shalt  }
0x4e: {  	_ =	shalt  }
0x4f: {  	_ =	shalt  }
0x50: {  	_ =	shalt  }
0x51: {  	_ =	shalt  }
0x52: {  	_ =	shalt  }
0x53: {  	_ =	shalt  }
0x54: {  	_ =	shalt  }
0x55: {  	_ =	shalt  }
0x56: {  	_ =	shalt  }
0x57: {  	_ =	shalt  }
0x58: {  	_ =	shalt  }
0x59: {  	_ =	shalt  }
0x5a: {  	_ =	shalt  }
0x5b: {  	_ =	shalt  }
0x5c: {  	_ =	shalt  }
0x5d: {  	_ =	shalt  }
0x5e: {  	_ =	shalt  }
0x5f: {  	_ =	shalt  }
0x60: {  	_ =	shalt  }
0x61: {  	_ =	shalt  }
0x62: {  	_ =	shalt  }
0x63: {  	_ =	shalt  }
0x64: {  	_ =	shalt  }
0x65: {  	_ =	shalt  }
0x66: {  	_ =	shalt  }
0x67: {  	_ =	shalt  }
0x68: {  	_ =	shalt  }
0x69: {  	_ =	shalt  }
0x6a: {  	_ =	shalt  }
0x6b: {  	_ =	shalt  }
0x6c: {  	_ =	shalt  }
0x6d: {  	_ =	shalt  }
0x6e: {  	_ =	shalt  }
0x6f: {  	_ =	shalt  }
0x70: {  	_ =	shalt  }
0x71: {  	_ =	shalt  }
0x72: {  	_ =	shalt  }
0x73: {  	_ =	shalt  }
0x74: {  	_ =	shalt  }
0x75: {  	_ =	shalt  }
0x76: {  	_ =	shalt  }
0x77: {  	_ =	shalt  }
0x78: {  	_ =	shalt  }
0x79: {  	_ =	shalt  }
0x7a: {  	_ =	shalt  }
0x7b: {  	_ =	shalt  }
0x7c: {  	_ =	shalt  }
0x7d: {  	_ =	shalt  }
0x7e: {  	_ =	shalt  }
0x7f: {  	_ =	shalt  }
0x80: {  	_ =	shalt  }
0x81: {  	_ =	shalt  }
0x82: {  	_ =	shalt  }
0x83: {  	_ =	shalt  }
0x84: {  	_ =	shalt  }
0x85: {  	_ =	shalt  }
0x86: {  	_ =	shalt  }
0x87: {  	_ =	shalt  }
.Lfunc_end0:
.L_simem_size_0:
called_computation_lowered:
.L_overlay_start_0:
0x88: {  	s2 =	sld [smem:$0x3FD9]  }
0x89: {  	s3 =	sld [smem:$0x3FFE];
	_ =	sdelay $0x1  }
0x8a: {  	s1 =	srdreg.scid  }
0x8b: {  	s0 =	sand.u32 $0x1, s1  }
0x8c: {  	s18 =	sshll.u32 s0, $0xA;
	s2 =	sadd.s32 s3, s2  }
0x8d: {  	s2 =	sadd.s32 s2, s18  }
0x8e: {  	[smem:$0x3FC6] =	sst s2  }
0x8f: {  	_ = 	snop  }
0x90: {  	s2 =	sld [smem:$0x3FC9]  }
0x91: {  	s19 =	sld [smem:$0x3FC8]  }
0x92: {  	s4 =	sld [smem:$0x3FD0];
	(tm) =	ssettm $0x1  }
0x93: {  	s5 =	sld [smem:$0x3FFB];
	_ =	sdelay $0x3  }
0x94: {  	_ =	strace s5  }
0x95: {  	s5 =	sld [smem:$0x3FFC];
	_ =	sdelay $0x3  }
0x96: {  	_ =	strace s5  }
0x97: {  	s5 =	sld [smem:$0x3FFD];
	_ =	sdelay $0x3  }
0x98: {  	_ =	strace s5  }
0x99: {  	_ =	strace $0x8FFFFFFF  }
0x9a: {  	s20 =	sld [smem:$0x3FDB];
	_ =	sdelay $0x1  }
0x9b: {  	s6 =	simm.s32 $_scs_section_size  }
0x9c: {  	s7 =	simm.s32 $_size__tile_overlayer_lowered;
	s8 =	simm.s32 $_tile_overlayer_lowered  }
0x9d: {  	s23 =	simm.s32 $0x1BFF;
	s22 =	sshll.u32 s8, $0x1;
	s5 =	sadd.s32 s6, s20  }
0x9e: {  	s9 =	simm.s32 $0x0;
	s21 =	sshll.u32 s7, $0x1;
	s7 =	sadd.s32 s22, s5  }
0x9f: {  	[timem:s9], [sflag:s23] =	dma.local [hbm:s7], s21  }
0xa0: {  	_ =	swait.ge [sflag:s23], s21  }
0xa1: {  	s6 =	ssub.s32 $0x0, s21;
	[sflag:s23] =	ssyncset.done $0x0  }
0xa2: {  	[sflag:s23] =	ssyncadd.s32 s6;
	_ =	sdelay $0x1  }
0xa3: {  	s24 =	simm.s32 $0x1B8B  }
0xa4: {  	_ =	swait.ge [sflag:s24], $0x1  }
0xa5: {  	[sflag:s24] =	ssyncset.done $0x0  }
0xa6: {  	s25 =	simm.s32 $0x1B8E;
	[sflag:s24] =	ssyncadd.s32 $0xFFFFFFFF  }
0xa7: {  	s26 =	simm.s32 $execute0_lowered;
	[smem:$0x3FD2] =	sst s25  }
0xa8: {  	s6 =	sshll.u32 s26, $0x1;
	_ =	strace $0x80000046;
	[dreg:$0x1] =	wrdreg $0xFFFFFFFF  }
0xa9: {  	s28 =	simm.s32 $_size_execute0_lowered;
	s5 =	sadd.s32 s5, s6;
	[dreg:$0x0] =	wrdreg $0x0  }
0xaa: {  	s6 =	sshll.u32 s28, $0x1;
	[dreg:$0x2] =	wrdreg s5  }
0xab: {  	[dreg:$0x3] =	wrdreg s6  }
0xac: {  	[dreg:$0x4] =	wrdreg $0xC0  }
0xad: {  	_ =	task [dreg:s9], $0x5FFFF  }
0xae: {  	[dreg:$0x1] =	wrdreg $0xFFFFFFFF  }
0xaf: {  	[dreg:$0x0] =	wrdreg $0x60  }
0xb0: {  	[dreg:$0x2] =	wrdreg s2  }
0xb1: {  	[dreg:$0x3] =	wrdreg s19  }
0xb2: {  	[dreg:$0x4] =	wrdreg s4  }
0xb3: {  	[dreg:$0x5] =	wrdreg $0x9  }
0xb4: {  	_ =	task.clear_ibuf [dreg:s9], $0x6FFFF;
	_ =	strace $0x90000046  }
0xb5: {  	s29 =	simm.s32 $0x9;
	_ =	strace $0x80000048  }
0xb6: {  	_ =	swait.ge [sflag:s29], $0x1  }
0xb7: {  	[sflag:s29] =	ssyncadd.s32 $0xFFFFFFFF  }
0xb8: {  	_ =	strace $0x90000048  }
0xb9: {  	_ =	sfence  }
0xba: {  	s30 =	sld [smem:$0x0];
	_ =	sdelay $0x2  }
0xbb: {  	s31 =	sshll.u32 s1, $0xD;
	s1 =	sshrl.u32 s1, $0x2  }
0xbc: {  	s3 =	sand.u32 $0x4000, s31;
	s1 =	sadd.s32 s1, s30  }
0xbd: {  	s0 =	sor.u32 s3, s0;
	s1 =	sshll.u32 s1, $0x11  }
0xbe: {  	s0 =	sor.u32 s1, s0  }
0xbf: {  	s0 =	sadd.s32 $0x8F2B, s0  }
0xc0: {  	[sflag:s0] =	ssyncadd.remote.s32 $0x1  }
0xc1: {  	_ =	sfence.sel $0xFFFF  }
0xc2: {  	[dreg:$0x0] =	wrdreg $0xFFFFFFFF;
	(pc) =	sbr.abs _section_cstart, $3  }
0xc3: {  	[dreg:$0x1] =	wrdreg $0xFFFFFFFF  }
0xc4: {  	_ =	task.clear_ibuf [dreg:s9], $0x2FFFF;
	_ =	strace $0x9FFFFFFF  }
0xc5: {  	(tm) =	ssettm $0x7FFFFFFF  }
tec
execute0_lowered:
.L_overlay_start_1:
0x0: {  	(tag) =	ssettag $0x1  }
0x1: {  	v0 =	vlaneseq.u32;
	v1 =	vimm.s32 $0x1380  }
0x2: {  	vm0 =	vcmask $0x300;
	v2 =	vimm.s32 $0x3380;
	vm1 =	vcmask $0x704  }
0x3: {  	vm15 =	vcmask $0xB08;
	v1 =	vsel vm0, $0x0, v1;
	v2 =	vsel vm0, $0x2000, v2  }
0x4: {  	vm4 =	vcmask $0xF0C;
	v1 =	vsel vm1, $0x80, v1;
	v2 =	vsel vm1, $0x2080, v2  }
0x5: {  	vm5 =	vcmask $0x1310;
	v1 =	vsel vm15, $0x100, v1;
	v2 =	vsel vm15, $0x2100, v2  }
0x6: {  	vm6 =	vcmask $0x1714;
	v1 =	vsel vm4, $0x180, v1;
	v2 =	vsel vm4, $0x2180, v2  }
0x7: {  	vm7 =	vcmask $0x1B18;
	v1 =	vsel vm5, $0x200, v1;
	v2 =	vsel vm5, $0x2200, v2  }
0x8: {  	s0 =	rddreg [dreg:$0x0];
	vm8 =	vcmask $0x1F1C;
	v1 =	vsel vm6, $0x280, v1;
	v2 =	vsel vm6, $0x2280, v2  }
0x9: {  	s23 =	rddreg [dreg:$0x1];
	vm9 =	vcmask $0x2320;
	v1 =	vsel vm7, $0x300, v1;
	v2 =	vsel vm7, $0x2300, v2  }
0xa: {  	s2 =	srdreg.scid;
	s4 =	stileid.u32;
	vm10 =	vcmask $0x2724;
	v1 =	vsel vm8, $0x380, v1;
	v2 =	vsel vm8, $0x2380, v2  }
0xb: {  	s5 =	simm.s32 $0x0;
	vm11 =	vcmask $0x2B28;
	s2 =	sand.u32 $0x1, s2;
	s4 =	sshll.u32 s4, $0xA;
	v1 =	vsel vm9, $0x1000, v1;
	v2 =	vsel vm9, $0x3000, v2  }
0xc: {  	vm12 =	vcmask $0x2F2C;
	[smem:$0x7FF] =	sst s5;
	s3 =	ssub.s32 $0x2, s2;
	s2 =	sshll.u32 s2, $0x9;
	v1 =	vsel vm10, $0x1080, v1;
	v2 =	vsel vm10, $0x3080, v2  }
0xd: {  	s1 =	rddreg [dreg:$0x2];
	vm13 =	vcmask $0x3330;
	_ =	strace $0x80000047;
	s2 =	sor.u32 s2, s4;
	v1 =	vsel vm11, $0x1100, v1;
	v2 =	vsel vm11, $0x3100, v2  }
0xe: {  	vm14 =	vcmask $0x3734;
	s29 =	sshrl.u32 s3, $0x1;
	s4 =	sshrl.u32 s2, $0x3;
	s30 =	sadd.s32 s1, s2;
	v1 =	vsel vm12, $0x1180, v1;
	v2 =	vsel vm12, $0x3180, v2  }
0xf: {  	v0 =	vmul.u32 $0x80, v0;
	s3 =	ssub.s32 s3, s29;
	s0 =	sadd.s32 s0, s4;
	[dreg:$0xf] =	wrdreg s30;
	v1 =	vsel vm13, $0x1200, v1;
	v2 =	vsel vm13, $0x3200, v2  }
0x10: {  	vm15 =	vcmask $0x3B38;
	s31 =	smax.u32 s3, $0x1;
	[dreg:$0xe] =	wrdreg s0;
	v3 =	vsel vm14, $0x1280, v1;
	v4 =	vsel vm14, $0x3280, v2  }
0x11: {  	s1 =	simm.s32 $0x19;
	s2 =	simm.s32 $0x0;
	[dreg:$0x10] =	wrdreg s31;
	v1 =	vor.u32 $0x800, v0;
	v2 =	vsel vm15, $0x1300, v3;
	v3 =	vsel vm15, $0x3300, v4  }
.LBB2_1:
0x12: {  	[dreg:$0x11] =	wrdreg s2  }
0x13: {  	s7 =	simm.s32 $0x0;
	s0 =	rddreg [dreg:$0xe]  }
0x14: {  	[tilespmem:s7], [sflag:$0x19] =	stream.linear.gather [hbm4b:s0+s7], $0x200, $0x38;
	[tilespmem:$0x1C280] =	vst v63  }
0x15: {  	_ =	swait.ge [sflag:s1], $0x200  }
0x16: {  	[sflag:s1] =	ssyncset.done $0x0  }
0x17: {  	[sflag:s1] =	ssyncadd.s32 $0xFFFFFE00  }
0x18: {  	v4 =	vld [tilespmem:$0x0];
	_ =	sdelay $0x4  }
0x19: {  	(v2sf) =	vpush v4, $0x0;
	_ =	sdelay $0x1  }
0x1a: {  	(v2sf) =	vpush v4, $0x1;
	_ =	sdelay $0x2  }
0x1b: {  	(v2sf) =	vpush v4, $0x2;
	_ =	sdelay $0x2  }
0x1c: {  	(v2sf) =	vpush v4, $0x3;
	_ =	sdelay $0x2  }
0x1d: {  	(v2sf) =	vpush v4, $0x4;
	_ =	sdelay $0x2  }
0x1e: {  	(v2sf) =	vpush v4, $0x5  }
0x1f: {  	s2 =	simm.s32 $0x7A1400;
	s26 =	spop (v2sf)  }
0x20: {  	s3 =	simm.s32 $0x280;
	s0 =	sand.u32 $0xFFFFF80, s26  }
0x21: {  	s1 =	simm.s32 $0x400;
	(v2sf) =	vpush v4, $0x6;
	s28 =	spop (v2sf);
	s0 =	sadd.s32 s23, s0  }
0x22: {  	v5 =	vld [tilespmem:$0x10];
	[tilespmem:s3], [sflag:$0x1] =	stream.strided.gather [hbm4b:s0+s1], $0x1000, s2, s1, $0x38  }
0x23: {  	s0 =	sand.u32 $0xFFFFF80, s28  }
0x24: {  	s29 =	simm.s32 $0x1280;
	(v2sf) =	vpush v4, $0x7;
	s30 =	spop (v2sf);
	s0 =	sadd.s32 s23, s0  }
0x25: {  	[tilespmem:s29], [sflag:$0x2] =	stream.strided.gather [hbm4b:s0+s1], $0x1000, s2, s1, $0x38;
	[tilespmem:$0x1C280] =	vst v63  }
0x26: {  	s0 =	sand.u32 $0xFFFFF80, s30  }
0x27: {  	s31 =	simm.s32 $0x2280;
	(v2sf) =	vpush v4, $0x8;
	s3 =	spop (v2sf);
	s0 =	sadd.s32 s23, s0  }
0x28: {  	[tilespmem:s31], [sflag:$0x3] =	stream.strided.gather [hbm4b:s0+s1], $0x1000, s2, s1, $0x38;
	[tilespmem:$0x1C280] =	vst v63  }
0x29: {  	s0 =	sand.u32 $0xFFFFF80, s3  }
0x2a: {  	s4 =	simm.s32 $0x3280;
	s5 =	spop (v2sf);
	s0 =	sadd.s32 s23, s0  }
0x2b: {  	[tilespmem:s4], [sflag:$0x4] =	stream.strided.gather [hbm4b:s0+s1], $0x1000, s2, s1, $0x38;
	[tilespmem:$0x1C280] =	vst v63  }
0x2c: {  	(v2sf) =	vpush v4, $0x9;
	s0 =	sand.u32 $0xFFFFF80, s5  }
0x2d: {  	s6 =	simm.s32 $0x4280;
	s8 =	spop (v2sf);
	s0 =	sadd.s32 s23, s0  }
0x2e: {  	(v2sf) =	vpush v4, $0xA;
	[tilespmem:s6], [sflag:$0x5] =	stream.strided.gather [hbm4b:s0+s1], $0x1000, s2, s1, $0x38;
	[tilespmem:$0x1C280] =	vst v63  }
0x2f: {  	s0 =	sand.u32 $0xFFFFF80, s8  }
0x30: {  	s9 =	simm.s32 $0x5280;
	s10 =	spop (v2sf);
	s0 =	sadd.s32 s23, s0  }
0x31: {  	(v2sf) =	vpush v4, $0xB;
	[tilespmem:s9], [sflag:$0x6] =	stream.strided.gather [hbm4b:s0+s1], $0x1000, s2, s1, $0x38;
	[tilespmem:$0x1C280] =	vst v63  }
0x32: {  	s0 =	sand.u32 $0xFFFFF80, s10  }
0x33: {  	s11 =	simm.s32 $0x6280;
	s12 =	spop (v2sf);
	s0 =	sadd.s32 s23, s0  }
0x34: {  	(v2sf) =	vpush v4, $0xC;
	[tilespmem:s11], [sflag:$0x7] =	stream.strided.gather [hbm4b:s0+s1], $0x1000, s2, s1, $0x38;
	[tilespmem:$0x1C280] =	vst v63  }
0x35: {  	s0 =	sand.u32 $0xFFFFF80, s12  }
0x36: {  	s13 =	simm.s32 $0x7280;
	s14 =	spop (v2sf);
	s0 =	sadd.s32 s23, s0  }
0x37: {  	(v2sf) =	vpush v4, $0xD;
	[tilespmem:s13], [sflag:$0x8] =	stream.strided.gather [hbm4b:s0+s1], $0x1000, s2, s1, $0x38;
	[tilespmem:$0x1C280] =	vst v63  }
0x38: {  	s0 =	sand.u32 $0xFFFFF80, s14  }
0x39: {  	s15 =	simm.s32 $0x8280;
	s0 =	sadd.s32 s23, s0  }
0x3a: {  	[tilespmem:s15], [sflag:$0x9] =	stream.strided.gather [hbm4b:s0+s1], $0x1000, s2, s1, $0x38;
	[tilespmem:$0x1C280] =	vst v63  }
0x3b: {  	s16 =	spop (v2sf)  }
0x3c: {  	(v2sf) =	vpush v4, $0xE;
	s0 =	sand.u32 $0xFFFFF80, s16  }
0x3d: {  	s17 =	simm.s32 $0x9280;
	s18 =	spop (v2sf);
	s0 =	sadd.s32 s23, s0  }
0x3e: {  	(v2sf) =	vpush v4, $0xF;
	[tilespmem:s17], [sflag:$0xA] =	stream.strided.gather [hbm4b:s0+s1], $0x1000, s2, s1, $0x38;
	[tilespmem:$0x1C280] =	vst v63  }
0x3f: {  	s0 =	sand.u32 $0xFFFFF80, s18  }
0x40: {  	s19 =	simm.s32 $0xA280;
	s20 =	spop (v2sf);
	s0 =	sadd.s32 s23, s0  }
0x41: {  	(v2sf) =	vpush v5, $0x0;
	[tilespmem:s19], [sflag:$0xB] =	stream.strided.gather [hbm4b:s0+s1], $0x1000, s2, s1, $0x38;
	[tilespmem:$0x1C280] =	vst v63  }
0x42: {  	s0 =	sand.u32 $0xFFFFF80, s20  }
0x43: {  	s21 =	simm.s32 $0xB280;
	s22 =	spop (v2sf);
	s0 =	sadd.s32 s23, s0  }
0x44: {  	(v2sf) =	vpush v5, $0x1;
	[tilespmem:s21], [sflag:$0xC] =	stream.strided.gather [hbm4b:s0+s1], $0x1000, s2, s1, $0x38;
	[tilespmem:$0x1C280] =	vst v63  }
0x45: {  	s0 =	sand.u32 $0xFFFFF80, s22  }
0x46: {  	s24 =	simm.s32 $0xC280;
	s25 =	spop (v2sf);
	s0 =	sadd.s32 s23, s0  }
0x47: {  	(v2sf) =	vpush v5, $0x2;
	[tilespmem:s24], [sflag:$0xD] =	stream.strided.gather [hbm4b:s0+s1], $0x1000, s2, s1, $0x38;
	[tilespmem:$0x1C280] =	vst v63  }
0x48: {  	s0 =	sand.u32 $0xFFFFF80, s25  }
0x49: {  	s26 =	simm.s32 $0xD280;
	s0 =	sadd.s32 s23, s0  }
0x4a: {  	[tilespmem:s26], [sflag:$0xE] =	stream.strided.gather [hbm4b:s0+s1], $0x1000, s2, s1, $0x38;
	[tilespmem:$0x1C280] =	vst v63  }
0x4b: {  	s28 =	spop (v2sf)  }
0x4c: {  	(v2sf) =	vpush v5, $0x3;
	s0 =	sand.u32 $0xFFFFF80, s28  }
0x4d: {  	s29 =	simm.s32 $0xE280;
	s30 =	spop (v2sf);
	s0 =	sadd.s32 s23, s0  }
0x4e: {  	(v2sf) =	vpush v5, $0x4;
	[tilespmem:s29], [sflag:$0xF] =	stream.strided.gather [hbm4b:s0+s1], $0x1000, s2, s1, $0x38;
	[tilespmem:$0x1C280] =	vst v63  }
0x4f: {  	s0 =	sand.u32 $0xFFFFF80, s30  }
0x50: {  	s31 =	simm.s32 $0xF280;
	s4 =	spop (v2sf);
	s0 =	sadd.s32 s23, s0  }
0x51: {  	(v2sf) =	vpush v5, $0x5;
	[tilespmem:s31], [sflag:$0x10] =	stream.strided.gather [hbm4b:s0+s1], $0x1000, s2, s1, $0x38;
	[tilespmem:$0x1C280] =	vst v63  }
0x52: {  	s0 =	sand.u32 $0xFFFFF80, s4  }
0x53: {  	s5 =	simm.s32 $0x10280;
	s6 =	spop (v2sf);
	s0 =	sadd.s32 s23, s0  }
0x54: {  	(v2sf) =	vpush v5, $0x6;
	[tilespmem:s5], [sflag:$0x11] =	stream.strided.gather [hbm4b:s0+s1], $0x1000, s2, s1, $0x38;
	[tilespmem:$0x1C280] =	vst v63  }
0x55: {  	s0 =	sand.u32 $0xFFFFF80, s6  }
0x56: {  	s8 =	simm.s32 $0x11280;
	s9 =	spop (v2sf);
	s0 =	sadd.s32 s23, s0  }
0x57: {  	[tilespmem:s8], [sflag:$0x12] =	stream.strided.gather [hbm4b:s0+s1], $0x1000, s2, s1, $0x38;
	[tilespmem:$0x1C280] =	vst v63  }
0x58: {  	s0 =	sand.u32 $0xFFFFF80, s9  }
0x59: {  	s10 =	simm.s32 $0x12280;
	s0 =	sadd.s32 s23, s0  }
0x5a: {  	[tilespmem:s10], [sflag:$0x13] =	stream.strided.gather [hbm4b:s0+s1], $0x1000, s2, s1, $0x38;
	[tilespmem:$0x1C280] =	vst v63  }
0x5b: {  	s11 =	spop (v2sf)  }
0x5c: {  	s0 =	sand.u32 $0xFFFFF80, s11  }
0x5d: {  	s12 =	simm.s32 $0x13280;
	s13 =	spop (v2sf);
	s0 =	sadd.s32 s23, s0  }
0x5e: {  	[tilespmem:s12], [sflag:$0x14] =	stream.strided.gather [hbm4b:s0+s1], $0x1000, s2, s1, $0x38;
	[tilespmem:$0x1C280] =	vst v63  }
0x5f: {  	s0 =	sand.u32 $0xFFFFF80, s13  }
0x60: {  	s14 =	simm.s32 $0x14280;
	s15 =	spop (v2sf);
	s0 =	sadd.s32 s23, s0  }
0x61: {  	[tilespmem:s14], [sflag:$0x15] =	stream.strided.gather [hbm4b:s0+s1], $0x1000, s2, s1, $0x38;
	[tilespmem:$0x1C280] =	vst v63  }
0x62: {  	s0 =	sand.u32 $0xFFFFF80, s15  }
0x63: {  	s16 =	simm.s32 $0x15280;
	s17 =	spop (v2sf);
	s0 =	sadd.s32 s23, s0  }
0x64: {  	[tilespmem:s16], [sflag:$0x16] =	stream.strided.gather [hbm4b:s0+s1], $0x1000, s2, s1, $0x38;
	[tilespmem:$0x1C280] =	vst v63  }
0x65: {  	s0 =	sand.u32 $0xFFFFF80, s17  }
0x66: {  	s18 =	simm.s32 $0x16280;
	s25 =	simm.s32 $0x20;
	s0 =	sadd.s32 s23, s0  }
0x67: {  	[tilespmem:s18], [sflag:$0x17] =	stream.strided.gather [hbm4b:s0+s1], $0x1000, s2, s1, $0x38;
	[tilespmem:$0x1C280] =	vst v63  }
0x68: {  	v6 =	vld [tilespmem:s25+$0xFFFFFFF0]  }
0x69: {  	v4 =	vld [tilespmem:s25+$0xFFFFFFE0];
	_ =	sdelay $0x2  }
0x6a: {  	p1 =	por $0x0, $0x0  }
0x6b: {  	(v2sf) =	vpush @!p1 v6, $0x7  }
0x6c: {  	(v2sf) =	vpush v4, $0x0;
	_ =	sdelay $0x1  }
0x6d: {  	(v2sf) =	vpush v4, $0x1;
	_ =	sdelay $0x1  }
0x6e: {  	s19 =	smul.u32 $0xAAAB, s7;
	_ =	sdelay $0x1  }
0x6f: {  	s3 =	sshrl.u32 s19, $0x14;
	s0 =	simm.s32 @!p1 $0x17  }
0x70: {  	s3 =	smul.u32 $0x18, s3;
	s0 =	sand.u32 @!p1 $0xFFFF, s0  }
0x71: {  	s0 =	smul.u32 @!p1 $0xAAAB, s0;
	(v2sf) =	vpush @!p1 v6, $0x8  }
0x72: {  	s22 =	simm.s32 $0x1;
	(v2sf) =	vpush @!p1 v6, $0x9  }
0x73: {  	s24 =	smul.u32 $0xAAAB, s22;
	s3 =	ssub.s32 $0x0, s3;
	s0 =	sshrl.u32 @!p1 s0, $0x14;
	(v2sf) =	vpush v4, $0x2  }
0x74: {  	p0 =	por $0x0, $0x0;
	s3 =	sand.u32 $0xFFFF, s3;
	s0 =	smul.u32 @!p1 $0x18, s0;
	(v2sf) =	vpush @!p1 v6, $0xA  }
0x75: {  	s20 =	sadd.s32 $0x1, s3;
	s3 =	sshll.u32 s3, $0xC;
	s15 =	simm.s32 @!p1 $0x7A1400;
	(v2sf) =	vpush v4, $0x3  }
0x76: {  	s16 =	simm.s32 @!p1 $0x400;
	s1 =	simm.s32 @!p1 $0x18;
	s0 =	ssub.s32 @!p1 $0x17, s0;
	(v2sf) =	vpush @!p1 v6, $0xB  }
0x77: {  	s1 =	sand.u32 @!p1 $0xFFFF, s1;
	s0 =	sand.u32 @!p1 $0xFFFF, s0;
	s5 =	spop @!p1 (v2sf)  }
0x78: {  	s1 =	smul.u32 @!p1 $0xAAAB, s1;
	s4 =	sshll.u32 @!p1 s0, $0xC;
	s6 =	spop (v2sf)  }
0x79: {  	s0 =	sadd.s32 @!p1 $0x1, s0;
	s5 =	sand.u32 @!p1 $0xFFFFF80, s5;
	s6 =	sand.u32 $0x7F, s6  }
0x7a: {  	v9 =	vmov s7;
	s4 =	sor.u32 @!p1 $0x280, s4;
	s5 =	sadd.s32 @!p1 s23, s5;
	s21 =	spop (v2sf);
	v7 =	vor.u32 s6, v0  }
0x7b: {  	v5 =	vld [tilespmem:s25+$0x0];
	(v2sf) =	vpush v4, $0x4;
	[tilespmem:s4], [sflag:s0] =	stream.strided.gather @!p1 [hbm4b:s5+s16], $0x1000, s15, s16, $0x38;
	v8 =	vor.u32 s6, v1  }
0x7c: {  	v10 =	vshll.u32 v9, $0x3;
	s3 =	sor.u32 $0x280, s3;
	s28 =	simm.s32 $0x2;
	_ =	swait.ge [sflag:s20], $0x1000  }
0x7d: {  	v9 =	vand.u32 $0x70, v9;
	v10 =	vand.u32 $0xC00, v10;
	s2 =	simm.s32 @!p1 $0x19;
	s0 =	sshrl.u32 @!p1 s1, $0x14;
	[sflag:s20] =	ssyncset.done $0x0  }
0x7e: {  	v9 =	vor.u32 v9, v10;
	s1 =	sshrl.u32 s24, $0x14;
	s0 =	smul.u32 @!p1 $0x18, s0;
	(v2sf) =	vpush @!p1 v6, $0xC;
	[sflag:s20] =	ssyncadd.s32 $0xFFFFF000  }
0x7f: {  	v10 =	vor.u32 v2, v9;
	s10 =	simm.s32 $0x18280;
	s2 =	sand.u32 @!p1 $0xFFFF, s2;
	s1 =	smul.u32 $0x18, s1;
	(v2sf) =	vpush v4, $0x5;
	v7 =	vld.idx.msk [tilespmem:v7+s3+$0x0], $0xffff  }
0x80: {  	v9 =	vor.u32 v3, v9;
	s2 =	smul.u32 @!p1 $0xAAAB, s2;
	s12 =	sand.u32 $0x7F, s21;
	s6 =	spop @!p1 (v2sf);
	(v2sf) =	vpush @!p1 v6, $0xD;
	v8 =	vld.idx.msk [tilespmem:v8+s3+$0x0], $0xffff  }
0x81: {  	s0 =	ssub.s32 @!p1 $0x18, s0;
	s8 =	spop @!p1 (v2sf);
	s1 =	ssub.s32 $0x1, s1;
	(v2sf) =	vpush v4, $0x6  }
0x82: {  	s6 =	sand.u32 @!p1 $0xFFFFF80, s6;
	s0 =	sand.u32 @!p1 $0xFFFF, s0;
	s11 =	spop (v2sf)  }
0x83: {  	s1 =	sand.u32 $0xFFFF, s1;
	s6 =	sadd.s32 @!p1 s23, s6;
	s7 =	spop @!p1 (v2sf)  }
0x84: {  	s3 =	sshll.u32 @!p1 s0, $0xC;
	s0 =	sadd.s32 @!p1 $0x1, s0;
	s26 =	spop (v2sf);
	[tilespmem:v10+s10+$0x0] =	vst.idx.msk $0xffff, v7  }
0x85: {  	s13 =	sadd.s32 $0x1, s1;
	s9 =	sor.u32 @!p1 $0x280, s3;
	s4 =	spop @!p1 (v2sf);
	v7 =	vor.u32 s12, v0;
	[tilespmem:v9+s10+$0x0] =	vst.idx.msk $0xffff, v8  }
0x86: {  	v57 =	vor.u32 s12, v1;
	v8 =	vmov s22;
	[tilespmem:s9], [sflag:s0] =	stream.strided.gather @!p1 [hbm4b:s6+s16], $0x1000, s15, s16, $0x38;
	[tilespmem:$0x1C280] =	vst v63  }
0x87: {  	s29 =	smul.u32 $0xAAAB, s28;
	s2 =	sshrl.u32 @!p1 s2, $0x14;
	v58 =	vshll.u32 v8, $0x3;
	_ =	swait.ge [sflag:s13], $0x1000  }
0x88: {  	s2 =	smul.u32 @!p1 $0x18, s2;
	s1 =	sshll.u32 s1, $0xC;
	v8 =	vand.u32 $0x71, v8;
	v10 =	vand.u32 $0xC00, v58;
	[sflag:s13] =	ssyncset.done $0x0  }
0x89: {  	s1 =	sor.u32 $0x280, s1;
	s0 =	simm.s32 @!p1 $0x1A;
	v8 =	vor.u32 v8, v10;
	[sflag:s13] =	ssyncadd.s32 $0xFFFFF000  }
0x8a: {  	s30 =	sshrl.u32 s29, $0x14;
	s2 =	ssub.s32 @!p1 $0x19, s2;
	s0 =	sand.u32 @!p1 $0xFFFF, s0;
	(v2sf) =	vpush @!p1 v6, $0xE;
	v10 =	vor.u32 v2, v8;
	v7 =	vld.idx.msk [tilespmem:v7+s1+$0x0], $0xffff  }
0x8b: {  	s8 =	sand.u32 @!p1 $0xFFFFF80, s8;
	s11 =	sand.u32 $0x7F, s11;
	s12 =	smul.u32 @!p1 $0xAAAB, s0;
	(v2sf) =	vpush v4, $0x7;
	v8 =	vor.u32 v3, v8;
	v9 =	vld.idx.msk [tilespmem:v57+s1+$0x0], $0xffff  }
0x8c: {  	s0 =	sand.u32 @!p1 $0xFFFF, s2;
	s31 =	spop (v2sf);
	(v2sf) =	vpush @!p0 v5, $0x0;
	s1 =	smul.u32 $0x18, s30  }
0x8d: {  	s8 =	sadd.s32 @!p1 s23, s8;
	s2 =	sshll.u32 @!p1 s0, $0xC;
	s6 =	spop @!p1 (v2sf)  }
0x8e: {  	s13 =	sadd.s32 @!p1 $0x1, s0;
	s0 =	spop (v2sf);
	s1 =	ssub.s32 $0x2, s1  }
0x8f: {  	s14 =	sor.u32 @!p1 $0x280, s2;
	s2 =	spop @!p1 (v2sf);
	s17 =	sand.u32 $0xFFFF, s1;
	[tilespmem:v10+s10+$0x0] =	vst.idx.msk $0xffff, v7  }
0x90: {  	s9 =	sshrl.u32 @!p1 s12, $0x14;
	s1 =	spop (v2sf);
	s18 =	sadd.s32 $0x1, s17;
	v7 =	vor.u32 s11, v0;
	[tilespmem:v8+s10+$0x0] =	vst.idx.msk $0xffff, v9  }
0x91: {  	v59 =	vor.u32 s11, v1;
	v8 =	vmov s28;
	[tilespmem:s14], [sflag:s13] =	stream.strided.gather @!p1 [hbm4b:s8+s16], $0x1000, s15, s16, $0x38;
	[tilespmem:$0x1C280] =	vst v63  }
0x92: {  	s7 =	sand.u32 @!p1 $0xFFFFF80, s7;
	s9 =	smul.u32 @!p1 $0x18, s9;
	v60 =	vshll.u32 v8, $0x3;
	_ =	swait.ge [sflag:s18], $0x1000  }
0x93: {  	v8 =	vand.u32 $0x72, v8;
	s13 =	sshll.u32 s17, $0xC;
	s14 =	simm.s32 $0x3;
	v10 =	vand.u32 $0xC00, v60;
	[sflag:s18] =	ssyncset.done $0x0  }
0x94: {  	s11 =	sor.u32 $0x280, s13;
	s20 =	smul.u32 $0xAAAB, s14;
	v8 =	vor.u32 v8, v10;
	[sflag:s18] =	ssyncadd.s32 $0xFFFFF000  }
0x95: {  	s7 =	sadd.s32 @!p1 s23, s7;
	(v2sf) =	vpush @!p1 v6, $0xF;
	v6 =	vld.idx.msk [tilespmem:v7+s11+$0x0], $0xffff;
	v7 =	vor.u32 v2, v8  }
0x96: {  	s22 =	sand.u32 $0x7F, s26;
	s9 =	ssub.s32 @!p1 $0x1A, s9;
	(v2sf) =	vpush v4, $0x8;
	s21 =	sshrl.u32 s20, $0x14;
	v9 =	vld.idx.msk [tilespmem:v59+s11+$0x0], $0xffff;
	v8 =	vor.u32 v3, v8  }
0x97: {  	s26 =	simm.s32 $0x4;
	s12 =	sand.u32 @!p1 $0xFFFF, s9;
	(v2sf) =	vpush @!p0 v5, $0x1;
	s11 =	smul.u32 $0x18, s21  }
0x98: {  	s9 =	sshll.u32 @!p1 s12, $0xC;
	s28 =	smul.u32 $0xAAAB, s26;
	s8 =	simm.s32 @!p1 $0x1B  }
0x99: {  	s17 =	sor.u32 @!p1 $0x280, s9;
	s3 =	spop @!p1 (v2sf);
	s11 =	ssub.s32 $0x3, s11  }
0x9a: {  	s8 =	sand.u32 @!p1 $0xFFFF, s8;
	s9 =	spop (v2sf);
	s11 =	sand.u32 $0xFFFF, s11;
	[tilespmem:v7+s10+$0x0] =	vst.idx.msk $0xffff, v6  }
0x9b: {  	s18 =	sadd.s32 @!p1 $0x1, s12;
	s12 =	spop @!p0 (v2sf);
	s19 =	sadd.s32 $0x1, s11;
	v6 =	vor.u32 s22, v0;
	[tilespmem:v8+s10+$0x0] =	vst.idx.msk $0xffff, v9  }
0x9c: {  	(v2sf) =	vpush v4, $0x9;
	v7 =	vmov s14;
	v8 =	vor.u32 s22, v1;
	[tilespmem:s17], [sflag:s18] =	stream.strided.gather @!p1 [hbm4b:s7+s16], $0x1000, s15, s16, $0x38;
	[tilespmem:$0x1C280] =	vst v63  }
0x9d: {  	s8 =	smul.u32 @!p1 $0xAAAB, s8;
	v61 =	vshll.u32 v7, $0x3;
	_ =	swait.ge [sflag:s19], $0x1000  }
0x9e: {  	s29 =	sshrl.u32 s28, $0x14;
	s24 =	sshll.u32 s11, $0xC;
	v7 =	vand.u32 $0x73, v7;
	v9 =	vand.u32 $0xC00, v61;
	[sflag:s19] =	ssyncset.done $0x0  }
0x9f: {  	s7 =	sshrl.u32 @!p1 s8, $0x14;
	s8 =	sor.u32 $0x280, s24;
	v7 =	vor.u32 v7, v9;
	[sflag:s19] =	ssyncadd.s32 $0xFFFFF000  }
0xa0: {  	s30 =	smul.u32 $0x18, s29;
	v9 =	vor.u32 v2, v7;
	v6 =	vld.idx.msk [tilespmem:v6+s8+$0x0], $0xffff  }
0xa1: {  	s4 =	sand.u32 @!p1 $0xFFFFF80, s4;
	s14 =	simm.s32 @!p1 $0x1C;
	s7 =	smul.u32 @!p1 $0x18, s7;
	(v2sf) =	vpush @!p0 v5, $0x2;
	v7 =	vor.u32 v3, v7;
	v8 =	vld.idx.msk [tilespmem:v8+s8+$0x0], $0xffff  }
0xa2: {  	s31 =	sand.u32 $0x7F, s31;
	s13 =	sadd.s32 @!p1 s23, s4;
	s14 =	sand.u32 @!p1 $0xFFFF, s14;
	(v2sf) =	vpush v4, $0xA  }
0xa3: {  	s14 =	smul.u32 @!p1 $0xAAAB, s14;
	s4 =	ssub.s32 @!p1 $0x1B, s7;
	s7 =	ssub.s32 $0x4, s30  }
0xa4: {  	s5 =	sand.u32 @!p1 $0xFFFF, s4;
	s7 =	sand.u32 $0xFFFF, s7;
	s4 =	spop @!p1 (v2sf);
	(v2sf) =	vpush @!p0 v5, $0x3  }
0xa5: {  	s17 =	sshll.u32 @!p1 s5, $0xC;
	s18 =	sadd.s32 @!p1 $0x1, s5;
	s5 =	spop (v2sf);
	[tilespmem:v9+s10+$0x0] =	vst.idx.msk $0xffff, v6  }
0xa6: {  	s20 =	sadd.s32 $0x1, s7;
	s17 =	sor.u32 @!p1 $0x280, s17;
	s19 =	spop @!p0 (v2sf);
	v6 =	vor.u32 s31, v0;
	[tilespmem:v7+s10+$0x0] =	vst.idx.msk $0xffff, v8  }
0xa7: {  	v7 =	vmov s26;
	v8 =	vor.u32 s31, v1;
	[tilespmem:s17], [sflag:s18] =	stream.strided.gather @!p1 [hbm4b:s13+s16], $0x1000, s15, s16, $0x38;
	[tilespmem:$0x1C280] =	vst v63  }
0xa8: {  	s8 =	sshrl.u32 @!p1 s14, $0x14;
	v62 =	vshll.u32 v7, $0x3;
	_ =	swait.ge [sflag:s20], $0x1000  }
0xa9: {  	s14 =	simm.s32 $0x5;
	s7 =	sshll.u32 s7, $0xC;
	v7 =	vand.u32 $0x74, v7;
	v9 =	vand.u32 $0xC00, v62;
	[sflag:s20] =	ssyncset.done $0x0  }
0xaa: {  	s8 =	smul.u32 @!p1 $0x18, s8;
	s7 =	sor.u32 $0x280, s7;
	v7 =	vor.u32 v7, v9;
	[sflag:s20] =	ssyncadd.s32 $0xFFFFF000  }
0xab: {  	v9 =	vor.u32 v2, v7;
	s20 =	smul.u32 $0xAAAB, s14;
	v6 =	vld.idx.msk [tilespmem:v6+s7+$0x0], $0xffff  }
0xac: {  	s6 =	sand.u32 @!p1 $0xFFFFF80, s6;
	v7 =	vor.u32 v3, v7;
	v8 =	vld.idx.msk [tilespmem:v8+s7+$0x0], $0xffff  }
0xad: {  	s6 =	sadd.s32 @!p1 s23, s6;
	(v2sf) =	vpush v4, $0xB;
	s7 =	ssub.s32 @!p1 $0x1C, s8;
	s21 =	sshrl.u32 s20, $0x14  }
0xae: {  	s8 =	spop (v2sf);
	(v2sf) =	vpush @!p0 v5, $0x4;
	s7 =	sand.u32 @!p1 $0xFFFF, s7;
	s13 =	smul.u32 $0x18, s21  }
0xaf: {  	s22 =	sand.u32 $0x7F, s0;
	s26 =	simm.s32 $0x6;
	s0 =	sshll.u32 @!p1 s7, $0xC  }
0xb0: {  	s17 =	sadd.s32 @!p1 $0x1, s7;
	s18 =	spop @!p0 (v2sf);
	s13 =	ssub.s32 $0x5, s13;
	[tilespmem:v9+s10+$0x0] =	vst.idx.msk $0xffff, v6  }
0xb1: {  	s0 =	sor.u32 @!p1 $0x280, s0;
	s7 =	spop (v2sf);
	s13 =	sand.u32 $0xFFFF, s13;
	[tilespmem:v7+s10+$0x0] =	vst.idx.msk $0xffff, v8  }
0xb2: {  	v6 =	vor.u32 s22, v0;
	[tilespmem:s0], [sflag:s17] =	stream.strided.gather @!p1 [hbm4b:s6+s16], $0x1000, s15, s16, $0x38;
	[tilespmem:$0x1C280] =	vst v63  }
0xb3: {  	v7 =	vmov s14;
	s24 =	sadd.s32 $0x1, s13;
	v8 =	vor.u32 s22, v1;
	s6 =	simm.s32 @!p1 $0x1D;
	s0 =	spop @!p0 (v2sf);
	(v2sf) =	vpush v4, $0xC  }
0xb4: {  	s28 =	smul.u32 $0xAAAB, s26;
	v63 =	vshll.u32 v7, $0x3;
	s6 =	sand.u32 @!p1 $0xFFFF, s6;
	_ =	swait.ge [sflag:s24], $0x1000  }
0xb5: {  	s13 =	sshll.u32 s13, $0xC;
	v7 =	vand.u32 $0x75, v7;
	v9 =	vand.u32 $0xC00, v63;
	s6 =	smul.u32 @!p1 $0xAAAB, s6;
	[sflag:s24] =	ssyncset.done $0x0  }
0xb6: {  	s14 =	sshrl.u32 s28, $0x14;
	s13 =	sor.u32 $0x280, s13;
	v7 =	vor.u32 v7, v9;
	[sflag:s24] =	ssyncadd.s32 $0xFFFFF000  }
0xb7: {  	s14 =	smul.u32 $0x18, s14;
	v9 =	vor.u32 v2, v7;
	s6 =	sshrl.u32 @!p1 s6, $0x14;
	v6 =	vld.idx.msk [tilespmem:v6+s13+$0x0], $0xffff  }
0xb8: {  	s2 =	sand.u32 @!p1 $0xFFFFF80, s2;
	v7 =	vor.u32 v3, v7;
	v8 =	vld.idx.msk [tilespmem:v8+s13+$0x0], $0xffff;
	s6 =	smul.u32 @!p1 $0x18, s6  }
0xb9: {  	s2 =	sadd.s32 @!p1 s23, s2;
	(v2sf) =	vpush @!p0 v5, $0x5  }
0xba: {  	s1 =	sand.u32 $0x7F, s1;
	s14 =	ssub.s32 $0x6, s14;
	s6 =	ssub.s32 @!p1 $0x1D, s6  }
0xbb: {  	(v2sf) =	vpush v4, $0xD;
	s14 =	sand.u32 $0xFFFF, s14;
	s13 =	simm.s32 @!p1 $0x1E;
	s6 =	sand.u32 @!p1 $0xFFFF, s6  }
0xbc: {  	s17 =	sshll.u32 @!p1 s6, $0xC;
	s20 =	sadd.s32 @!p1 $0x1, s6;
	[tilespmem:v9+s10+$0x0] =	vst.idx.msk $0xffff, v6;
	s6 =	spop (v2sf);
	(v2sf) =	vpush @!p0 v5, $0x6  }
0xbd: {  	s29 =	sadd.s32 $0x1, s14;
	v5 =	vor.u32 s1, v0;
	s17 =	sor.u32 @!p1 $0x280, s17;
	[tilespmem:v7+s10+$0x0] =	vst.idx.msk $0xffff, v8;
	s11 =	spop @!p0 (v2sf)  }
0xbe: {  	v6 =	vmov s26;
	v7 =	vor.u32 s1, v1;
	[tilespmem:s17], [sflag:s20] =	stream.strided.gather @!p1 [hbm4b:s2+s16], $0x1000, s15, s16, $0x38;
	[tilespmem:$0x1C280] =	vst v63  }
0xbf: {  	v8 =	vshll.u32 v6, $0x3;
	s2 =	sand.u32 @!p1 $0xFFFF, s13;
	_ =	swait.ge [sflag:s29], $0x1000  }
0xc0: {  	s30 =	sshll.u32 s14, $0xC;
	v6 =	vand.u32 $0x76, v6;
	v8 =	vand.u32 $0xC00, v8;
	s1 =	smul.u32 @!p1 $0xAAAB, s2;
	[sflag:s29] =	ssyncset.done $0x0  }
0xc1: {  	s31 =	simm.s32 $0x7;
	v6 =	vor.u32 v6, v8;
	s2 =	sor.u32 $0x280, s30;
	[sflag:s29] =	ssyncadd.s32 $0xFFFFF000  }
0xc2: {  	s17 =	smul.u32 $0xAAAB, s31;
	v8 =	vor.u32 v2, v6;
	s1 =	sshrl.u32 @!p1 s1, $0x14;
	v5 =	vld.idx.msk [tilespmem:v5+s2+$0x0], $0xffff  }
0xc3: {  	v6 =	vor.u32 v3, v6;
	s1 =	smul.u32 @!p1 $0x18, s1;
	v7 =	vld.idx.msk [tilespmem:v7+s2+$0x0], $0xffff  }
0xc4: {  	s20 =	sshrl.u32 s17, $0x14  }
0xc5: {  	s9 =	sand.u32 $0x7F, s9;
	s21 =	smul.u32 $0x18, s20;
	s1 =	ssub.s32 @!p1 $0x1E, s1  }
0xc6: {  	s2 =	sand.u32 @!p1 $0xFFFFF80, s3;
	s3 =	spop (v2sf);
	s1 =	sand.u32 @!p1 $0xFFFF, s1  }
0xc7: {  	s14 =	sadd.s32 @!p1 s23, s2;
	s17 =	ssub.s32 $0x7, s21;
	s2 =	sshll.u32 @!p1 s1, $0xC;
	[tilespmem:v8+s10+$0x0] =	vst.idx.msk $0xffff, v5  }
0xc8: {  	(v2sf) =	vpush v4, $0xE;
	s1 =	sadd.s32 @!p1 $0x1, s1;
	s20 =	sor.u32 @!p1 $0x280, s2;
	s2 =	spop @!p0 (v2sf);
	[tilespmem:v6+s10+$0x0] =	vst.idx.msk $0xffff, v7  }
0xc9: {  	(v2sf) =	vpush v4, $0xF;
	[tilespmem:s20], [sflag:s1] =	stream.strided.gather @!p1 [hbm4b:s14+s16], $0x1000, s15, s16, $0x38;
	[tilespmem:$0x1C280] =	vst v63  }
0xca: {  	v4 =	vor.u32 s9, v0;
	s22 =	sand.u32 $0xFFFF, s17;
	s1 =	spop (v2sf)  }
0xcb: {  	s24 =	sadd.s32 $0x1, s22;
	v5 =	vmov s31;
	v6 =	vor.u32 s9, v1;
	s14 =	simm.s32 @!p1 $0x1F;
	s17 =	spop @!p0 (v2sf)  }
0xcc: {  	v7 =	vshll.u32 v5, $0x3;
	s14 =	sand.u32 @!p1 $0xFFFF, s14;
	_ =	swait.ge [sflag:s24], $0x1000  }
0xcd: {  	s26 =	sshll.u32 s22, $0xC;
	v5 =	vand.u32 $0x77, v5;
	v7 =	vand.u32 $0xC00, v7;
	s9 =	smul.u32 @!p1 $0xAAAB, s14;
	[sflag:s24] =	ssyncset.done $0x0  }
0xce: {  	s28 =	simm.s32 $0x8;
	v5 =	vor.u32 v5, v7;
	s14 =	sor.u32 $0x280, s26;
	[sflag:s24] =	ssyncadd.s32 $0xFFFFF000  }
0xcf: {  	s29 =	smul.u32 $0xAAAB, s28;
	v7 =	vor.u32 v2, v5;
	s9 =	sshrl.u32 @!p1 s9, $0x14;
	v4 =	vld.idx.msk [tilespmem:v4+s14+$0x0], $0xffff  }
0xd0: {  	v5 =	vor.u32 v3, v5;
	s9 =	smul.u32 @!p1 $0x18, s9;
	v6 =	vld.idx.msk [tilespmem:v6+s14+$0x0], $0xffff;
	_ =	sdelay $0x1  }
0xd1: {  	s30 =	sshrl.u32 s29, $0x14;
	s9 =	ssub.s32 @!p1 $0x1F, s9  }
0xd2: {  	s4 =	sand.u32 @!p1 $0xFFFFF80, s4;
	s14 =	smul.u32 $0x18, s30;
	s9 =	sand.u32 @!p1 $0xFFFF, s9  }
0xd3: {  	s4 =	sadd.s32 @!p1 s23, s4;
	s31 =	sand.u32 $0x7F, s5;
	s5 =	sshll.u32 @!p1 s9, $0xC;
	[tilespmem:v7+s10+$0x0] =	vst.idx.msk $0xffff, v4  }
0xd4: {  	s14 =	ssub.s32 $0x8, s14;
	s9 =	sadd.s32 @!p1 $0x1, s9;
	s5 =	sor.u32 @!p1 $0x280, s5;
	[tilespmem:v5+s10+$0x0] =	vst.idx.msk $0xffff, v6  }
0xd5: {  	[tilespmem:s5], [sflag:s9] =	stream.strided.gather @!p1 [hbm4b:s4+s16], $0x1000, s15, s16, $0x38;
	[tilespmem:$0x1C280] =	vst v63  }
0xd6: {  	s21 =	sand.u32 $0xFFFF, s14;
	v4 =	vor.u32 s31, v0;
	s4 =	simm.s32 @!p0 $0x20;
	s5 =	spop (v2sf)  }
0xd7: {  	s22 =	sadd.s32 $0x1, s21;
	v5 =	vmov s28;
	v6 =	vor.u32 s31, v1;
	s14 =	sand.u32 @!p0 $0xFFFF, s4;
	s4 =	spop (v2sf)  }
0xd8: {  	v7 =	vshll.u32 v5, $0x3;
	_ =	swait.ge [sflag:s22], $0x1000  }
0xd9: {  	v5 =	vand.u32 $0x78, v5;
	s9 =	sshll.u32 s21, $0xC;
	v7 =	vand.u32 $0xC00, v7;
	s14 =	smul.u32 @!p0 $0xAAAB, s14;
	[sflag:s22] =	ssyncset.done $0x0  }
0xda: {  	s24 =	simm.s32 $0x9;
	s9 =	sor.u32 $0x280, s9;
	v5 =	vor.u32 v5, v7;
	[sflag:s22] =	ssyncadd.s32 $0xFFFFF000  }
0xdb: {  	s26 =	smul.u32 $0xAAAB, s24;
	v7 =	vor.u32 v2, v5;
	s14 =	sshrl.u32 @!p0 s14, $0x14;
	v4 =	vld.idx.msk [tilespmem:v4+s9+$0x0], $0xffff  }
0xdc: {  	v5 =	vor.u32 v3, v5;
	s13 =	smul.u32 @!p0 $0x18, s14;
	v6 =	vld.idx.msk [tilespmem:v6+s9+$0x0], $0xffff  }
0xdd: {  	s12 =	sand.u32 @!p0 $0xFFFFF80, s12  }
0xde: {  	s8 =	sand.u32 $0x7F, s8;
	s9 =	ssub.s32 @!p0 $0x20, s13;
	s13 =	sshrl.u32 s26, $0x14  }
0xdf: {  	s20 =	sadd.s32 @!p0 s23, s12;
	s9 =	sand.u32 @!p0 $0xFFFF, s9;
	s13 =	smul.u32 $0x18, s13  }
0xe0: {  	s12 =	simm.s32 @!p0 $0x400;
	s15 =	sshll.u32 @!p0 s9, $0xC;
	s9 =	sadd.s32 @!p0 $0x1, s9;
	[tilespmem:v7+s10+$0x0] =	vst.idx.msk $0xffff, v4  }
0xe1: {  	s16 =	sor.u32 @!p0 $0x280, s15;
	s15 =	simm.s32 @!p0 $0x7A1400;
	s28 =	ssub.s32 $0x9, s13;
	[tilespmem:v5+s10+$0x0] =	vst.idx.msk $0xffff, v6  }
0xe2: {  	[tilespmem:s16], [sflag:s9] =	stream.strided.gather @!p0 [hbm4b:s20+s12], $0x1000, s15, s12, $0x38;
	[tilespmem:$0x1C280] =	vst v63  }
0xe3: {  	v4 =	vor.u32 s8, v0;
	s9 =	sand.u32 $0xFFFF, s28  }
0xe4: {  	s13 =	simm.s32 @!p0 $0x21;
	v5 =	vmov s24;
	v6 =	vor.u32 s8, v1;
	s29 =	sadd.s32 $0x1, s9  }
0xe5: {  	s8 =	sand.u32 @!p0 $0xFFFF, s13;
	v7 =	vshll.u32 v5, $0x3;
	_ =	swait.ge [sflag:s29], $0x1000  }
0xe6: {  	s8 =	smul.u32 @!p0 $0xAAAB, s8;
	v5 =	vand.u32 $0x79, v5;
	v7 =	vand.u32 $0xC00, v7;
	s9 =	sshll.u32 s9, $0xC;
	[sflag:s29] =	ssyncset.done $0x0  }
0xe7: {  	s30 =	simm.s32 $0xA;
	v5 =	vor.u32 v5, v7;
	s9 =	sor.u32 $0x280, s9;
	[sflag:s29] =	ssyncadd.s32 $0xFFFFF000  }
0xe8: {  	s31 =	smul.u32 $0xAAAB, s30;
	s8 =	sshrl.u32 @!p0 s8, $0x14;
	v7 =	vor.u32 v2, v5;
	v4 =	vld.idx.msk [tilespmem:v4+s9+$0x0], $0xffff  }
0xe9: {  	s8 =	smul.u32 @!p0 $0x18, s8;
	v5 =	vor.u32 v3, v5;
	v6 =	vld.idx.msk [tilespmem:v6+s9+$0x0], $0xffff;
	_ =	sdelay $0x1  }
0xea: {  	s13 =	sshrl.u32 s31, $0x14;
	s8 =	ssub.s32 @!p0 $0x21, s8  }
0xeb: {  	s14 =	sand.u32 @!p0 $0xFFFFF80, s19;
	s13 =	smul.u32 $0x18, s13;
	s8 =	sand.u32 @!p0 $0xFFFF, s8  }
0xec: {  	s7 =	sand.u32 $0x7F, s7;
	s14 =	sadd.s32 @!p0 s23, s14;
	s16 =	sshll.u32 @!p0 s8, $0xC;
	[tilespmem:v7+s10+$0x0] =	vst.idx.msk $0xffff, v4  }
0xed: {  	s20 =	ssub.s32 $0xA, s13;
	s8 =	sadd.s32 @!p0 $0x1, s8;
	s16 =	sor.u32 @!p0 $0x280, s16;
	[tilespmem:v5+s10+$0x0] =	vst.idx.msk $0xffff, v6  }
0xee: {  	[tilespmem:s16], [sflag:s8] =	stream.strided.gather @!p0 [hbm4b:s14+s12], $0x1000, s15, s12, $0x38;
	[tilespmem:$0x1C280] =	vst v63  }
0xef: {  	v4 =	vor.u32 s7, v0;
	s8 =	sand.u32 $0xFFFF, s20  }
0xf0: {  	s13 =	simm.s32 @!p0 $0x22;
	v5 =	vmov s30;
	v6 =	vor.u32 s7, v1;
	s21 =	sadd.s32 $0x1, s8  }
0xf1: {  	s7 =	sand.u32 @!p0 $0xFFFF, s13;
	v7 =	vshll.u32 v5, $0x3;
	_ =	swait.ge [sflag:s21], $0x1000  }
0xf2: {  	s7 =	smul.u32 @!p0 $0xAAAB, s7;
	v5 =	vand.u32 $0x7A, v5;
	v7 =	vand.u32 $0xC00, v7;
	s8 =	sshll.u32 s8, $0xC;
	[sflag:s21] =	ssyncset.done $0x0  }
0xf3: {  	s22 =	simm.s32 $0xB;
	v5 =	vor.u32 v5, v7;
	s8 =	sor.u32 $0x280, s8;
	[sflag:s21] =	ssyncadd.s32 $0xFFFFF000  }
0xf4: {  	s24 =	smul.u32 $0xAAAB, s22;
	s7 =	sshrl.u32 @!p0 s7, $0x14;
	v7 =	vor.u32 v2, v5;
	v4 =	vld.idx.msk [tilespmem:v4+s8+$0x0], $0xffff  }
0xf5: {  	s7 =	smul.u32 @!p0 $0x18, s7;
	v5 =	vor.u32 v3, v5;
	v6 =	vld.idx.msk [tilespmem:v6+s8+$0x0], $0xffff  }
0xf6: {  	s9 =	sshrl.u32 s24, $0x14  }
0xf7: {  	s9 =	smul.u32 $0x18, s9;
	s7 =	ssub.s32 @!p0 $0x22, s7  }
0xf8: {  	s6 =	sand.u32 $0x7F, s6;
	s7 =	sand.u32 @!p0 $0xFFFF, s7  }
0xf9: {  	s26 =	ssub.s32 $0xB, s9;
	s13 =	sand.u32 @!p0 $0xFFFFF80, s18;
	s14 =	sshll.u32 @!p0 s7, $0xC;
	[tilespmem:v7+s10+$0x0] =	vst.idx.msk $0xffff, v4  }
0xfa: {  	s13 =	sadd.s32 @!p0 s23, s13;
	s7 =	sadd.s32 @!p0 $0x1, s7;
	s14 =	sor.u32 @!p0 $0x280, s14;
	[tilespmem:v5+s10+$0x0] =	vst.idx.msk $0xffff, v6  }
0xfb: {  	[tilespmem:s14], [sflag:s7] =	stream.strided.gather @!p0 [hbm4b:s13+s12], $0x1000, s15, s12, $0x38;
	[tilespmem:$0x1C280] =	vst v63  }
0xfc: {  	v4 =	vor.u32 s6, v0;
	s7 =	sand.u32 $0xFFFF, s26  }
0xfd: {  	s9 =	simm.s32 @!p0 $0x23;
	v5 =	vmov s22;
	v6 =	vor.u32 s6, v1;
	s28 =	sadd.s32 $0x1, s7  }
0xfe: {  	s6 =	sand.u32 @!p0 $0xFFFF, s9;
	v7 =	vshll.u32 v5, $0x3;
	_ =	swait.ge [sflag:s28], $0x1000  }
0xff: {  	s6 =	smul.u32 @!p0 $0xAAAB, s6;
	v5 =	vand.u32 $0x7B, v5;
	v7 =	vand.u32 $0xC00, v7;
	s7 =	sshll.u32 s7, $0xC;
	[sflag:s28] =	ssyncset.done $0x0  }
0x100: {  	v5 =	vor.u32 v5, v7;
	s7 =	sor.u32 $0x280, s7;
	[sflag:s28] =	ssyncadd.s32 $0xFFFFF000  }
0x101: {  	s6 =	sshrl.u32 @!p0 s6, $0x14;
	v7 =	vor.u32 v2, v5;
	v4 =	vld.idx.msk [tilespmem:v4+s7+$0x0], $0xffff  }
0x102: {  	s6 =	smul.u32 @!p0 $0x18, s6;
	v5 =	vor.u32 v3, v5;
	v6 =	vld.idx.msk [tilespmem:v6+s7+$0x0], $0xffff  }
0x103: {  	s29 =	simm.s32 $0xC  }
0x104: {  	s30 =	smul.u32 $0xAAAB, s29;
	s6 =	ssub.s32 @!p0 $0x23, s6  }
0x105: {  	s0 =	sand.u32 @!p0 $0xFFFFF80, s0;
	s6 =	sand.u32 @!p0 $0xFFFF, s6  }
0x106: {  	s0 =	sadd.s32 @!p0 s23, s0;
	s8 =	sshrl.u32 s30, $0x14;
	s9 =	sshll.u32 @!p0 s6, $0xC;
	[tilespmem:v7+s10+$0x0] =	vst.idx.msk $0xffff, v4  }
0x107: {  	s8 =	smul.u32 $0x18, s8;
	s6 =	sadd.s32 @!p0 $0x1, s6;
	s9 =	sor.u32 @!p0 $0x280, s9;
	[tilespmem:v5+s10+$0x0] =	vst.idx.msk $0xffff, v6  }
0x108: {  	[tilespmem:s9], [sflag:s6] =	stream.strided.gather @!p0 [hbm4b:s0+s12], $0x1000, s15, s12, $0x38;
	[tilespmem:$0x1C280] =	vst v63  }
0x109: {  	s31 =	sand.u32 $0x7F, s3;
	s6 =	ssub.s32 $0xC, s8  }
0x10a: {  	v4 =	vor.u32 s31, v0;
	s3 =	sand.u32 $0xFFFF, s6  }
0x10b: {  	v5 =	vmov s29;
	v6 =	vor.u32 s31, v1;
	s6 =	simm.s32 @!p0 $0x24;
	s8 =	sadd.s32 $0x1, s3  }
0x10c: {  	v7 =	vshll.u32 v5, $0x3;
	s9 =	simm.s32 $0xD;
	s0 =	sand.u32 @!p0 $0xFFFF, s6;
	_ =	swait.ge [sflag:s8], $0x1000  }
0x10d: {  	v5 =	vand.u32 $0x7C, v5;
	v7 =	vand.u32 $0xC00, v7;
	s3 =	sshll.u32 s3, $0xC;
	s0 =	smul.u32 @!p0 $0xAAAB, s0;
	[sflag:s8] =	ssyncset.done $0x0  }
0x10e: {  	s13 =	smul.u32 $0xAAAB, s9;
	v5 =	vor.u32 v5, v7;
	s3 =	sor.u32 $0x280, s3;
	[sflag:s8] =	ssyncadd.s32 $0xFFFFF000  }
0x10f: {  	v7 =	vor.u32 v2, v5;
	s0 =	sshrl.u32 @!p0 s0, $0x14;
	v4 =	vld.idx.msk [tilespmem:v4+s3+$0x0], $0xffff  }
0x110: {  	v5 =	vor.u32 v3, v5;
	s6 =	sshrl.u32 s13, $0x14;
	s0 =	smul.u32 @!p0 $0x18, s0;
	v6 =	vld.idx.msk [tilespmem:v6+s3+$0x0], $0xffff  }
0x111: {  	s6 =	smul.u32 $0x18, s6  }
0x112: {  	s14 =	sand.u32 $0x7F, s1;
	s7 =	sand.u32 @!p0 $0xFFFFF80, s11;
	s0 =	ssub.s32 @!p0 $0x24, s0  }
0x113: {  	s7 =	sadd.s32 @!p0 s23, s7;
	s16 =	ssub.s32 $0xD, s6;
	s0 =	sand.u32 @!p0 $0xFFFF, s0  }
0x114: {  	s6 =	simm.s32 @!p0 $0x25;
	s1 =	sand.u32 $0xFFFF, s16;
	s8 =	sshll.u32 @!p0 s0, $0xC;
	[tilespmem:v7+s10+$0x0] =	vst.idx.msk $0xffff, v4  }
0x115: {  	s18 =	sadd.s32 $0x1, s1;
	s0 =	sadd.s32 @!p0 $0x1, s0;
	s8 =	sor.u32 @!p0 $0x280, s8;
	v4 =	vor.u32 s14, v0;
	[tilespmem:v5+s10+$0x0] =	vst.idx.msk $0xffff, v6  }
0x116: {  	v5 =	vmov s9;
	v6 =	vor.u32 s14, v1;
	[tilespmem:s8], [sflag:s0] =	stream.strided.gather @!p0 [hbm4b:s7+s12], $0x1000, s15, s12, $0x38;
	[tilespmem:$0x1C280] =	vst v63  }
0x117: {  	s0 =	sand.u32 @!p0 $0xFFFF, s6;
	v7 =	vshll.u32 v5, $0x3;
	_ =	swait.ge [sflag:s18], $0x1000  }
0x118: {  	s1 =	sshll.u32 s1, $0xC;
	v5 =	vand.u32 $0x7D, v5;
	s0 =	smul.u32 @!p0 $0xAAAB, s0;
	v7 =	vand.u32 $0xC00, v7;
	[sflag:s18] =	ssyncset.done $0x0  }
0x119: {  	s19 =	simm.s32 $0xE;
	s1 =	sor.u32 $0x280, s1;
	v5 =	vor.u32 v5, v7;
	[sflag:s18] =	ssyncadd.s32 $0xFFFFF000  }
0x11a: {  	s20 =	smul.u32 $0xAAAB, s19;
	s0 =	sshrl.u32 @!p0 s0, $0x14;
	v7 =	vor.u32 v2, v5;
	v4 =	vld.idx.msk [tilespmem:v4+s1+$0x0], $0xffff  }
0x11b: {  	v5 =	vor.u32 v3, v5;
	s0 =	smul.u32 @!p0 $0x18, s0;
	v6 =	vld.idx.msk [tilespmem:v6+s1+$0x0], $0xffff;
	_ =	sdelay $0x1  }
0x11c: {  	s3 =	sshrl.u32 s20, $0x14;
	s0 =	ssub.s32 @!p0 $0x25, s0  }
0x11d: {  	s2 =	sand.u32 @!p0 $0xFFFFF80, s2;
	s3 =	smul.u32 $0x18, s3;
	s0 =	sand.u32 @!p0 $0xFFFF, s0  }
0x11e: {  	s2 =	sadd.s32 @!p0 s23, s2;
	s21 =	sand.u32 $0x7F, s5;
	s6 =	sshll.u32 @!p0 s0, $0xC;
	[tilespmem:v7+s10+$0x0] =	vst.idx.msk $0xffff, v4  }
0x11f: {  	s22 =	ssub.s32 $0xE, s3;
	s0 =	sadd.s32 @!p0 $0x1, s0;
	s6 =	sor.u32 @!p0 $0x280, s6;
	[tilespmem:v5+s10+$0x0] =	vst.idx.msk $0xffff, v6  }
0x120: {  	[tilespmem:s6], [sflag:s0] =	stream.strided.gather @!p0 [hbm4b:s2+s12], $0x1000, s15, s12, $0x38;
	[tilespmem:$0x1C280] =	vst v63  }
0x121: {  	v4 =	vor.u32 s21, v0;
	s2 =	sand.u32 $0xFFFF, s22  }
0x122: {  	s3 =	simm.s32 @!p0 $0x26;
	v5 =	vmov s19;
	v6 =	vor.u32 s21, v1;
	s24 =	sadd.s32 $0x1, s2  }
0x123: {  	s26 =	simm.s32 $0xF;
	s0 =	sand.u32 @!p0 $0xFFFF, s3;
	v7 =	vshll.u32 v5, $0x3;
	_ =	swait.ge [sflag:s24], $0x1000  }
0x124: {  	v5 =	vand.u32 $0x7E, v5;
	s0 =	smul.u32 @!p0 $0xAAAB, s0;
	s2 =	sshll.u32 s2, $0xC;
	v7 =	vand.u32 $0xC00, v7;
	[sflag:s24] =	ssyncset.done $0x0  }
0x125: {  	s28 =	smul.u32 $0xAAAB, s26;
	s2 =	sor.u32 $0x280, s2;
	v5 =	vor.u32 v5, v7;
	[sflag:s24] =	ssyncadd.s32 $0xFFFFF000  }
0x126: {  	s0 =	sshrl.u32 @!p0 s0, $0x14;
	v7 =	vor.u32 v2, v5;
	v4 =	vld.idx.msk [tilespmem:v4+s2+$0x0], $0xffff  }
0x127: {  	v5 =	vor.u32 v3, v5;
	s0 =	smul.u32 @!p0 $0x18, s0;
	v6 =	vld.idx.msk [tilespmem:v6+s2+$0x0], $0xffff;
	s2 =	sshrl.u32 s28, $0x14  }
0x128: {  	s2 =	smul.u32 $0x18, s2  }
0x129: {  	s29 =	sand.u32 $0x7F, s4;
	s0 =	ssub.s32 @!p0 $0x26, s0  }
0x12a: {  	s3 =	sand.u32 @!p0 $0xFFFFF80, s17;
	s0 =	sand.u32 @!p0 $0xFFFF, s0;
	s2 =	ssub.s32 $0xF, s2  }
0x12b: {  	s3 =	sadd.s32 @!p0 s23, s3;
	s5 =	sshll.u32 @!p0 s0, $0xC;
	s2 =	sand.u32 $0xFFFF, s2;
	[tilespmem:v7+s10+$0x0] =	vst.idx.msk $0xffff, v4  }
0x12c: {  	s0 =	sadd.s32 @!p0 $0x1, s0;
	s5 =	sor.u32 @!p0 $0x280, s5;
	v4 =	vor.u32 s29, v0;
	s30 =	sadd.s32 $0x1, s2;
	[tilespmem:v5+s10+$0x0] =	vst.idx.msk $0xffff, v6  }
0x12d: {  	v6 =	vor.u32 s29, v1;
	[tilespmem:s5], [sflag:s0] =	stream.strided.gather @!p0 [hbm4b:s3+s12], $0x1000, s15, s12, $0x38;
	[tilespmem:$0x1C280] =	vst v63  }
0x12e: {  	v5 =	vmov s26;
	_ =	swait.ge [sflag:s30], $0x1000  }
0x12f: {  	s31 =	sshll.u32 s2, $0xC;
	v7 =	vshll.u32 v5, $0x3;
	[sflag:s30] =	ssyncset.done $0x0  }
0x130: {  	s1 =	sor.u32 $0x280, s31;
	v5 =	vand.u32 $0x7F, v5;
	v7 =	vand.u32 $0xC00, v7;
	[sflag:s30] =	ssyncadd.s32 $0xFFFFF000  }
0x131: {  	v8 =	vor.u32 v5, v7;
	v5 =	vld.idx.msk [tilespmem:v4+s1+$0x0], $0xffff  }
0x132: {  	s0 =	simm.s32 $0x10;
	v7 =	vor.u32 v2, v8;
	v4 =	vld.idx.msk [tilespmem:v6+s1+$0x0], $0xffff;
	v6 =	vor.u32 v3, v8;
	s1 =	simm.s32 $0x0  }
.LBB2_2:
0x133: {  	_ =	sdelay $0x2  }
0x134: {  	s19 =	simm.s32 $0x18280;
	s25 =	sadd.s32 $0x10, s25  }
0x135: {  	s1 =	sadd.s32 $0x1, s1;
	[dreg:$0x4] =	wrdreg s25;
	[tilespmem:v7+s19+$0x0] =	vst.idx.msk $0xffff, v5  }
0x136: {  	s17 =	smov.u32 s0;
	s26 =	sadd.s32 $0x10, s0;
	[dreg:$0x6] =	wrdreg s1;
	[tilespmem:v6+s19+$0x0] =	vst.idx.msk $0xffff, v4  }
0x137: {  	[dreg:$0x5] =	wrdreg s26;
	p2 =	seq.s32 s17, $0x1F0;
	v6 =	vld [tilespmem:s25+$0xFFFFFFF0]  }
0x138: {  	p0 =	sne.s32 s26, $0x200;
	p1 =	sgt.u32 s1, $0x1D;
	s4 =	sadd.s32 @!p2 $0x17, s17;
	v4 =	vld [tilespmem:s25+$0xFFFFFFE0]  }
0x139: {  	s14 =	smul.u32 $0xAAAB, s17;
	s5 =	sadd.s32 @!p2 $0x18, s17;
	s0 =	sand.u32 @!p2 $0xFFFF, s4  }
0x13a: {  	s8 =	sadd.s32 @!p2 $0x19, s17;
	s3 =	sand.u32 @!p2 $0xFFFF, s5;
	s0 =	smul.u32 @!p2 $0xAAAB, s0  }
0x13b: {  	s2 =	sadd.s32 @!p2 $0x1A, s17;
	s6 =	sand.u32 @!p2 $0xFFFF, s8;
	s7 =	smul.u32 @!p2 $0xAAAB, s3  }
0x13c: {  	s1 =	sadd.s32 @!p2 $0x1B, s17;
	s9 =	sand.u32 @!p2 $0xFFFF, s2;
	s12 =	smul.u32 @!p2 $0xAAAB, s6;
	(v2sf) =	vpush @!p2 v6, $0x7  }
0x13d: {  	s28 =	sshrl.u32 s14, $0x14;
	s3 =	sadd.s32 @!p2 $0x1C, s17;
	s9 =	smul.u32 @!p2 $0xAAAB, s9;
	(v2sf) =	vpush v4, $0x0  }
0x13e: {  	s10 =	simm.s32 @!p2 $0x7A1400;
	s21 =	smul.u32 $0x18, s28;
	s6 =	sand.u32 @!p2 $0xFFFF, s3;
	(v2sf) =	vpush v4, $0x1  }
0x13f: {  	s15 =	simm.s32 @!p2 $0x400;
	s0 =	sshrl.u32 @!p2 s0, $0x14;
	s6 =	smul.u32 @!p2 $0xAAAB, s6  }
0x140: {  	s11 =	sand.u32 @!p2 $0xFFFF, s1;
	s12 =	sshrl.u32 @!p2 s12, $0x14;
	s13 =	smul.u32 @!p2 $0x18, s0  }
0x141: {  	s21 =	ssub.s32 s17, s21;
	s0 =	sshrl.u32 @!p2 s7, $0x14;
	s12 =	smul.u32 @!p2 $0x18, s12;
	(v2sf) =	vpush @!p2 v6, $0x8  }
0x142: {  	s21 =	sand.u32 $0xFFFF, s21;
	s7 =	smul.u32 @!p2 $0x18, s0;
	s0 =	sadd.s32 @!p2 $0x1D, s17;
	(v2sf) =	vpush @!p2 v6, $0x9  }
0x143: {  	s29 =	sadd.s32 $0x1, s21;
	s30 =	sshll.u32 s21, $0xC;
	s6 =	sshrl.u32 @!p2 s6, $0x14  }
0x144: {  	s13 =	ssub.s32 @!p2 s4, s13;
	s4 =	sand.u32 @!p2 $0xFFFF, s0;
	s8 =	ssub.s32 @!p2 s8, s12  }
0x145: {  	s12 =	sshrl.u32 @!p2 s9, $0x14;
	s16 =	sor.u32 $0x280, s30;
	s6 =	smul.u32 @!p2 $0x18, s6;
	(v2sf) =	vpush v4, $0x2  }
0x146: {  	s13 =	sand.u32 @!p2 $0xFFFF, s13;
	s18 =	sand.u32 @!p2 $0xFFFF, s8;
	s8 =	smul.u32 @!p2 $0xAAAB, s11;
	(v2sf) =	vpush @!p2 v6, $0xA  }
0x147: {  	s5 =	ssub.s32 @!p2 s5, s7;
	s26 =	smul.u32 @!p2 $0x18, s12;
	s7 =	sshll.u32 @!p2 s13, $0xC  }
0x148: {  	s13 =	sadd.s32 @!p2 $0x1, s13;
	s5 =	sand.u32 @!p2 $0xFFFF, s5;
	s14 =	sshll.u32 @!p2 s18, $0xC  }
0x149: {  	s9 =	sadd.s32 @!p2 $0x1, s18;
	s3 =	ssub.s32 @!p2 s3, s6;
	s20 =	sor.u32 @!p2 $0x280, s7;
	(v2sf) =	vpush v4, $0x3  }
0x14a: {  	s7 =	sshll.u32 @!p2 s5, $0xC;
	s5 =	sadd.s32 @!p2 $0x1, s5;
	s11 =	sor.u32 @!p2 $0x280, s14;
	(v2sf) =	vpush @!p2 v6, $0xB  }
0x14b: {  	s14 =	sadd.s32 $0x1, s17;
	s2 =	ssub.s32 @!p2 s2, s26;
	s22 =	spop @!p2 (v2sf)  }
0x14c: {  	s3 =	sand.u32 @!p2 $0xFFFF, s3;
	v7 =	vmov s14;
	s22 =	sand.u32 @!p2 $0xFFFFF80, s22;
	s24 =	spop (v2sf)  }
0x14d: {  	v8 =	vand.u32 $0x71, v7;
	s22 =	sadd.s32 @!p2 s23, s22;
	s24 =	sand.u32 $0x7F, s24;
	s31 =	spop (v2sf)  }
0x14e: {  	v5 =	vld [tilespmem:s25+$0x0];
	v7 =	vshll.u32 v7, $0x3;
	(v2sf) =	vpush v4, $0x4;
	[tilespmem:s20], [sflag:s13] =	stream.strided.gather @!p2 [hbm4b:s22+s15], $0x1000, s10, s15, $0x38;
	v9 =	vor.u32 s24, v0  }
0x14f: {  	v11 =	vmov s17;
	s7 =	sor.u32 @!p2 $0x280, s7;
	s2 =	sand.u32 @!p2 $0xFFFF, s2;
	v7 =	vand.u32 $0xC00, v7;
	v10 =	vor.u32 s24, v1;
	_ =	swait.ge [sflag:s29], $0x1000  }
0x150: {  	s18 =	smul.u32 $0xAAAB, s14;
	s26 =	sshll.u32 @!p2 s2, $0xC;
	v7 =	vor.u32 v8, v7;
	v8 =	vshll.u32 v11, $0x3;
	s22 =	spop @!p2 (v2sf);
	(v2sf) =	vpush @!p2 v6, $0xC  }
0x151: {  	v11 =	vand.u32 $0x70, v11;
	v8 =	vand.u32 $0xC00, v8;
	s10 =	simm.s32 @!p2 $0x400;
	[sflag:s29] =	ssyncset.done $0x0;
	s24 =	spop @!p2 (v2sf);
	(v2sf) =	vpush v4, $0x5  }
0x152: {  	v8 =	vor.u32 v11, v8;
	s15 =	simm.s32 @!p2 $0x7A1400;
	s21 =	sand.u32 $0x7F, s31;
	[sflag:s29] =	ssyncadd.s32 $0xFFFFF000  }
0x153: {  	v11 =	vor.u32 v2, v8;
	s22 =	sand.u32 @!p2 $0xFFFFF80, s22;
	s29 =	sshrl.u32 s18, $0x14;
	s18 =	sadd.s32 $0x2, s17;
	v9 =	vld.idx.msk [tilespmem:v9+s16+$0x0], $0xffff  }
0x154: {  	v8 =	vor.u32 v3, v8;
	s13 =	sand.u32 @!p2 $0xFFFFF80, s24;
	s28 =	spop (v2sf);
	(v2sf) =	vpush @!p2 v6, $0xD;
	s24 =	sshrl.u32 @!p2 s8, $0x14;
	v10 =	vld.idx.msk [tilespmem:v10+s16+$0x0], $0xffff  }
0x155: {  	s25 =	sand.u32 $0x7F, s28;
	s12 =	spop @!p2 (v2sf);
	(v2sf) =	vpush v4, $0x6;
	s28 =	smul.u32 $0x18, s29  }
0x156: {  	s22 =	sadd.s32 @!p2 s23, s22;
	s20 =	sadd.s32 @!p2 s23, s13;
	s29 =	sadd.s32 @!p2 $0x1, s2  }
0x157: {  	s24 =	smul.u32 @!p2 $0x18, s24;
	s12 =	sand.u32 @!p2 $0xFFFFF80, s12;
	s14 =	ssub.s32 s14, s28  }
0x158: {  	s30 =	spop (v2sf);
	s12 =	sadd.s32 @!p2 s23, s12;
	s14 =	sand.u32 $0xFFFF, s14;
	[tilespmem:v11+s19+$0x0] =	vst.idx.msk $0xffff, v9  }
0x159: {  	s13 =	sand.u32 $0x7F, s30;
	s8 =	spop @!p2 (v2sf);
	s31 =	sadd.s32 $0x1, s14;
	[tilespmem:v8+s19+$0x0] =	vst.idx.msk $0xffff, v10;
	v8 =	vor.u32 s21, v0  }
0x15a: {  	v42 =	vor.u32 s21, v1;
	[tilespmem:s7], [sflag:s5] =	stream.strided.gather @!p2 [hbm4b:s22+s10], $0x1000, s15, s10, $0x38;
	[tilespmem:$0x1C280] =	vst v63  }
0x15b: {  	s28 =	smul.u32 $0xAAAB, s18;
	s1 =	ssub.s32 @!p2 s1, s24;
	_ =	swait.ge [sflag:s31], $0x1000  }
0x15c: {  	s8 =	sand.u32 @!p2 $0xFFFFF80, s8;
	s30 =	sshll.u32 s14, $0xC;
	[sflag:s31] =	ssyncset.done $0x0  }
0x15d: {  	s16 =	sor.u32 $0x280, s30;
	s5 =	spop (v2sf);
	(v2sf) =	vpush @!p2 v6, $0xE;
	[sflag:s31] =	ssyncadd.s32 $0xFFFFF000  }
0x15e: {  	s1 =	sand.u32 @!p2 $0xFFFF, s1;
	s14 =	sor.u32 @!p2 $0x280, s26;
	s31 =	sshrl.u32 s28, $0x14;
	v8 =	vld.idx.msk [tilespmem:v8+s16+$0x0], $0xffff  }
0x15f: {  	v43 =	vor.u32 v2, v7;
	s21 =	sadd.s32 @!p2 $0x1E, s17;
	v9 =	vld.idx.msk [tilespmem:v42+s16+$0x0], $0xffff;
	s16 =	smul.u32 $0x18, s31;
	s26 =	spop @!p2 (v2sf);
	(v2sf) =	vpush v4, $0x7  }
0x160: {  	v7 =	vor.u32 v3, v7;
	s7 =	sadd.s32 @!p2 s23, s8;
	s22 =	sadd.s32 @!p2 $0x1, s1;
	s30 =	spop (v2sf);
	(v2sf) =	vpush @!p1 v5, $0x0  }
0x161: {  	v44 =	vmov s18;
	s8 =	sand.u32 $0x7F, s5;
	s2 =	sand.u32 @!p2 $0xFFFFF80, s26;
	s18 =	ssub.s32 s18, s16  }
0x162: {  	s26 =	sshll.u32 @!p2 s1, $0xC;
	s2 =	sadd.s32 @!p2 s23, s2;
	s5 =	sand.u32 $0x7F, s30  }
0x163: {  	s28 =	spop @!p2 (v2sf);
	s31 =	sand.u32 $0xFFFF, s18;
	s24 =	sor.u32 @!p2 $0x280, s26  }
0x164: {  	s30 =	spop (v2sf);
	s16 =	sadd.s32 $0x1, s31;
	s1 =	sshll.u32 s31, $0xC;
	[tilespmem:v43+s19+$0x0] =	vst.idx.msk $0xffff, v8  }
0x165: {  	s6 =	sand.u32 @!p2 $0xFFFFF80, s28;
	s18 =	sor.u32 $0x280, s1;
	s1 =	sadd.s32 @!p2 $0x1, s3;
	[tilespmem:v7+s19+$0x0] =	vst.idx.msk $0xffff, v9;
	v7 =	vor.u32 s25, v0  }
0x166: {  	v8 =	vor.u32 s25, v1;
	[tilespmem:s11], [sflag:s9] =	stream.strided.gather @!p2 [hbm4b:s20+s10], $0x1000, s15, s10, $0x38;
	[tilespmem:$0x1C280] =	vst v63  }
0x167: {  	v12 =	vshll.u32 v44, $0x3;
	s25 =	sadd.s32 @!p2 s23, s6;
	s6 =	sand.u32 @!p2 $0xFFFF, s21;
	_ =	swait.ge [sflag:s16], $0x1000  }
0x168: {  	v12 =	vand.u32 $0xC00, v12;
	v11 =	vand.u32 $0x72, v44;
	s20 =	sshll.u32 @!p2 s3, $0xC;
	s3 =	smul.u32 @!p2 $0xAAAB, s4;
	(v2sf) =	vpush @!p2 v6, $0xF;
	[sflag:s16] =	ssyncset.done $0x0  }
0x169: {  	v11 =	vor.u32 v11, v12;
	s26 =	sadd.s32 $0x3, s17;
	s6 =	smul.u32 @!p2 $0xAAAB, s6;
	(v2sf) =	vpush v4, $0x8;
	[sflag:s16] =	ssyncadd.s32 $0xFFFFF000  }
0x16a: {  	s31 =	smul.u32 $0xAAAB, s26;
	s28 =	sand.u32 $0x7F, s30;
	s3 =	sshrl.u32 @!p2 s3, $0x14;
	v6 =	vld.idx.msk [tilespmem:v7+s18+$0x0], $0xffff;
	v7 =	vor.u32 v2, v11;
	(v2sf) =	vpush @!p1 v5, $0x1  }
0x16b: {  	v46 =	vor.u32 v3, v11;
	s20 =	sor.u32 @!p2 $0x280, s20;
	s6 =	sshrl.u32 @!p2 s6, $0x14;
	s3 =	smul.u32 @!p2 $0x18, s3;
	v8 =	vld.idx.msk [tilespmem:v8+s18+$0x0], $0xffff  }
0x16c: {  	s16 =	sshrl.u32 s31, $0x14;
	s6 =	smul.u32 @!p2 $0x18, s6;
	s11 =	spop @!p2 (v2sf)  }
0x16d: {  	s18 =	smul.u32 $0x18, s16;
	s16 =	sadd.s32 $0x4, s17;
	s11 =	sand.u32 @!p2 $0xFFFFF80, s11  }
0x16e: {  	s0 =	ssub.s32 @!p2 s0, s3;
	s11 =	sadd.s32 @!p2 s23, s11;
	s30 =	spop (v2sf)  }
0x16f: {  	s9 =	ssub.s32 s26, s18;
	[dreg:$0xd] =	wrdreg s11;
	[tilespmem:v7+s19+$0x0] =	vst.idx.msk $0xffff, v6;
	s11 =	spop @!p1 (v2sf)  }
0x170: {  	s6 =	ssub.s32 @!p2 s21, s6;
	s9 =	sand.u32 $0xFFFF, s9;
	[tilespmem:v46+s19+$0x0] =	vst.idx.msk $0xffff, v8;
	s3 =	sand.u32 @!p1 $0xFFFFF80, s11  }
0x171: {  	v6 =	vor.u32 s13, v0;
	[tilespmem:s14], [sflag:s29] =	stream.strided.gather @!p2 [hbm4b:s12+s10], $0x1000, s15, s10, $0x38;
	[tilespmem:$0x1C280] =	vst v63  }
0x172: {  	v45 =	vmov s26;
	s18 =	smul.u32 $0xAAAB, s16;
	s31 =	sadd.s32 $0x1, s9;
	v7 =	vor.u32 s13, v1;
	(v2sf) =	vpush v4, $0x9;
	[dreg:$0x7] =	wrdreg s3  }
0x173: {  	v47 =	vshll.u32 v45, $0x3;
	s0 =	sand.u32 @!p2 $0xFFFF, s0;
	s9 =	sshll.u32 s9, $0xC;
	_ =	swait.ge [sflag:s31], $0x1000  }
0x174: {  	v9 =	vand.u32 $0x73, v45;
	v11 =	vand.u32 $0xC00, v47;
	s9 =	sor.u32 $0x280, s9;
	s29 =	sshrl.u32 s18, $0x14;
	[sflag:s31] =	ssyncset.done $0x0  }
0x175: {  	v9 =	vor.u32 v9, v11;
	s4 =	sand.u32 $0x7F, s30;
	s30 =	smul.u32 $0x18, s29;
	(v2sf) =	vpush @!p1 v5, $0x2;
	[sflag:s31] =	ssyncadd.s32 $0xFFFFF000  }
0x176: {  	s21 =	sadd.s32 @!p2 $0x1F, s17;
	s6 =	sand.u32 @!p2 $0xFFFF, s6;
	v8 =	vor.u32 v2, v9;
	s11 =	sshll.u32 @!p2 s0, $0xC;
	v6 =	vld.idx.msk [tilespmem:v6+s9+$0x0], $0xffff  }
0x177: {  	v9 =	vor.u32 v3, v9;
	s0 =	sadd.s32 @!p2 $0x1, s0;
	s3 =	ssub.s32 s16, s30;
	v7 =	vld.idx.msk [tilespmem:v7+s9+$0x0], $0xffff;
	s12 =	spop @!p2 (v2sf)  }
0x178: {  	s18 =	sadd.s32 $0x5, s17;
	s3 =	sand.u32 $0xFFFF, s3;
	s26 =	spop (v2sf)  }
0x179: {  	s31 =	sadd.s32 $0x1, s3;
	s3 =	sshll.u32 s3, $0xC;
	s13 =	spop @!p1 (v2sf)  }
0x17a: {  	s14 =	sor.u32 @!p2 $0x280, s11;
	s3 =	sor.u32 $0x280, s3;
	(v2sf) =	vpush v4, $0xA;
	s13 =	sand.u32 @!p1 $0xFFFFF80, s13  }
0x17b: {  	s9 =	sand.u32 @!p2 $0xFFFFF80, s12;
	(v2sf) =	vpush @!p1 v5, $0x3;
	[dreg:$0x8] =	wrdreg s13;
	[tilespmem:v8+s19+$0x0] =	vst.idx.msk $0xffff, v6;
	s13 =	sand.u32 @!p2 $0xFFFF, s21  }
0x17c: {  	s11 =	sadd.s32 @!p2 s23, s9;
	s12 =	sand.u32 $0x7F, s26;
	v6 =	vor.u32 s8, v0;
	[tilespmem:v9+s19+$0x0] =	vst.idx.msk $0xffff, v7;
	s13 =	smul.u32 @!p2 $0xAAAB, s13  }
0x17d: {  	v7 =	vor.u32 s8, v1;
	[tilespmem:s24], [sflag:s22] =	stream.strided.gather @!p2 [hbm4b:s7+s10], $0x1000, s15, s10, $0x38;
	[tilespmem:$0x1C280] =	vst v63  }
0x17e: {  	s24 =	smul.u32 $0xAAAB, s18;
	_ =	swait.ge [sflag:s31], $0x1000;
	s7 =	sshrl.u32 @!p2 s13, $0x14  }
0x17f: {  	v48 =	vmov s16;
	s9 =	sshll.u32 @!p2 s6, $0xC;
	[sflag:s31] =	ssyncset.done $0x0;
	s7 =	smul.u32 @!p2 $0x18, s7  }
0x180: {  	v49 =	vshll.u32 v48, $0x3;
	s6 =	sadd.s32 @!p2 $0x1, s6;
	s13 =	sshrl.u32 s24, $0x14;
	[sflag:s31] =	ssyncadd.s32 $0xFFFFF000  }
0x181: {  	v10 =	vand.u32 $0x74, v48;
	v11 =	vand.u32 $0xC00, v49;
	s16 =	spop (v2sf);
	s26 =	smul.u32 $0x18, s13;
	v6 =	vld.idx.msk [tilespmem:v6+s3+$0x0], $0xffff;
	s7 =	ssub.s32 @!p2 s21, s7  }
0x182: {  	v10 =	vor.u32 v10, v11;
	s9 =	sor.u32 @!p2 $0x280, s9;
	s30 =	sand.u32 $0x7F, s16;
	v7 =	vld.idx.msk [tilespmem:v7+s3+$0x0], $0xffff;
	s3 =	sand.u32 @!p2 $0xFFFF, s7  }
0x183: {  	v50 =	vmov s18;
	v8 =	vor.u32 v2, v10;
	(v2sf) =	vpush v4, $0xB;
	s7 =	sadd.s32 @!p1 $0x20, s17;
	s8 =	ssub.s32 s18, s26;
	s18 =	smov.u32 s23  }
0x184: {  	v10 =	vor.u32 v3, v10;
	s26 =	sadd.s32 $0x6, s17;
	s21 =	spop @!p1 (v2sf);
	s22 =	sshll.u32 @!p2 s3, $0xC  }
0x185: {  	(v2sf) =	vpush @!p1 v5, $0x4;
	s3 =	sadd.s32 @!p2 $0x1, s3;
	s8 =	sand.u32 $0xFFFF, s8;
	s21 =	sand.u32 @!p1 $0xFFFFF80, s21  }
0x186: {  	s13 =	sor.u32 @!p2 $0x280, s22;
	s22 =	sadd.s32 @!p1 $0x21, s17;
	s16 =	sadd.s32 @!p1 s23, s21  }
0x187: {  	s21 =	sand.u32 @!p1 $0xFFFF, s7;
	s24 =	sand.u32 @!p1 $0xFFFF, s22;
	[dreg:$0xa] =	wrdreg s16  }
0x188: {  	s21 =	smul.u32 @!p1 $0xAAAB, s21;
	[tilespmem:v8+s19+$0x0] =	vst.idx.msk $0xffff, v6;
	s16 =	sadd.s32 $0x1, s8;
	s8 =	sshll.u32 s8, $0xC  }
0x189: {  	v6 =	vor.u32 s5, v0;
	s31 =	spop (v2sf);
	[tilespmem:v10+s19+$0x0] =	vst.idx.msk $0xffff, v7;
	v7 =	vor.u32 s5, v1;
	s5 =	smul.u32 @!p1 $0xAAAB, s24;
	s24 =	sor.u32 $0x280, s8  }
0x18a: {  	s29 =	sand.u32 $0x7F, s31;
	s31 =	spop @!p1 (v2sf);
	s21 =	sshrl.u32 @!p1 s21, $0x14  }
0x18b: {  	(v2sf) =	vpush v4, $0xC;
	[tilespmem:s20], [sflag:s1] =	stream.strided.gather @!p2 [hbm4b:s2+s10], $0x1000, s15, s10, $0x38;
	[tilespmem:$0x1C280] =	vst v63  }
0x18c: {  	_ =	swait.ge [sflag:s16], $0x1000;
	s1 =	smul.u32 @!p1 $0x18, s21;
	s2 =	sand.u32 @!p1 $0xFFFFF80, s31  }
0x18d: {  	s31 =	smul.u32 $0xAAAB, s26;
	(v2sf) =	vpush @!p1 v5, $0x5;
	[sflag:s16] =	ssyncset.done $0x0;
	s2 =	sadd.s32 @!p1 s18, s2  }
0x18e: {  	v51 =	vshll.u32 v50, $0x3;
	s5 =	sshrl.u32 @!p1 s5, $0x14;
	[dreg:$0x9] =	wrdreg s2;
	[sflag:s16] =	ssyncadd.s32 $0xFFFFF000  }
0x18f: {  	v11 =	vand.u32 $0xC00, v51;
	v9 =	vand.u32 $0x75, v50;
	s1 =	ssub.s32 @!p1 s7, s1;
	(v2sf) =	vpush v4, $0xD;
	s2 =	smul.u32 @!p1 $0x18, s5;
	s15 =	sshrl.u32 s31, $0x14;
	v6 =	vld.idx.msk [tilespmem:v6+s24+$0x0], $0xffff  }
0x190: {  	v9 =	vor.u32 v9, v11;
	v7 =	vld.idx.msk [tilespmem:v7+s24+$0x0], $0xffff;
	s1 =	sand.u32 @!p1 $0xFFFF, s1;
	s7 =	smul.u32 $0x18, s15;
	s24 =	simm.s32 @!p2 $0x7A1400  }
0x191: {  	v8 =	vor.u32 v2, v9;
	s21 =	sshll.u32 @!p1 s1, $0xC;
	s8 =	sadd.s32 @!p1 $0x1, s1;
	s2 =	ssub.s32 @!p1 s22, s2  }
0x192: {  	v9 =	vor.u32 v3, v9;
	s10 =	spop (v2sf);
	(v2sf) =	vpush @!p1 v5, $0x6;
	s1 =	sor.u32 @!p1 $0x280, s21;
	s21 =	sand.u32 @!p1 $0xFFFF, s2  }
0x193: {  	s7 =	ssub.s32 s26, s7;
	s2 =	sand.u32 $0x7F, s10;
	s20 =	sshll.u32 @!p1 s21, $0xC  }
0x194: {  	s5 =	sadd.s32 @!p1 $0x1, s21;
	s16 =	sand.u32 $0xFFFF, s7;
	s22 =	spop @!p1 (v2sf)  }
0x195: {  	s7 =	sor.u32 @!p1 $0x280, s20;
	s21 =	sshll.u32 s16, $0xC;
	s20 =	sand.u32 @!p1 $0xFFFFF80, s22  }
0x196: {  	s23 =	sadd.s32 $0x1, s16;
	[tilespmem:v8+s19+$0x0] =	vst.idx.msk $0xffff, v6;
	s21 =	sor.u32 $0x280, s21;
	s10 =	sadd.s32 @!p1 s18, s20  }
0x197: {  	v6 =	vor.u32 s28, v0;
	[tilespmem:v9+s19+$0x0] =	vst.idx.msk $0xffff, v7;
	v7 =	vor.u32 s28, v1;
	s28 =	sadd.s32 @!p1 $0x23, s17;
	[dreg:$0xb] =	wrdreg s10;
	s10 =	simm.s32 @!p2 $0x400  }
0x198: {  	[tilespmem:s14], [sflag:s0] =	stream.strided.gather @!p2 [hbm4b:s25+s10], $0x1000, s24, s10, $0x38;
	[tilespmem:$0x1C280] =	vst v63  }
0x199: {  	v52 =	vmov s26;
	s14 =	sadd.s32 @!p1 $0x22, s17;
	s0 =	sadd.s32 $0x7, s17;
	_ =	swait.ge [sflag:s23], $0x1000  }
0x19a: {  	v53 =	vshll.u32 v52, $0x3;
	s20 =	sand.u32 @!p1 $0xFFFF, s14;
	s15 =	smul.u32 $0xAAAB, s0;
	[sflag:s23] =	ssyncset.done $0x0  }
0x19b: {  	v11 =	vand.u32 $0xC00, v53;
	v10 =	vand.u32 $0x76, v52;
	s31 =	spop (v2sf);
	s20 =	smul.u32 @!p1 $0xAAAB, s20;
	[sflag:s23] =	ssyncadd.s32 $0xFFFFF000  }
0x19c: {  	v5 =	vor.u32 v10, v11;
	s26 =	sand.u32 $0x7F, s31;
	s25 =	spop @!p1 (v2sf);
	s23 =	sshrl.u32 s15, $0x14;
	v6 =	vld.idx.msk [tilespmem:v6+s21+$0x0], $0xffff  }
0x19d: {  	v8 =	vor.u32 v2, v5;
	v7 =	vld.idx.msk [tilespmem:v7+s21+$0x0], $0xffff;
	s21 =	sand.u32 @!p1 $0xFFFF, s28;
	s25 =	sand.u32 @!p1 $0xFFFFF80, s25;
	s23 =	smul.u32 $0x18, s23  }
0x19e: {  	v5 =	vor.u32 v3, v5;
	(v2sf) =	vpush v4, $0xE;
	s20 =	sshrl.u32 @!p1 s20, $0x14;
	s16 =	spop (v2sf);
	s21 =	smul.u32 @!p1 $0xAAAB, s21  }
0x19f: {  	(v2sf) =	vpush v4, $0xF;
	s20 =	smul.u32 @!p1 $0x18, s20;
	s31 =	sand.u32 $0x7F, s16;
	s22 =	ssub.s32 s0, s23  }
0x1a0: {  	v54 =	vmov s0;
	s0 =	rddreg [dreg:$0xd];
	s21 =	sshrl.u32 @!p1 s21, $0x14;
	s22 =	sand.u32 $0xFFFF, s22  }
0x1a1: {  	s14 =	ssub.s32 @!p1 s14, s20;
	s23 =	smul.u32 @!p1 $0x18, s21;
	s21 =	spop @!p1 (v2sf)  }
0x1a2: {  	s15 =	sadd.s32 $0x1, s22;
	s22 =	sshll.u32 s22, $0xC;
	s14 =	sand.u32 @!p1 $0xFFFF, s14;
	[tilespmem:v8+s19+$0x0] =	vst.idx.msk $0xffff, v6  }
0x1a3: {  	s16 =	sand.u32 @!p1 $0xFFFFF80, s21;
	s20 =	sadd.s32 @!p1 $0x1, s14;
	s22 =	sor.u32 $0x280, s22;
	[tilespmem:v5+s19+$0x0] =	vst.idx.msk $0xffff, v7  }
0x1a4: {  	v5 =	vor.u32 s4, v0;
	[tilespmem:s9], [sflag:s6] =	stream.strided.gather @!p2 [hbm4b:s0+s10], $0x1000, s24, s10, $0x38;
	[tilespmem:$0x1C280] =	vst v63  }
0x1a5: {  	v6 =	vor.u32 s4, v1;
	s4 =	sshll.u32 @!p1 s14, $0xC;
	s14 =	sadd.s32 $0x8, s17;
	s0 =	simm.s32 @!p2 $0x7A1400  }
0x1a6: {  	v55 =	vshll.u32 v54, $0x3;
	s24 =	simm.s32 @!p2 $0x400;
	s21 =	sor.u32 @!p1 $0x280, s4;
	_ =	swait.ge [sflag:s15], $0x1000  }
0x1a7: {  	v9 =	vand.u32 $0x77, v54;
	v10 =	vand.u32 $0xC00, v55;
	s4 =	ssub.s32 @!p1 s28, s23;
	s23 =	smul.u32 $0xAAAB, s14;
	[sflag:s15] =	ssyncset.done $0x0  }
0x1a8: {  	v4 =	vor.u32 v9, v10;
	s10 =	sadd.s32 @!p1 s18, s16;
	s16 =	sadd.s32 @!p1 $0x24, s17;
	[sflag:s15] =	ssyncadd.s32 $0xFFFFF000  }
0x1a9: {  	v7 =	vor.u32 v2, v4;
	s4 =	sand.u32 @!p1 $0xFFFF, s4;
	[dreg:$0xc] =	wrdreg s10;
	s28 =	sshrl.u32 s23, $0x14;
	v5 =	vld.idx.msk [tilespmem:v5+s22+$0x0], $0xffff  }
0x1aa: {  	v4 =	vor.u32 v3, v4;
	s6 =	sadd.s32 @!p1 $0x1, s4;
	s15 =	sshll.u32 @!p1 s4, $0xC;
	v6 =	vld.idx.msk [tilespmem:v6+s22+$0x0], $0xffff;
	s22 =	smul.u32 $0x18, s28  }
0x1ab: {  	s23 =	sadd.s32 @!p1 $0x25, s17;
	s9 =	sor.u32 @!p1 $0x280, s15;
	s15 =	sand.u32 @!p1 $0xFFFF, s16  }
0x1ac: {  	v8 =	vmov s14;
	s28 =	sand.u32 @!p1 $0xFFFF, s23;
	s15 =	smul.u32 @!p1 $0xAAAB, s15;
	s14 =	ssub.s32 s14, s22  }
0x1ad: {  	s22 =	smul.u32 @!p1 $0xAAAB, s28;
	s10 =	spop (v2sf);
	s14 =	sand.u32 $0xFFFF, s14  }
0x1ae: {  	s15 =	sshrl.u32 @!p1 s15, $0x14;
	s4 =	sand.u32 $0x7F, s10;
	s10 =	spop (v2sf);
	[tilespmem:v7+s19+$0x0] =	vst.idx.msk $0xffff, v5  }
0x1af: {  	s15 =	smul.u32 @!p1 $0x18, s15;
	s28 =	sand.u32 $0x7F, s10;
	s10 =	sadd.s32 $0x1, s14;
	[tilespmem:v4+s19+$0x0] =	vst.idx.msk $0xffff, v6  }
0x1b0: {  	v4 =	vor.u32 s12, v0;
	[tilespmem:s13], [sflag:s3] =	stream.strided.gather @!p2 [hbm4b:s11+s24], $0x1000, s0, s24, $0x38;
	[tilespmem:$0x1C280] =	vst v63  }
0x1b1: {  	s14 =	sshll.u32 s14, $0xC;
	v5 =	vor.u32 s12, v1;
	s3 =	ssub.s32 @!p1 s16, s15;
	s11 =	sshrl.u32 @!p1 s22, $0x14  }
0x1b2: {  	v56 =	vshll.u32 v8, $0x3;
	s24 =	sor.u32 $0x280, s14;
	s0 =	sadd.s32 $0x9, s17;
	_ =	swait.ge [sflag:s10], $0x1000  }
0x1b3: {  	v8 =	vand.u32 $0x78, v8;
	v9 =	vand.u32 $0xC00, v56;
	s3 =	sand.u32 @!p1 $0xFFFF, s3;
	s11 =	smul.u32 @!p1 $0x18, s11;
	[sflag:s10] =	ssyncset.done $0x0  }
0x1b4: {  	v8 =	vor.u32 v8, v9;
	s16 =	smul.u32 $0xAAAB, s0;
	s15 =	sshll.u32 @!p1 s3, $0xC;
	[sflag:s10] =	ssyncadd.s32 $0xFFFFF000  }
0x1b5: {  	s25 =	sadd.s32 @!p1 s18, s25;
	v6 =	vor.u32 v2, v8;
	s14 =	sadd.s32 @!p1 $0x1, s3;
	s22 =	sor.u32 @!p1 $0x280, s15;
	v4 =	vld.idx.msk [tilespmem:v4+s24+$0x0], $0xffff  }
0x1b6: {  	v8 =	vor.u32 v3, v8;
	s3 =	ssub.s32 @!p1 s23, s11;
	s23 =	smov.u32 s18;
	v5 =	vld.idx.msk [tilespmem:v5+s24+$0x0], $0xffff;
	s24 =	sshrl.u32 s16, $0x14  }
0x1b7: {  	s15 =	sadd.s32 @!p1 $0x26, s17;
	s3 =	sand.u32 @!p1 $0xFFFF, s3;
	s11 =	smul.u32 $0x18, s24  }
0x1b8: {  	s12 =	sand.u32 @!p1 $0xFFFF, s15;
	s13 =	sshll.u32 @!p1 s3, $0xC;
	s24 =	sadd.s32 @!p1 $0x1, s3  }
0x1b9: {  	s3 =	smul.u32 @!p1 $0xAAAB, s12;
	s12 =	simm.s32 @!p1 $0x7A1400;
	s10 =	ssub.s32 s0, s11  }
0x1ba: {  	v7 =	vmov s0;
	s18 =	sor.u32 @!p1 $0x280, s13;
	s0 =	rddreg [dreg:$0x7];
	s10 =	sand.u32 $0xFFFF, s10;
	[tilespmem:v6+s19+$0x0] =	vst.idx.msk $0xffff, v4  }
0x1bb: {  	s11 =	simm.s32 @!p1 $0x400;
	s13 =	sadd.s32 @!p1 s23, s0;
	s0 =	sadd.s32 $0x1, s10;
	[tilespmem:v8+s19+$0x0] =	vst.idx.msk $0xffff, v5  }
0x1bc: {  	v4 =	vor.u32 s30, v0;
	[tilespmem:s1], [sflag:s8] =	stream.strided.gather @!p1 [hbm4b:s13+s11], $0x1000, s12, s11, $0x38;
	[tilespmem:$0x1C280] =	vst v63  }
0x1bd: {  	v5 =	vor.u32 s30, v1;
	_ =	swait.ge [sflag:s0], $0x1000  }
0x1be: {  	v57 =	vshll.u32 v7, $0x3;
	[sflag:s0] =	ssyncset.done $0x0  }
0x1bf: {  	v7 =	vand.u32 $0x79, v7;
	v9 =	vand.u32 $0xC00, v57;
	s10 =	sshll.u32 s10, $0xC;
	[sflag:s0] =	ssyncadd.s32 $0xFFFFF000;
	s0 =	sadd.s32 $0xA, s17  }
0x1c0: {  	v7 =	vor.u32 v7, v9;
	s30 =	sor.u32 $0x280, s10;
	s1 =	sshrl.u32 @!p1 s3, $0x14;
	s16 =	smul.u32 $0xAAAB, s0  }
0x1c1: {  	v6 =	vor.u32 v2, v7;
	s1 =	smul.u32 @!p1 $0x18, s1;
	v4 =	vld.idx.msk [tilespmem:v4+s30+$0x0], $0xffff  }
0x1c2: {  	v7 =	vor.u32 v3, v7;
	v5 =	vld.idx.msk [tilespmem:v5+s30+$0x0], $0xffff;
	s10 =	sshrl.u32 s16, $0x14  }
0x1c3: {  	s1 =	ssub.s32 @!p1 s15, s1;
	s30 =	smul.u32 $0x18, s10  }
0x1c4: {  	s1 =	sand.u32 @!p1 $0xFFFF, s1  }
0x1c5: {  	s13 =	sshll.u32 @!p1 s1, $0xC;
	s3 =	sadd.s32 @!p1 $0x1, s1;
	s1 =	ssub.s32 s0, s30  }
0x1c6: {  	v8 =	vmov s0;
	[tilespmem:v6+s19+$0x0] =	vst.idx.msk $0xffff, v4;
	s0 =	rddreg [dreg:$0x8];
	s1 =	sand.u32 $0xFFFF, s1  }
0x1c7: {  	v4 =	vor.u32 s29, v0;
	s8 =	sadd.s32 @!p1 s23, s0;
	[tilespmem:v7+s19+$0x0] =	vst.idx.msk $0xffff, v5;
	s0 =	sadd.s32 $0x1, s1  }
0x1c8: {  	v5 =	vor.u32 s29, v1;
	[tilespmem:s7], [sflag:s5] =	stream.strided.gather @!p1 [hbm4b:s8+s11], $0x1000, s12, s11, $0x38;
	[tilespmem:$0x1C280] =	vst v63  }
0x1c9: {  	v58 =	vshll.u32 v8, $0x3;
	_ =	swait.ge [sflag:s0], $0x1000  }
0x1ca: {  	v8 =	vand.u32 $0x7A, v8;
	v9 =	vand.u32 $0xC00, v58;
	s1 =	sshll.u32 s1, $0xC;
	s8 =	sadd.s32 $0xB, s17;
	[sflag:s0] =	ssyncset.done $0x0  }
0x1cb: {  	v8 =	vor.u32 v8, v9;
	s1 =	sor.u32 $0x280, s1;
	s10 =	smul.u32 $0xAAAB, s8;
	[sflag:s0] =	ssyncadd.s32 $0xFFFFF000  }
0x1cc: {  	v6 =	vor.u32 v2, v8;
	v4 =	vld.idx.msk [tilespmem:v4+s1+$0x0], $0xffff  }
0x1cd: {  	v8 =	vor.u32 v3, v8;
	s15 =	sshrl.u32 s10, $0x14;
	v5 =	vld.idx.msk [tilespmem:v5+s1+$0x0], $0xffff  }
0x1ce: {  	s1 =	smul.u32 $0x18, s15;
	_ =	sdelay $0x1  }
0x1cf: {  	s1 =	ssub.s32 s8, s1  }
0x1d0: {  	s1 =	sand.u32 $0xFFFF, s1;
	[tilespmem:v6+s19+$0x0] =	vst.idx.msk $0xffff, v4  }
0x1d1: {  	s0 =	rddreg [dreg:$0xa];
	s16 =	sadd.s32 $0x1, s1;
	v4 =	vor.u32 s2, v0;
	[tilespmem:v8+s19+$0x0] =	vst.idx.msk $0xffff, v5  }
0x1d2: {  	v7 =	vmov s8;
	v5 =	vor.u32 s2, v1;
	[tilespmem:s21], [sflag:s20] =	stream.strided.gather @!p1 [hbm4b:s0+s11], $0x1000, s12, s11, $0x38;
	[tilespmem:$0x1C280] =	vst v63  }
0x1d3: {  	v59 =	vshll.u32 v7, $0x3;
	_ =	swait.ge [sflag:s16], $0x1000  }
0x1d4: {  	s29 =	sadd.s32 $0xC, s17;
	v7 =	vand.u32 $0x7B, v7;
	v9 =	vand.u32 $0xC00, v59;
	s1 =	sshll.u32 s1, $0xC;
	[sflag:s16] =	ssyncset.done $0x0  }
0x1d5: {  	s30 =	smul.u32 $0xAAAB, s29;
	v7 =	vor.u32 v7, v9;
	s1 =	sor.u32 $0x280, s1;
	[sflag:s16] =	ssyncadd.s32 $0xFFFFF000  }
0x1d6: {  	v6 =	vor.u32 v2, v7;
	v4 =	vld.idx.msk [tilespmem:v4+s1+$0x0], $0xffff  }
0x1d7: {  	v7 =	vor.u32 v3, v7;
	s0 =	sshrl.u32 s30, $0x14;
	v5 =	vld.idx.msk [tilespmem:v5+s1+$0x0], $0xffff  }
0x1d8: {  	s1 =	smul.u32 $0x18, s0;
	_ =	sdelay $0x1  }
0x1d9: {  	s1 =	ssub.s32 s29, s1  }
0x1da: {  	s1 =	sand.u32 $0xFFFF, s1;
	[tilespmem:v6+s19+$0x0] =	vst.idx.msk $0xffff, v4  }
0x1db: {  	s0 =	rddreg [dreg:$0x9];
	s5 =	sadd.s32 $0x1, s1;
	v4 =	vor.u32 s26, v0;
	[tilespmem:v7+s19+$0x0] =	vst.idx.msk $0xffff, v5  }
0x1dc: {  	v8 =	vmov s29;
	v5 =	vor.u32 s26, v1;
	[tilespmem:s9], [sflag:s6] =	stream.strided.gather @!p1 [hbm4b:s0+s11], $0x1000, s12, s11, $0x38;
	[tilespmem:$0x1C280] =	vst v63  }
0x1dd: {  	v60 =	vshll.u32 v8, $0x3;
	_ =	swait.ge [sflag:s5], $0x1000  }
0x1de: {  	s8 =	sadd.s32 $0xD, s17;
	v9 =	vand.u32 $0xC00, v60;
	s7 =	sshll.u32 s1, $0xC;
	v6 =	vand.u32 $0x7C, v8;
	[sflag:s5] =	ssyncset.done $0x0  }
0x1df: {  	v6 =	vor.u32 v6, v9;
	s0 =	sor.u32 $0x280, s7;
	s9 =	smul.u32 $0xAAAB, s8;
	[sflag:s5] =	ssyncadd.s32 $0xFFFFF000  }
0x1e0: {  	v7 =	vor.u32 v2, v6;
	v4 =	vld.idx.msk [tilespmem:v4+s0+$0x0], $0xffff  }
0x1e1: {  	v6 =	vor.u32 v3, v6;
	s10 =	sshrl.u32 s9, $0x14;
	v5 =	vld.idx.msk [tilespmem:v5+s0+$0x0], $0xffff  }
0x1e2: {  	s0 =	smul.u32 $0x18, s10;
	_ =	sdelay $0x1  }
0x1e3: {  	s0 =	ssub.s32 s8, s0  }
0x1e4: {  	s0 =	sand.u32 $0xFFFF, s0;
	[tilespmem:v7+s19+$0x0] =	vst.idx.msk $0xffff, v4  }
0x1e5: {  	s2 =	rddreg [dreg:$0xb];
	s15 =	sadd.s32 $0x1, s0;
	v4 =	vor.u32 s31, v0;
	[tilespmem:v6+s19+$0x0] =	vst.idx.msk $0xffff, v5  }
0x1e6: {  	v8 =	vmov s8;
	v5 =	vor.u32 s31, v1;
	[tilespmem:s22], [sflag:s14] =	stream.strided.gather @!p1 [hbm4b:s2+s11], $0x1000, s12, s11, $0x38;
	[tilespmem:$0x1C280] =	vst v63  }
0x1e7: {  	v61 =	vand.u32 $0x7D, v8;
	v8 =	vshll.u32 v8, $0x3;
	_ =	swait.ge [sflag:s15], $0x1000  }
0x1e8: {  	s16 =	sadd.s32 $0xE, s17;
	v8 =	vand.u32 $0xC00, v8;
	s0 =	sshll.u32 s0, $0xC;
	[sflag:s15] =	ssyncset.done $0x0  }
0x1e9: {  	s20 =	smul.u32 $0xAAAB, s16;
	s0 =	sor.u32 $0x280, s0;
	v6 =	vor.u32 v61, v8;
	[sflag:s15] =	ssyncadd.s32 $0xFFFFF000  }
0x1ea: {  	v7 =	vor.u32 v2, v6;
	v4 =	vld.idx.msk [tilespmem:v4+s0+$0x0], $0xffff  }
0x1eb: {  	s21 =	sshrl.u32 s20, $0x14;
	v6 =	vor.u32 v3, v6;
	v5 =	vld.idx.msk [tilespmem:v5+s0+$0x0], $0xffff  }
0x1ec: {  	s0 =	smul.u32 $0x18, s21;
	_ =	sdelay $0x1  }
0x1ed: {  	s0 =	ssub.s32 s16, s0  }
0x1ee: {  	s0 =	sand.u32 $0xFFFF, s0;
	[tilespmem:v7+s19+$0x0] =	vst.idx.msk $0xffff, v4  }
0x1ef: {  	s22 =	sadd.s32 $0x1, s0;
	v4 =	vor.u32 s4, v0;
	[tilespmem:v6+s19+$0x0] =	vst.idx.msk $0xffff, v5  }
0x1f0: {  	v8 =	vmov s16;
	v5 =	vor.u32 s4, v1;
	[tilespmem:s18], [sflag:s24] =	stream.strided.gather @!p1 [hbm4b:s25+s11], $0x1000, s12, s11, $0x38;
	[tilespmem:$0x1C280] =	vst v63  }
0x1f1: {  	v6 =	vshll.u32 v8, $0x3;
	s25 =	rddreg [dreg:$0x4];
	_ =	swait.ge [sflag:s22], $0x1000  }
0x1f2: {  	s26 =	sadd.s32 $0xF, s17;
	v62 =	vand.u32 $0x7E, v8;
	s0 =	sshll.u32 s0, $0xC;
	v6 =	vand.u32 $0xC00, v6;
	[sflag:s22] =	ssyncset.done $0x0  }
0x1f3: {  	s29 =	smul.u32 $0xAAAB, s26;
	s0 =	sor.u32 $0x280, s0;
	v6 =	vor.u32 v62, v6;
	[sflag:s22] =	ssyncadd.s32 $0xFFFFF000  }
0x1f4: {  	v7 =	vor.u32 v2, v6;
	v4 =	vld.idx.msk [tilespmem:v4+s0+$0x0], $0xffff  }
0x1f5: {  	s30 =	sshrl.u32 s29, $0x14;
	v6 =	vor.u32 v3, v6;
	v5 =	vld.idx.msk [tilespmem:v5+s0+$0x0], $0xffff  }
0x1f6: {  	s0 =	smul.u32 $0x18, s30;
	_ =	sdelay $0x1  }
0x1f7: {  	s0 =	ssub.s32 s26, s0  }
0x1f8: {  	s0 =	sand.u32 $0xFFFF, s0;
	[tilespmem:v7+s19+$0x0] =	vst.idx.msk $0xffff, v4  }
0x1f9: {  	s13 =	sor.u32 @!p1 $0x280, s13;
	s2 =	rddreg [dreg:$0xc];
	s31 =	sadd.s32 $0x1, s0;
	v4 =	vor.u32 s28, v0;
	[tilespmem:v6+s19+$0x0] =	vst.idx.msk $0xffff, v5  }
0x1fa: {  	v6 =	vor.u32 s28, v1;
	[tilespmem:s13], [sflag:s3] =	stream.strided.gather @!p1 [hbm4b:s2+s11], $0x1000, s12, s11, $0x38;
	[tilespmem:$0x1C280] =	vst v63  }
.Ltmp0:
0x1fb: {  	v8 =	vmov s26;
	_ =	swait.ge [sflag:s31], $0x1000;
	(pc) =	sbr.rel @p0 .LBB2_2-.Ltmp0, $4  }
0x1fc: {  	v63 =	vshll.u32 v8, $0x3;
	s0 =	sshll.u32 s0, $0xC;
	[sflag:s31] =	ssyncset.done $0x0  }
0x1fd: {  	v8 =	vand.u32 $0x7F, v8;
	v9 =	vand.u32 $0xC00, v63;
	s0 =	sor.u32 $0x280, s0;
	[sflag:s31] =	ssyncadd.s32 $0xFFFFF000  }
0x1fe: {  	v8 =	vor.u32 v8, v9;
	s1 =	rddreg [dreg:$0x6];
	v5 =	vld.idx.msk [tilespmem:v4+s0+$0x0], $0xffff  }
0x1ff: {  	v7 =	vor.u32 v2, v8;
	v4 =	vld.idx.msk [tilespmem:v6+s0+$0x0], $0xffff;
	s0 =	rddreg [dreg:$0x5];
	v6 =	vor.u32 v3, v8  }
0x200: {  	_ =	sdelay $0x2  }
0x201: {  	s1 =	simm.s32 $0x18280  }
0x202: {  	[tilespmem:v7+s1+$0x0] =	vst.idx.msk $0xffff, v5  }
0x203: {  	s0 =	rddreg [dreg:$0xf];
	s2 =	simm.s32 $0x1000;
	s3 =	simm.s32 $0x20000;
	[tilespmem:v6+s1+$0x0] =	vst.idx.msk $0xffff, v4  }
0x204: {  	[hbm4b:s0+s2] =	stream.strided.scatter [tilespmem:s1], [sflag:$0x19], $0x4000, s3, s2, $0x38;
	[tilespmem:$0x1C280] =	vst v63  }
0x205: {  	s1 =	simm.s32 $0x19  }
0x206: {  	_ =	swait.ge [sflag:s1], $0x4000  }
0x207: {  	s30 =	rddreg [dreg:$0x11]  }
0x208: {  	s31 =	rddreg [dreg:$0x10];
	s2 =	sadd.s32 $0x1, s30  }
0x209: {  	p0 =	sne.s32 s2, s31  }
.Ltmp1:
0x20a: {  	_ = 	snop;
	(pc) =	sbr.rel @p0 .LBB2_1-.Ltmp1, $3  }
0x20b: {  	_ =	sdelay $0x1  }
0x20c: {  	[sflag:s1] =	ssyncset.done $0x0  }
0x20d: {  	[sflag:s1] =	ssyncadd.s32 $0xFFFFC000  }
0x20e: {  	_ =	sfence.sel $0x180000  }
0x20f: {  	[bflag:$0x0] =	sbarrier.arrive $0xFFFF  }
0x210: {  	_ =	strace $0x90000047  }
0x211: {  	s0 =	stileid.u32;
	[bflag:$0x2] =	sbarrier.arrive $0xFFFF  }
0x212: {  	p0 =	sne.s32 s0, $0x0;
	s0 =	rddreg [dreg:$0x3]  }
0x213: {  	s0 =	sadd.s32 @!p0 $0x100000, s0  }
0x214: {  	[sflag:s0] =	ssyncadd.tile.s32 @!p0 $0x1;
	_ =	shalt  }
.Lfunc_end2:
_tile_overlayer_lowered:
.L_overlay_start_2:
0x215: {  	(tag) =	ssettag $0x2  }
0x216: {  	s0 =	rddreg [dreg:$0x0];
	s2 =	stileid.u32  }
0x217: {  	s1 =	rddreg [dreg:$0x1];
	p0 =	sne.s32 s2, $0x0  }
0x218: {  	s3 =	rddreg [dreg:$0x2];
	[bflag:$0x3] =	sbarrier.arrive $0xFFFF;
	s2 =	simm.s32 @!p0 $0x1C19  }
0x219: {  	[timem:s3], [sflag:s2] =	dma.local @!p0 [hbm:s0], s1  }
0x21a: {  	s0 =	simm.s32 @!p0 $0x19  }
0x21b: {  	_ =	swait.ge @!p0 [sflag:s0], s1  }
0x21c: {  	s1 =	ssub.s32 @!p0 $0x0, s1;
	[sflag:s0] =	ssyncset.done @!p0 $0x0  }
0x21d: {  	[sflag:s0] =	ssyncadd.s32 @!p0 s1  }
0x21e: {  	[bflag:$0x3] =	sbarrier.arrive $0xFFFF  }
0x21f: {  	_ =	shalt  }

</sc_bundles>
